<compile_context>
chip_gen: v7x
topology: tpu7x:2x2x1
jax: 0.10.2.dev20260603
libtpu: 0.0.44.dev20260713+nightly
codegen_flags: <defaults>
</compile_context>

<pallas_src>
import functools

import jax
import jax.numpy as jnp
from jax import lax
from jax.experimental import pallas as pl
from jax.experimental.pallas import tpu as pltpu
from jax.experimental.pallas import tpu_sc as plsc

_D = 64
_DP = 128
_NB = 4096 * 200
_NC, _NS = 2, 16
_NW = _NC * _NS
_BPW = _NB // _NW
_C = 160
_NBUF = 2
_NCHUNK = _BPW // _C
_NROUNDS = _NCHUNK // _NBUF

_mesh = plsc.VectorSubcoreMesh(core_axis_name="c", subcore_axis_name="s")


@functools.partial(
    pl.kernel,
    out_type=jax.ShapeDtypeStruct((_NB, _D), jnp.float32),
    mesh=_mesh,
    scratch_types=[
        pltpu.VMEM((_BPW,), jnp.int32),
        pltpu.VMEM((_NBUF, _C, _DP), jnp.float32),
        pltpu.VMEM((_NBUF, _C, _D), jnp.float32),
        pltpu.SemaphoreType.DMA((_NBUF,)),
        pltpu.SemaphoreType.DMA((_NBUF,)),
    ],
)
def _gather_kernel(idx_hbm, table_hbm, out_hbm, idx_v, rows128, rows64,
                   sem_g, sem_s):
    wid = lax.axis_index("s") * _NC + lax.axis_index("c")
    base = wid * _BPW
    pltpu.sync_copy(idx_hbm.at[pl.ds(base, _BPW)], idx_v)

    def g_desc(c, b):
        return pltpu.make_async_copy(
            table_hbm.at[idx_v.at[pl.ds(c * _C, _C)]], rows128.at[b],
            sem_g.at[b])

    def s_desc(c, b):
        return pltpu.make_async_copy(
            rows64.at[b], out_hbm.at[pl.ds(base + c * _C, _C)], sem_s.at[b])

    def compact(b):
        def r_body(r8, carry):
            for r0 in range(8):
                r = r8 * 8 + r0
                for g in range(_D // 16):
                    rows64[b, r, pl.ds(16 * g, 16)] = (
                        rows128[b, r, pl.ds(16 * g, 16)])
            return carry

        lax.fori_loop(0, _C // 8, r_body, 0)

    for b in range(_NBUF):
        g_desc(b, b).start()

    def round_body(r, carry):
        c0 = r * _NBUF
        for b in range(_NBUF):
            g_desc(c0 + b, b).wait()
            compact(b)
            s_desc(c0 + b, b).start()
        for b in range(_NBUF):
            s_desc(c0 + b, b).wait()
            g_desc(c0 + _NBUF + b, b).start()
        return carry

    lax.fori_loop(0, _NROUNDS - 1, round_body, 0)

    c0 = (_NROUNDS - 1) * _NBUF
    for b in range(_NBUF):
        g_desc(c0 + b, b).wait()
        compact(b)
        s_desc(c0 + b, b).start()
    for b in range(_NBUF):
        s_desc(c0 + b, b).wait()


def kernel(x, table):
    idx = x.reshape(-1)
    tp = jnp.pad(table, ((0, 0), (0, _DP - _D)))
    out = _gather_kernel(idx, tp)
    return out.reshape(x.shape + (table.shape[1],))

# --- scband reference (transcript-rebuilt; emitter-appended) ---
"""Pipeline reference for scband-actionand-ro-peembedding-22170621182052 (READ-ONLY COPY).

The authoritative reference and input builder live on the scoring server;
editing this copy changes nothing except your own understanding.
"""

import jax, jax.numpy as jnp
import numpy as np

VOCAB = 1000000
EMBED_DIM = 64
BATCH = 4096
HIST = 200

def setup_inputs(seed: int = 0) -> dict:
    key = jax.random.key(seed)
    k1, k2 = jax.random.split(key)
    x = jax.random.randint(k1, (BATCH, HIST), 0, VOCAB, dtype=jnp.int64 if jax.config.jax_enable_x64 else jnp.int32)
    # nn.Embedding default init: N(0, 1)
    table = jax.random.normal(k2, (VOCAB, EMBED_DIM), dtype=jnp.float32)
    return {"x": x, "table": table}

def reference(x, table):
    # forward(x) = self.action_emb(x)  -> embedding gather
    return jnp.take(table, x, axis=0)

if __name__ == "__main__":
    import jax
    _d = setup_inputs()
    print(jax.jit(kernel)(*tuple(_d.values())))

</pallas_src>

<mosaic_0001>
#map = affine_map<(d0, d1) -> (0)>
#map1 = affine_map<(d0, d1) -> (0, 0)>
module attributes {stable_mosaic.version = 14 : i64} {
  func.func @_gather_kernel(%arg0: i32, %arg1: i32, %arg2: memref<819200xi32, #tpu.memory_space<hbm>>, %arg3: memref<1000000x128xf32, #tpu.memory_space<hbm>>, %arg4: memref<819200x64xf32, #tpu.memory_space<hbm>>, %arg5: memref<25600xi32, #tpu.memory_space<vmem>>, %arg6: memref<2x160x128xf32, #tpu.memory_space<vmem>>, %arg7: memref<2x160x64xf32, #tpu.memory_space<vmem>>, %arg8: memref<2x!tpu.dma_semaphore, #tpu.memory_space<semaphore_mem>>, %arg9: memref<2x!tpu.dma_semaphore, #tpu.memory_space<semaphore_mem>>) attributes {dimension_semantics = [#tpu.dimension_semantics<core_parallel>, #tpu.dimension_semantics<subcore_parallel>], iteration_bounds = array<i64: 2, 16>, scalar_prefetch = 0 : i64, scratch_operands = 5 : i64, tpu.core_type = #tpu.core_type<sc_vector_subcore>, window_params = [{transform_indices = #map}, {transform_indices = #map1}, {transform_indices = #map1}]} {
    %mul3A = arith.constant 2 : i32
    %mul3A_0 = arith.muli %arg1, %mul3A : i32
    %add3A = arith.addi %mul3A_0, %arg0 : i32
    %mul3A_1 = arith.constant 25600 : i32
    %mul3A_2 = arith.muli %add3A, %mul3A_1 : i32
    "tpu.region"() ({
      %run_scoped3A = tpu.sem_alloc : memref<!tpu.dma_semaphore, #tpu.memory_space<semaphore_mem>>
      %dma_start3A_142 = tpu.memref_slice %arg2[%mul3A_2] : memref<819200xi32, #tpu.memory_space<hbm>> -> memref<25600xi32, #tpu.memory_space<hbm>>
      %dma_start3A_143 = tpu.memref_slice %arg2[%mul3A_2] : memref<819200xi32, #tpu.memory_space<hbm>> -> memref<25600xi32, #tpu.memory_space<hbm>>
      tpu.enqueue_dma source(%dma_start3A_143 : memref<25600xi32, #tpu.memory_space<hbm>>) target(%arg5 : memref<25600xi32, #tpu.memory_space<vmem>>) target_semaphore(%run_scoped3A : memref<!tpu.dma_semaphore, #tpu.memory_space<semaphore_mem>>)
      %dma_wait3A_144 = tpu.memref_slice %arg2[%mul3A_2] : memref<819200xi32, #tpu.memory_space<hbm>> -> memref<25600xi32, #tpu.memory_space<hbm>>
      %dma_wait3A_145 = tpu.memref_slice %arg2[%mul3A_2] : memref<819200xi32, #tpu.memory_space<hbm>> -> memref<25600xi32, #tpu.memory_space<hbm>>
      tpu.wait_dma2 semaphore(%run_scoped3A : memref<!tpu.dma_semaphore, #tpu.memory_space<semaphore_mem>>) src(%dma_wait3A_145 : memref<25600xi32, #tpu.memory_space<hbm>>) dst(%arg5 : memref<25600xi32, #tpu.memory_space<vmem>>)
      tpu.yield
    }) : () -> ()
    %dma_start3A = arith.constant 0 : i32
    %dma_start3A_3 = arith.constant 0 : i32
    %dma_start3A_4 = arith.constant 0 : i32
    %dma_start3A_5 = arith.constant 0 : i32
    %dma_start3A_6 = tpu.memref_slice %arg6[%dma_start3A, %dma_start3A_4, %dma_start3A_5] : memref<2x160x128xf32, #tpu.memory_space<vmem>> -> memref<1x160x128xf32, #tpu.memory_space<vmem>>
    %dma_start3A_7 = tpu.memref_squeeze %dma_start3A_6 : memref<1x160x128xf32, #tpu.memory_space<vmem>> -> memref<160x128xf32, #tpu.memory_space<vmem>>
    %dma_start3A_8 = arith.constant 0 : i32
    %dma_start3A_9 = tpu.memref_slice %arg5[%dma_start3A_8] : memref<25600xi32, #tpu.memory_space<vmem>> -> memref<160xi32, #tpu.memory_space<vmem>>
    %dma_start3A_10 = arith.constant 0 : i32
    %dma_start3A_11 = arith.constant 0 : i32
    %dma_start3A_12 = tpu.memref_slice %arg3[%dma_start3A_10, %dma_start3A_11] : memref<1000000x128xf32, #tpu.memory_space<hbm>> -> memref<1000000x128xf32, #tpu.memory_space<hbm>>
    %dma_start3A_13 = tpu.memref_slice %arg8[%dma_start3A_3] : memref<2x!tpu.dma_semaphore, #tpu.memory_space<semaphore_mem>> -> memref<1x!tpu.dma_semaphore, #tpu.memory_space<semaphore_mem>>
    %dma_start3A_14 = tpu.memref_squeeze %dma_start3A_13 : memref<1x!tpu.dma_semaphore, #tpu.memory_space<semaphore_mem>> -> memref<!tpu.dma_semaphore, #tpu.memory_space<semaphore_mem>>
    tpu.enqueue_indirect_dma source(%dma_start3A_12 : memref<1000000x128xf32, #tpu.memory_space<hbm>>) target(%dma_start3A_7 : memref<160x128xf32, #tpu.memory_space<vmem>>) offsets(%dma_start3A_9 : memref<160xi32, #tpu.memory_space<vmem>>) semaphore(%dma_start3A_14 : memref<!tpu.dma_semaphore, #tpu.memory_space<semaphore_mem>>)
    %dma_start3A_15 = arith.constant 1 : i32
    %dma_start3A_16 = arith.constant 1 : i32
    %dma_start3A_17 = arith.constant 0 : i32
    %dma_start3A_18 = arith.constant 0 : i32
    %dma_start3A_19 = tpu.memref_slice %arg6[%dma_start3A_15, %dma_start3A_17, %dma_start3A_18] : memref<2x160x128xf32, #tpu.memory_space<vmem>> -> memref<1x160x128xf32, #tpu.memory_space<vmem>>
    %dma_start3A_20 = tpu.memref_squeeze %dma_start3A_19 : memref<1x160x128xf32, #tpu.memory_space<vmem>> -> memref<160x128xf32, #tpu.memory_space<vmem>>
    %dma_start3A_21 = arith.constant 160 : i32
    %dma_start3A_22 = tpu.memref_slice %arg5[%dma_start3A_21] : memref<25600xi32, #tpu.memory_space<vmem>> -> memref<160xi32, #tpu.memory_space<vmem>>
    %dma_start3A_23 = arith.constant 0 : i32
    %dma_start3A_24 = arith.constant 0 : i32
    %dma_start3A_25 = tpu.memref_slice %arg3[%dma_start3A_23, %dma_start3A_24] : memref<1000000x128xf32, #tpu.memory_space<hbm>> -> memref<1000000x128xf32, #tpu.memory_space<hbm>>
    %dma_start3A_26 = tpu.memref_slice %arg8[%dma_start3A_16] : memref<2x!tpu.dma_semaphore, #tpu.memory_space<semaphore_mem>> -> memref<1x!tpu.dma_semaphore, #tpu.memory_space<semaphore_mem>>
    %dma_start3A_27 = tpu.memref_squeeze %dma_start3A_26 : memref<1x!tpu.dma_semaphore, #tpu.memory_space<semaphore_mem>> -> memref<!tpu.dma_semaphore, #tpu.memory_space<semaphore_mem>>
    tpu.enqueue_indirect_dma source(%dma_start3A_25 : memref<1000000x128xf32, #tpu.memory_space<hbm>>) target(%dma_start3A_20 : memref<160x128xf32, #tpu.memory_space<vmem>>) offsets(%dma_start3A_22 : memref<160xi32, #tpu.memory_space<vmem>>) semaphore(%dma_start3A_27 : memref<!tpu.dma_semaphore, #tpu.memory_space<semaphore_mem>>)
    %scan3A = arith.constant 0 : i32
    %scan3A_28 = arith.constant 0 : i32
    %scan3A_29 = arith.constant 79 : i32
    %scan3A_30 = arith.addi %scan3A_28, %scan3A_29 : i32
    %scan3A_31 = arith.constant 1 : i32
    scf.for %scan3A_142 = %scan3A_28 to %scan3A_30 step %scan3A_31  : i32 {
      %mul3A_143 = arith.constant 2 : i32
      %mul3A_144 = arith.muli %scan3A_142, %mul3A_143 : i32
      %add3A_145 = arith.constant 0 : i32
      %add3A_146 = arith.addi %mul3A_144, %add3A_145 : i32
      %mul3A_147 = arith.constant 160 : i32
      %mul3A_148 = arith.muli %add3A_146, %mul3A_147 : i32
      %dma_wait3A_149 = arith.constant 0 : i32
      %dma_wait3A_150 = arith.constant 0 : i32
      %dma_wait3A_151 = arith.constant 0 : i32
      %dma_wait3A_152 = arith.constant 0 : i32
      %dma_wait3A_153 = tpu.memref_slice %arg6[%dma_wait3A_149, %dma_wait3A_151, %dma_wait3A_152] : memref<2x160x128xf32, #tpu.memory_space<vmem>> -> memref<1x160x128xf32, #tpu.memory_space<vmem>>
      %dma_wait3A_154 = tpu.memref_squeeze %dma_wait3A_153 : memref<1x160x128xf32, #tpu.memory_space<vmem>> -> memref<160x128xf32, #tpu.memory_space<vmem>>
      %dma_wait3A_155 = tpu.memref_slice %arg5[%mul3A_148] : memref<25600xi32, #tpu.memory_space<vmem>> -> memref<160xi32, #tpu.memory_space<vmem>>
      %dma_wait3A_156 = arith.constant 0 : i32
      %dma_wait3A_157 = arith.constant 0 : i32
      %dma_wait3A_158 = tpu.memref_slice %arg3[%dma_wait3A_156, %dma_wait3A_157] : memref<1000000x128xf32, #tpu.memory_space<hbm>> -> memref<1000000x128xf32, #tpu.memory_space<hbm>>
      %dma_wait3A_159 = tpu.memref_slice %arg8[%dma_wait3A_150] : memref<2x!tpu.dma_semaphore, #tpu.memory_space<semaphore_mem>> -> memref<1x!tpu.dma_semaphore, #tpu.memory_space<semaphore_mem>>
      %dma_wait3A_160 = tpu.memref_squeeze %dma_wait3A_159 : memref<1x!tpu.dma_semaphore, #tpu.memory_space<semaphore_mem>> -> memref<!tpu.dma_semaphore, #tpu.memory_space<semaphore_mem>>
      tpu.wait_indirect_dma semaphore(%dma_wait3A_160 : memref<!tpu.dma_semaphore, #tpu.memory_space<semaphore_mem>>) src(%dma_wait3A_158 : memref<1000000x128xf32, #tpu.memory_space<hbm>>) dst(%dma_wait3A_154 : memref<160x128xf32, #tpu.memory_space<vmem>>)
      %scan3A_161 = arith.constant 0 : i32
      %scan3A_162 = arith.constant 0 : i32
      %scan3A_163 = arith.constant 20 : i32
      %scan3A_164 = arith.addi %scan3A_162, %scan3A_163 : i32
      %scan3A_165 = arith.constant 1 : i32
      scf.for %scan3A_309 = %scan3A_162 to %scan3A_164 step %scan3A_165  : i32 {
        %mul3A_310 = arith.constant 8 : i32
        %mul3A_311 = arith.muli %scan3A_309, %mul3A_310 : i32
        %add3A_312 = arith.constant 0 : i32
        %add3A_313 = arith.addi %mul3A_311, %add3A_312 : i32
        %get3A = arith.constant 0 : i32
        %get3A_314 = arith.index_cast %get3A : i32 to index
        %get3A_315 = arith.index_cast %add3A_313 : i32 to index
        %get3A_316 = arith.constant 0 : index
        %get3A_317 = tpu.vector_load %arg6[%get3A_314, %get3A_315, %get3A_316] {strides = array<i32>} : memref<2x160x128xf32, #tpu.memory_space<vmem>>, vector<1x1x16xf32>,
        %get3A_318 = vector.shape_cast %get3A_317 : vector<1x1x16xf32> to vector<16xf32>
        %swap3A = arith.constant 0 : i32
        %swap3A_319 = arith.index_cast %swap3A : i32 to index
        %swap3A_320 = arith.index_cast %add3A_313 : i32 to index
        %swap3A_321 = arith.constant 0 : index
        %swap3A_322 = tpu.vector_load %arg7[%swap3A_319, %swap3A_320, %swap3A_321] {strides = array<i32>} : memref<2x160x64xf32, #tpu.memory_space<vmem>>, vector<1x1x16xf32>,
        %swap3A_323 = vector.shape_cast %swap3A_322 : vector<1x1x16xf32> to vector<16xf32>
        %swap3A_324 = vector.shape_cast %get3A_318 : vector<16xf32> to vector<1x1x16xf32>
        tpu.vector_store %arg7[%swap3A_319, %swap3A_320, %swap3A_321], %swap3A_324 {strides = array<i32>} : memref<2x160x64xf32, #tpu.memory_space<vmem>>, vector<1x1x16xf32>,
        %get3A_325 = arith.constant 0 : i32
        %get3A_326 = arith.index_cast %get3A_325 : i32 to index
        %get3A_327 = arith.index_cast %add3A_313 : i32 to index
        %get3A_328 = arith.constant 16 : index
        %get3A_329 = tpu.vector_load %arg6[%get3A_326, %get3A_327, %get3A_328] {strides = array<i32>} : memref<2x160x128xf32, #tpu.memory_space<vmem>>, vector<1x1x16xf32>,
        %get3A_330 = vector.shape_cast %get3A_329 : vector<1x1x16xf32> to vector<16xf32>
        %swap3A_331 = arith.constant 0 : i32
        %swap3A_332 = arith.index_cast %swap3A_331 : i32 to index
        %swap3A_333 = arith.index_cast %add3A_313 : i32 to index
        %swap3A_334 = arith.constant 16 : index
        %swap3A_335 = tpu.vector_load %arg7[%swap3A_332, %swap3A_333, %swap3A_334] {strides = array<i32>} : memref<2x160x64xf32, #tpu.memory_space<vmem>>, vector<1x1x16xf32>,
        %swap3A_336 = vector.shape_cast %swap3A_335 : vector<1x1x16xf32> to vector<16xf32>
        %swap3A_337 = vector.shape_cast %get3A_330 : vector<16xf32> to vector<1x1x16xf32>
        tpu.vector_store %arg7[%swap3A_332, %swap3A_333, %swap3A_334], %swap3A_337 {strides = array<i32>} : memref<2x160x64xf32, #tpu.memory_space<vmem>>, vector<1x1x16xf32>,
        %get3A_338 = arith.constant 0 : i32
        %get3A_339 = arith.index_cast %get3A_338 : i32 to index
        %get3A_340 = arith.index_cast %add3A_313 : i32 to index
        %get3A_341 = arith.constant 32 : index
        %get3A_342 = tpu.vector_load %arg6[%get3A_339, %get3A_340, %get3A_341] {strides = array<i32>} : memref<2x160x128xf32, #tpu.memory_space<vmem>>, vector<1x1x16xf32>,
        %get3A_343 = vector.shape_cast %get3A_342 : vector<1x1x16xf32> to vector<16xf32>
        %swap3A_344 = arith.constant 0 : i32
        %swap3A_345 = arith.index_cast %swap3A_344 : i32 to index
        %swap3A_346 = arith.index_cast %add3A_313 : i32 to index
        %swap3A_347 = arith.constant 32 : index
        %swap3A_348 = tpu.vector_load %arg7[%swap3A_345, %swap3A_346, %swap3A_347] {strides = array<i32>} : memref<2x160x64xf32, #tpu.memory_space<vmem>>, vector<1x1x16xf32>,
        %swap3A_349 = vector.shape_cast %swap3A_348 : vector<1x1x16xf32> to vector<16xf32>
        %swap3A_350 = vector.shape_cast %get3A_343 : vector<16xf32> to vector<1x1x16xf32>
        tpu.vector_store %arg7[%swap3A_345, %swap3A_346, %swap3A_347], %swap3A_350 {strides = array<i32>} : memref<2x160x64xf32, #tpu.memory_space<vmem>>, vector<1x1x16xf32>,
        %get3A_351 = arith.constant 0 : i32
        %get3A_352 = arith.index_cast %get3A_351 : i32 to index
        %get3A_353 = arith.index_cast %add3A_313 : i32 to index
        %get3A_354 = arith.constant 48 : index
        %get3A_355 = tpu.vector_load %arg6[%get3A_352, %get3A_353, %get3A_354] {strides = array<i32>} : memref<2x160x128xf32, #tpu.memory_space<vmem>>, vector<1x1x16xf32>,
        %get3A_356 = vector.shape_cast %get3A_355 : vector<1x1x16xf32> to vector<16xf32>
        %swap3A_357 = arith.constant 0 : i32
        %swap3A_358 = arith.index_cast %swap3A_357 : i32 to index
        %swap3A_359 = arith.index_cast %add3A_313 : i32 to index
        %swap3A_360 = arith.constant 48 : index
        %swap3A_361 = tpu.vector_load %arg7[%swap3A_358, %swap3A_359, %swap3A_360] {strides = array<i32>} : memref<2x160x64xf32, #tpu.memory_space<vmem>>, vector<1x1x16xf32>,
        %swap3A_362 = vector.shape_cast %swap3A_361 : vector<1x1x16xf32> to vector<16xf32>
        %swap3A_363 = vector.shape_cast %get3A_356 : vector<16xf32> to vector<1x1x16xf32>
        tpu.vector_store %arg7[%swap3A_358, %swap3A_359, %swap3A_360], %swap3A_363 {strides = array<i32>} : memref<2x160x64xf32, #tpu.memory_space<vmem>>, vector<1x1x16xf32>,
        %mul3A_364 = arith.constant 8 : i32
        %mul3A_365 = arith.muli %scan3A_309, %mul3A_364 : i32
        %add3A_366 = arith.constant 1 : i32
        %add3A_367 = arith.addi %mul3A_365, %add3A_366 : i32
        %get3A_368 = arith.constant 0 : i32
        %get3A_369 = arith.index_cast %get3A_368 : i32 to index
        %get3A_370 = arith.index_cast %add3A_367 : i32 to index
        %get3A_371 = arith.constant 0 : index
        %get3A_372 = tpu.vector_load %arg6[%get3A_369, %get3A_370, %get3A_371] {strides = array<i32>} : memref<2x160x128xf32, #tpu.memory_space<vmem>>, vector<1x1x16xf32>,
        %get3A_373 = vector.shape_cast %get3A_372 : vector<1x1x16xf32> to vector<16xf32>
        %swap3A_374 = arith.constant 0 : i32
        %swap3A_375 = arith.index_cast %swap3A_374 : i32 to index
        %swap3A_376 = arith.index_cast %add3A_367 : i32 to index
        %swap3A_377 = arith.constant 0 : index
        %swap3A_378 = tpu.vector_load %arg7[%swap3A_375, %swap3A_376, %swap3A_377] {strides = array<i32>} : memref<2x160x64xf32, #tpu.memory_space<vmem>>, vector<1x1x16xf32>,
        %swap3A_379 = vector.shape_cast %swap3A_378 : vector<1x1x16xf32> to vector<16xf32>
        %swap3A_380 = vector.shape_cast %get3A_373 : vector<16xf32> to vector<1x1x16xf32>
        tpu.vector_store %arg7[%swap3A_375, %swap3A_376, %swap3A_377], %swap3A_380 {strides = array<i32>} : memref<2x160x64xf32, #tpu.memory_space<vmem>>, vector<1x1x16xf32>,
        %get3A_381 = arith.constant 0 : i32
        %get3A_382 = arith.index_cast %get3A_381 : i32 to index
        %get3A_383 = arith.index_cast %add3A_367 : i32 to index
        %get3A_384 = arith.constant 16 : index
        %get3A_385 = tpu.vector_load %arg6[%get3A_382, %get3A_383, %get3A_384] {strides = array<i32>} : memref<2x160x128xf32, #tpu.memory_space<vmem>>, vector<1x1x16xf32>,
        %get3A_386 = vector.shape_cast %get3A_385 : vector<1x1x16xf32> to vector<16xf32>
        %swap3A_387 = arith.constant 0 : i32
        %swap3A_388 = arith.index_cast %swap3A_387 : i32 to index
        %swap3A_389 = arith.index_cast %add3A_367 : i32 to index
        %swap3A_390 = arith.constant 16 : index
        %swap3A_391 = tpu.vector_load %arg7[%swap3A_388, %swap3A_389, %swap3A_390] {strides = array<i32>} : memref<2x160x64xf32, #tpu.memory_space<vmem>>, vector<1x1x16xf32>,
        %swap3A_392 = vector.shape_cast %swap3A_391 : vector<1x1x16xf32> to vector<16xf32>
        %swap3A_393 = vector.shape_cast %get3A_386 : vector<16xf32> to vector<1x1x16xf32>
        tpu.vector_store %arg7[%swap3A_388, %swap3A_389, %swap3A_390], %swap3A_393 {strides = array<i32>} : memref<2x160x64xf32, #tpu.memory_space<vmem>>, vector<1x1x16xf32>,
        %get3A_394 = arith.constant 0 : i32
        %get3A_395 = arith.index_cast %get3A_394 : i32 to index
        %get3A_396 = arith.index_cast %add3A_367 : i32 to index
        %get3A_397 = arith.constant 32 : index
        %get3A_398 = tpu.vector_load %arg6[%get3A_395, %get3A_396, %get3A_397] {strides = array<i32>} : memref<2x160x128xf32, #tpu.memory_space<vmem>>, vector<1x1x16xf32>,
        %get3A_399 = vector.shape_cast %get3A_398 : vector<1x1x16xf32> to vector<16xf32>
        %swap3A_400 = arith.constant 0 : i32
        %swap3A_401 = arith.index_cast %swap3A_400 : i32 to index
        %swap3A_402 = arith.index_cast %add3A_367 : i32 to index
        %swap3A_403 = arith.constant 32 : index
        %swap3A_404 = tpu.vector_load %arg7[%swap3A_401, %swap3A_402, %swap3A_403] {strides = array<i32>} : memref<2x160x64xf32, #tpu.memory_space<vmem>>, vector<1x1x16xf32>,
        %swap3A_405 = vector.shape_cast %swap3A_404 : vector<1x1x16xf32> to vector<16xf32>
        %swap3A_406 = vector.shape_cast %get3A_399 : vector<16xf32> to vector<1x1x16xf32>
        tpu.vector_store %arg7[%swap3A_401, %swap3A_402, %swap3A_403], %swap3A_406 {strides = array<i32>} : memref<2x160x64xf32, #tpu.memory_space<vmem>>, vector<1x1x16xf32>,
        %get3A_407 = arith.constant 0 : i32
        %get3A_408 = arith.index_cast %get3A_407 : i32 to index
        %get3A_409 = arith.index_cast %add3A_367 : i32 to index
        %get3A_410 = arith.constant 48 : index
        %get3A_411 = tpu.vector_load %arg6[%get3A_408, %get3A_409, %get3A_410] {strides = array<i32>} : memref<2x160x128xf32, #tpu.memory_space<vmem>>, vector<1x1x16xf32>,
        %get3A_412 = vector.shape_cast %get3A_411 : vector<1x1x16xf32> to vector<16xf32>
        %swap3A_413 = arith.constant 0 : i32
        %swap3A_414 = arith.index_cast %swap3A_413 : i32 to index
        %swap3A_415 = arith.index_cast %add3A_367 : i32 to index
        %swap3A_416 = arith.constant 48 : index
        %swap3A_417 = tpu.vector_load %arg7[%swap3A_414, %swap3A_415, %swap3A_416] {strides = array<i32>} : memref<2x160x64xf32, #tpu.memory_space<vmem>>, vector<1x1x16xf32>,
        %swap3A_418 = vector.shape_cast %swap3A_417 : vector<1x1x16xf32> to vector<16xf32>
        %swap3A_419 = vector.shape_cast %get3A_412 : vector<16xf32> to vector<1x1x16xf32>
        tpu.vector_store %arg7[%swap3A_414, %swap3A_415, %swap3A_416], %swap3A_419 {strides = array<i32>} : memref<2x160x64xf32, #tpu.memory_space<vmem>>, vector<1x1x16xf32>,
        %mul3A_420 = arith.constant 8 : i32
        %mul3A_421 = arith.muli %scan3A_309, %mul3A_420 : i32
        %add3A_422 = arith.constant 2 : i32
        %add3A_423 = arith.addi %mul3A_421, %add3A_422 : i32
        %get3A_424 = arith.constant 0 : i32
        %get3A_425 = arith.index_cast %get3A_424 : i32 to index
        %get3A_426 = arith.index_cast %add3A_423 : i32 to index
        %get3A_427 = arith.constant 0 : index
        %get3A_428 = tpu.vector_load %arg6[%get3A_425, %get3A_426, %get3A_427] {strides = array<i32>} : memref<2x160x128xf32, #tpu.memory_space<vmem>>, vector<1x1x16xf32>,
        %get3A_429 = vector.shape_cast %get3A_428 : vector<1x1x16xf32> to vector<16xf32>
        %swap3A_430 = arith.constant 0 : i32
        %swap3A_431 = arith.index_cast %swap3A_430 : i32 to index
        %swap3A_432 = arith.index_cast %add3A_423 : i32 to index
        %swap3A_433 = arith.constant 0 : index
        %swap3A_434 = tpu.vector_load %arg7[%swap3A_431, %swap3A_432, %swap3A_433] {strides = array<i32>} : memref<2x160x64xf32, #tpu.memory_space<vmem>>, vector<1x1x16xf32>,
        %swap3A_435 = vector.shape_cast %swap3A_434 : vector<1x1x16xf32> to vector<16xf32>
        %swap3A_436 = vector.shape_cast %get3A_429 : vector<16xf32> to vector<1x1x16xf32>
        tpu.vector_store %arg7[%swap3A_431, %swap3A_432, %swap3A_433], %swap3A_436 {strides = array<i32>} : memref<2x160x64xf32, #tpu.memory_space<vmem>>, vector<1x1x16xf32>,
        %get3A_437 = arith.constant 0 : i32
        %get3A_438 = arith.index_cast %get3A_437 : i32 to index
        %get3A_439 = arith.index_cast %add3A_423 : i32 to index
        %get3A_440 = arith.constant 16 : index
        %get3A_441 = tpu.vector_load %arg6[%get3A_438, %get3A_439, %get3A_440] {strides = array<i32>} : memref<2x160x128xf32, #tpu.memory_space<vmem>>, vector<1x1x16xf32>,
        %get3A_442 = vector.shape_cast %get3A_441 : vector<1x1x16xf32> to vector<16xf32>
        %swap3A_443 = arith.constant 0 : i32
        %swap3A_444 = arith.index_cast %swap3A_443 : i32 to index
        %swap3A_445 = arith.index_cast %add3A_423 : i32 to index
        %swap3A_446 = arith.constant 16 : index
        %swap3A_447 = tpu.vector_load %arg7[%swap3A_444, %swap3A_445, %swap3A_446] {strides = array<i32>} : memref<2x160x64xf32, #tpu.memory_space<vmem>>, vector<1x1x16xf32>,
        %swap3A_448 = vector.shape_cast %swap3A_447 : vector<1x1x16xf32> to vector<16xf32>
        %swap3A_449 = vector.shape_cast %get3A_442 : vector<16xf32> to vector<1x1x16xf32>
        tpu.vector_store %arg7[%swap3A_444, %swap3A_445, %swap3A_446], %swap3A_449 {strides = array<i32>} : memref<2x160x64xf32, #tpu.memory_space<vmem>>, vector<1x1x16xf32>,
        %get3A_450 = arith.constant 0 : i32
        %get3A_451 = arith.index_cast %get3A_450 : i32 to index
        %get3A_452 = arith.index_cast %add3A_423 : i32 to index
        %get3A_453 = arith.constant 32 : index
        %get3A_454 = tpu.vector_load %arg6[%get3A_451, %get3A_452, %get3A_453] {strides = array<i32>} : memref<2x160x128xf32, #tpu.memory_space<vmem>>, vector<1x1x16xf32>,
        %get3A_455 = vector.shape_cast %get3A_454 : vector<1x1x16xf32> to vector<16xf32>
        %swap3A_456 = arith.constant 0 : i32
        %swap3A_457 = arith.index_cast %swap3A_456 : i32 to index
        %swap3A_458 = arith.index_cast %add3A_423 : i32 to index
        %swap3A_459 = arith.constant 32 : index
        %swap3A_460 = tpu.vector_load %arg7[%swap3A_457, %swap3A_458, %swap3A_459] {strides = array<i32>} : memref<2x160x64xf32, #tpu.memory_space<vmem>>, vector<1x1x16xf32>,
        %swap3A_461 = vector.shape_cast %swap3A_460 : vector<1x1x16xf32> to vector<16xf32>
        %swap3A_462 = vector.shape_cast %get3A_455 : vector<16xf32> to vector<1x1x16xf32>
        tpu.vector_store %arg7[%swap3A_457, %swap3A_458, %swap3A_459], %swap3A_462 {strides = array<i32>} : memref<2x160x64xf32, #tpu.memory_space<vmem>>, vector<1x1x16xf32>,
        %get3A_463 = arith.constant 0 : i32
        %get3A_464 = arith.index_cast %get3A_463 : i32 to index
        %get3A_465 = arith.index_cast %add3A_423 : i32 to index
        %get3A_466 = arith.constant 48 : index
        %get3A_467 = tpu.vector_load %arg6[%get3A_464, %get3A_465, %get3A_466] {strides = array<i32>} : memref<2x160x128xf32, #tpu.memory_space<vmem>>, vector<1x1x16xf32>,
        %get3A_468 = vector.shape_cast %get3A_467 : vector<1x1x16xf32> to vector<16xf32>
        %swap3A_469 = arith.constant 0 : i32
        %swap3A_470 = arith.index_cast %swap3A_469 : i32 to index
        %swap3A_471 = arith.index_cast %add3A_423 : i32 to index
        %swap3A_472 = arith.constant 48 : index
        %swap3A_473 = tpu.vector_load %arg7[%swap3A_470, %swap3A_471, %swap3A_472] {strides = array<i32>} : memref<2x160x64xf32, #tpu.memory_space<vmem>>, vector<1x1x16xf32>,
        %swap3A_474 = vector.shape_cast %swap3A_473 : vector<1x1x16xf32> to vector<16xf32>
        %swap3A_475 = vector.shape_cast %get3A_468 : vector<16xf32> to vector<1x1x16xf32>
        tpu.vector_store %arg7[%swap3A_470, %swap3A_471, %swap3A_472], %swap3A_475 {strides = array<i32>} : memref<2x160x64xf32, #tpu.memory_space<vmem>>, vector<1x1x16xf32>,
        %mul3A_476 = arith.constant 8 : i32
        %mul3A_477 = arith.muli %scan3A_309, %mul3A_476 : i32
        %add3A_478 = arith.constant 3 : i32
        %add3A_479 = arith.addi %mul3A_477, %add3A_478 : i32
        %get3A_480 = arith.constant 0 : i32
        %get3A_481 = arith.index_cast %get3A_480 : i32 to index
        %get3A_482 = arith.index_cast %add3A_479 : i32 to index
        %get3A_483 = arith.constant 0 : index
        %get3A_484 = tpu.vector_load %arg6[%get3A_481, %get3A_482, %get3A_483] {strides = array<i32>} : memref<2x160x128xf32, #tpu.memory_space<vmem>>, vector<1x1x16xf32>,
        %get3A_485 = vector.shape_cast %get3A_484 : vector<1x1x16xf32> to vector<16xf32>
        %swap3A_486 = arith.constant 0 : i32
        %swap3A_487 = arith.index_cast %swap3A_486 : i32 to index
        %swap3A_488 = arith.index_cast %add3A_479 : i32 to index
        %swap3A_489 = arith.constant 0 : index
        %swap3A_490 = tpu.vector_load %arg7[%swap3A_487, %swap3A_488, %swap3A_489] {strides = array<i32>} : memref<2x160x64xf32, #tpu.memory_space<vmem>>, vector<1x1x16xf32>,
        %swap3A_491 = vector.shape_cast %swap3A_490 : vector<1x1x16xf32> to vector<16xf32>
        %swap3A_492 = vector.shape_cast %get3A_485 : vector<16xf32> to vector<1x1x16xf32>
        tpu.vector_store %arg7[%swap3A_487, %swap3A_488, %swap3A_489], %swap3A_492 {strides = array<i32>} : memref<2x160x64xf32, #tpu.memory_space<vmem>>, vector<1x1x16xf32>,
        %get3A_493 = arith.constant 0 : i32
        %get3A_494 = arith.index_cast %get3A_493 : i32 to index
        %get3A_495 = arith.index_cast %add3A_479 : i32 to index
        %get3A_496 = arith.constant 16 : index
        %get3A_497 = tpu.vector_load %arg6[%get3A_494, %get3A_495, %get3A_496] {strides = array<i32>} : memref<2x160x128xf32, #tpu.memory_space<vmem>>, vector<1x1x16xf32>,
        %get3A_498 = vector.shape_cast %get3A_497 : vector<1x1x16xf32> to vector<16xf32>
        %swap3A_499 = arith.constant 0 : i32
        %swap3A_500 = arith.index_cast %swap3A_499 : i32 to index
        %swap3A_501 = arith.index_cast %add3A_479 : i32 to index
        %swap3A_502 = arith.constant 16 : index
        %swap3A_503 = tpu.vector_load %arg7[%swap3A_500, %swap3A_501, %swap3A_502] {strides = array<i32>} : memref<2x160x64xf32, #tpu.memory_space<vmem>>, vector<1x1x16xf32>,
        %swap3A_504 = vector.shape_cast %swap3A_503 : vector<1x1x16xf32> to vector<16xf32>
        %swap3A_505 = vector.shape_cast %get3A_498 : vector<16xf32> to vector<1x1x16xf32>
        tpu.vector_store %arg7[%swap3A_500, %swap3A_501, %swap3A_502], %swap3A_505 {strides = array<i32>} : memref<2x160x64xf32, #tpu.memory_space<vmem>>, vector<1x1x16xf32>,
        %get3A_506 = arith.constant 0 : i32
        %get3A_507 = arith.index_cast %get3A_506 : i32 to index
        %get3A_508 = arith.index_cast %add3A_479 : i32 to index
        %get3A_509 = arith.constant 32 : index
        %get3A_510 = tpu.vector_load %arg6[%get3A_507, %get3A_508, %get3A_509] {strides = array<i32>} : memref<2x160x128xf32, #tpu.memory_space<vmem>>, vector<1x1x16xf32>,
        %get3A_511 = vector.shape_cast %get3A_510 : vector<1x1x16xf32> to vector<16xf32>
        %swap3A_512 = arith.constant 0 : i32
        %swap3A_513 = arith.index_cast %swap3A_512 : i32 to index
        %swap3A_514 = arith.index_cast %add3A_479 : i32 to index
        %swap3A_515 = arith.constant 32 : index
        %swap3A_516 = tpu.vector_load %arg7[%swap3A_513, %swap3A_514, %swap3A_515] {strides = array<i32>} : memref<2x160x64xf32, #tpu.memory_space<vmem>>, vector<1x1x16xf32>,
        %swap3A_517 = vector.shape_cast %swap3A_516 : vector<1x1x16xf32> to vector<16xf32>
        %swap3A_518 = vector.shape_cast %get3A_511 : vector<16xf32> to vector<1x1x16xf32>
        tpu.vector_store %arg7[%swap3A_513, %swap3A_514, %swap3A_515], %swap3A_518 {strides = array<i32>} : memref<2x160x64xf32, #tpu.memory_space<vmem>>, vector<1x1x16xf32>,
        %get3A_519 = arith.constant 0 : i32
        %get3A_520 = arith.index_cast %get3A_519 : i32 to index
        %get3A_521 = arith.index_cast %add3A_479 : i32 to index
        %get3A_522 = arith.constant 48 : index
        %get3A_523 = tpu.vector_load %arg6[%get3A_520, %get3A_521, %get3A_522] {strides = array<i32>} : memref<2x160x128xf32, #tpu.memory_space<vmem>>, vector<1x1x16xf32>,
        %get3A_524 = vector.shape_cast %get3A_523 : vector<1x1x16xf32> to vector<16xf32>
        %swap3A_525 = arith.constant 0 : i32
        %swap3A_526 = arith.index_cast %swap3A_525 : i32 to index
        %swap3A_527 = arith.index_cast %add3A_479 : i32 to index
        %swap3A_528 = arith.constant 48 : index
        %swap3A_529 = tpu.vector_load %arg7[%swap3A_526, %swap3A_527, %swap3A_528] {strides = array<i32>} : memref<2x160x64xf32, #tpu.memory_space<vmem>>, vector<1x1x16xf32>,
        %swap3A_530 = vector.shape_cast %swap3A_529 : vector<1x1x16xf32> to vector<16xf32>
        %swap3A_531 = vector.shape_cast %get3A_524 : vector<16xf32> to vector<1x1x16xf32>
        tpu.vector_store %arg7[%swap3A_526, %swap3A_527, %swap3A_528], %swap3A_531 {strides = array<i32>} : memref<2x160x64xf32, #tpu.memory_space<vmem>>, vector<1x1x16xf32>,
        %mul3A_532 = arith.constant 8 : i32
        %mul3A_533 = arith.muli %scan3A_309, %mul3A_532 : i32
        %add3A_534 = arith.constant 4 : i32
        %add3A_535 = arith.addi %mul3A_533, %add3A_534 : i32
        %get3A_536 = arith.constant 0 : i32
        %get3A_537 = arith.index_cast %get3A_536 : i32 to index
        %get3A_538 = arith.index_cast %add3A_535 : i32 to index
        %get3A_539 = arith.constant 0 : index
        %get3A_540 = tpu.vector_load %arg6[%get3A_537, %get3A_538, %get3A_539] {strides = array<i32>} : memref<2x160x128xf32, #tpu.memory_space<vmem>>, vector<1x1x16xf32>,
        %get3A_541 = vector.shape_cast %get3A_540 : vector<1x1x16xf32> to vector<16xf32>
        %swap3A_542 = arith.constant 0 : i32
        %swap3A_543 = arith.index_cast %swap3A_542 : i32 to index
        %swap3A_544 = arith.index_cast %add3A_535 : i32 to index
        %swap3A_545 = arith.constant 0 : index
        %swap3A_546 = tpu.vector_load %arg7[%swap3A_543, %swap3A_544, %swap3A_545] {strides = array<i32>} : memref<2x160x64xf32, #tpu.memory_space<vmem>>, vector<1x1x16xf32>,
        %swap3A_547 = vector.shape_cast %swap3A_546 : vector<1x1x16xf32> to vector<16xf32>
        %swap3A_548 = vector.shape_cast %get3A_541 : vector<16xf32> to vector<1x1x16xf32>
        tpu.vector_store %arg7[%swap3A_543, %swap3A_544, %swap3A_545], %swap3A_548 {strides = array<i32>} : memref<2x160x64xf32, #tpu.memory_space<vmem>>, vector<1x1x16xf32>,
        %get3A_549 = arith.constant 0 : i32
        %get3A_550 = arith.index_cast %get3A_549 : i32 to index
        %get3A_551 = arith.index_cast %add3A_535 : i32 to index
        %get3A_552 = arith.constant 16 : index
        %get3A_553 = tpu.vector_load %arg6[%get3A_550, %get3A_551, %get3A_552] {strides = array<i32>} : memref<2x160x128xf32, #tpu.memory_space<vmem>>, vector<1x1x16xf32>,
        %get3A_554 = vector.shape_cast %get3A_553 : vector<1x1x16xf32> to vector<16xf32>
        %swap3A_555 = arith.constant 0 : i32
        %swap3A_556 = arith.index_cast %swap3A_555 : i32 to index
        %swap3A_557 = arith.index_cast %add3A_535 : i32 to index
        %swap3A_558 = arith.constant 16 : index
        %swap3A_559 = tpu.vector_load %arg7[%swap3A_556, %swap3A_557, %swap3A_558] {strides = array<i32>} : memref<2x160x64xf32, #tpu.memory_space<vmem>>, vector<1x1x16xf32>,
        %swap3A_560 = vector.shape_cast %swap3A_559 : vector<1x1x16xf32> to vector<16xf32>
        %swap3A_561 = vector.shape_cast %get3A_554 : vector<16xf32> to vector<1x1x16xf32>
        tpu.vector_store %arg7[%swap3A_556, %swap3A_557, %swap3A_558], %swap3A_561 {strides = array<i32>} : memref<2x160x64xf32, #tpu.memory_space<vmem>>, vector<1x1x16xf32>,
        %get3A_562 = arith.constant 0 : i32
        %get3A_563 = arith.index_cast %get3A_562 : i32 to index
        %get3A_564 = arith.index_cast %add3A_535 : i32 to index
        %get3A_565 = arith.constant 32 : index
        %get3A_566 = tpu.vector_load %arg6[%get3A_563, %get3A_564, %get3A_565] {strides = array<i32>} : memref<2x160x128xf32, #tpu.memory_space<vmem>>, vector<1x1x16xf32>,
        %get3A_567 = vector.shape_cast %get3A_566 : vector<1x1x16xf32> to vector<16xf32>
        %swap3A_568 = arith.constant 0 : i32
        %swap3A_569 = arith.index_cast %swap3A_568 : i32 to index
        %swap3A_570 = arith.index_cast %add3A_535 : i32 to index
        %swap3A_571 = arith.constant 32 : index
        %swap3A_572 = tpu.vector_load %arg7[%swap3A_569, %swap3A_570, %swap3A_571] {strides = array<i32>} : memref<2x160x64xf32, #tpu.memory_space<vmem>>, vector<1x1x16xf32>,
        %swap3A_573 = vector.shape_cast %swap3A_572 : vector<1x1x16xf32> to vector<16xf32>
        %swap3A_574 = vector.shape_cast %get3A_567 : vector<16xf32> to vector<1x1x16xf32>
        tpu.vector_store %arg7[%swap3A_569, %swap3A_570, %swap3A_571], %swap3A_574 {strides = array<i32>} : memref<2x160x64xf32, #tpu.memory_space<vmem>>, vector<1x1x16xf32>,
        %get3A_575 = arith.constant 0 : i32
        %get3A_576 = arith.index_cast %get3A_575 : i32 to index
        %get3A_577 = arith.index_cast %add3A_535 : i32 to index
        %get3A_578 = arith.constant 48 : index
        %get3A_579 = tpu.vector_load %arg6[%get3A_576, %get3A_577, %get3A_578] {strides = array<i32>} : memref<2x160x128xf32, #tpu.memory_space<vmem>>, vector<1x1x16xf32>,
        %get3A_580 = vector.shape_cast %get3A_579 : vector<1x1x16xf32> to vector<16xf32>
        %swap3A_581 = arith.constant 0 : i32
        %swap3A_582 = arith.index_cast %swap3A_581 : i32 to index
        %swap3A_583 = arith.index_cast %add3A_535 : i32 to index
        %swap3A_584 = arith.constant 48 : index
        %swap3A_585 = tpu.vector_load %arg7[%swap3A_582, %swap3A_583, %swap3A_584] {strides = array<i32>} : memref<2x160x64xf32, #tpu.memory_space<vmem>>, vector<1x1x16xf32>,
        %swap3A_586 = vector.shape_cast %swap3A_585 : vector<1x1x16xf32> to vector<16xf32>
        %swap3A_587 = vector.shape_cast %get3A_580 : vector<16xf32> to vector<1x1x16xf32>
        tpu.vector_store %arg7[%swap3A_582, %swap3A_583, %swap3A_584], %swap3A_587 {strides = array<i32>} : memref<2x160x64xf32, #tpu.memory_space<vmem>>, vector<1x1x16xf32>,
        %mul3A_588 = arith.constant 8 : i32
        %mul3A_589 = arith.muli %scan3A_309, %mul3A_588 : i32
        %add3A_590 = arith.constant 5 : i32
        %add3A_591 = arith.addi %mul3A_589, %add3A_590 : i32
        %get3A_592 = arith.constant 0 : i32
        %get3A_593 = arith.index_cast %get3A_592 : i32 to index
        %get3A_594 = arith.index_cast %add3A_591 : i32 to index
        %get3A_595 = arith.constant 0 : index
        %get3A_596 = tpu.vector_load %arg6[%get3A_593, %get3A_594, %get3A_595] {strides = array<i32>} : memref<2x160x128xf32, #tpu.memory_space<vmem>>, vector<1x1x16xf32>,
        %get3A_597 = vector.shape_cast %get3A_596 : vector<1x1x16xf32> to vector<16xf32>
        %swap3A_598 = arith.constant 0 : i32
        %swap3A_599 = arith.index_cast %swap3A_598 : i32 to index
        %swap3A_600 = arith.index_cast %add3A_591 : i32 to index
        %swap3A_601 = arith.constant 0 : index
        %swap3A_602 = tpu.vector_load %arg7[%swap3A_599, %swap3A_600, %swap3A_601] {strides = array<i32>} : memref<2x160x64xf32, #tpu.memory_space<vmem>>, vector<1x1x16xf32>,
        %swap3A_603 = vector.shape_cast %swap3A_602 : vector<1x1x16xf32> to vector<16xf32>
        %swap3A_604 = vector.shape_cast %get3A_597 : vector<16xf32> to vector<1x1x16xf32>
        tpu.vector_store %arg7[%swap3A_599, %swap3A_600, %swap3A_601], %swap3A_604 {strides = array<i32>} : memref<2x160x64xf32, #tpu.memory_space<vmem>>, vector<1x1x16xf32>,
        %get3A_605 = arith.constant 0 : i32
        %get3A_606 = arith.index_cast %get3A_605 : i32 to index
        %get3A_607 = arith.index_cast %add3A_591 : i32 to index
        %get3A_608 = arith.constant 16 : index
        %get3A_609 = tpu.vector_load %arg6[%get3A_606, %get3A_607, %get3A_608] {strides = array<i32>} : memref<2x160x128xf32, #tpu.memory_space<vmem>>, vector<1x1x16xf32>,
        %get3A_610 = vector.shape_cast %get3A_609 : vector<1x1x16xf32> to vector<16xf32>
        %swap3A_611 = arith.constant 0 : i32
        %swap3A_612 = arith.index_cast %swap3A_611 : i32 to index
        %swap3A_613 = arith.index_cast %add3A_591 : i32 to index
        %swap3A_614 = arith.constant 16 : index
        %swap3A_615 = tpu.vector_load %arg7[%swap3A_612, %swap3A_613, %swap3A_614] {strides = array<i32>} : memref<2x160x64xf32, #tpu.memory_space<vmem>>, vector<1x1x16xf32>,
        %swap3A_616 = vector.shape_cast %swap3A_615 : vector<1x1x16xf32> to vector<16xf32>
        %swap3A_617 = vector.shape_cast %get3A_610 : vector<16xf32> to vector<1x1x16xf32>
        tpu.vector_store %arg7[%swap3A_612, %swap3A_613, %swap3A_614], %swap3A_617 {strides = array<i32>} : memref<2x160x64xf32, #tpu.memory_space<vmem>>, vector<1x1x16xf32>,
        %get3A_618 = arith.constant 0 : i32
        %get3A_619 = arith.index_cast %get3A_618 : i32 to index
        %get3A_620 = arith.index_cast %add3A_591 : i32 to index
        %get3A_621 = arith.constant 32 : index
        %get3A_622 = tpu.vector_load %arg6[%get3A_619, %get3A_620, %get3A_621] {strides = array<i32>} : memref<2x160x128xf32, #tpu.memory_space<vmem>>, vector<1x1x16xf32>,
        %get3A_623 = vector.shape_cast %get3A_622 : vector<1x1x16xf32> to vector<16xf32>
        %swap3A_624 = arith.constant 0 : i32
        %swap3A_625 = arith.index_cast %swap3A_624 : i32 to index
        %swap3A_626 = arith.index_cast %add3A_591 : i32 to index
        %swap3A_627 = arith.constant 32 : index
        %swap3A_628 = tpu.vector_load %arg7[%swap3A_625, %swap3A_626, %swap3A_627] {strides = array<i32>} : memref<2x160x64xf32, #tpu.memory_space<vmem>>, vector<1x1x16xf32>,
        %swap3A_629 = vector.shape_cast %swap3A_628 : vector<1x1x16xf32> to vector<16xf32>
        %swap3A_630 = vector.shape_cast %get3A_623 : vector<16xf32> to vector<1x1x16xf32>
        tpu.vector_store %arg7[%swap3A_625, %swap3A_626, %swap3A_627], %swap3A_630 {strides = array<i32>} : memref<2x160x64xf32, #tpu.memory_space<vmem>>, vector<1x1x16xf32>,
        %get3A_631 = arith.constant 0 : i32
        %get3A_632 = arith.index_cast %get3A_631 : i32 to index
        %get3A_633 = arith.index_cast %add3A_591 : i32 to index
        %get3A_634 = arith.constant 48 : index
        %get3A_635 = tpu.vector_load %arg6[%get3A_632, %get3A_633, %get3A_634] {strides = array<i32>} : memref<2x160x128xf32, #tpu.memory_space<vmem>>, vector<1x1x16xf32>,
        %get3A_636 = vector.shape_cast %get3A_635 : vector<1x1x16xf32> to vector<16xf32>
        %swap3A_637 = arith.constant 0 : i32
        %swap3A_638 = arith.index_cast %swap3A_637 : i32 to index
        %swap3A_639 = arith.index_cast %add3A_591 : i32 to index
        %swap3A_640 = arith.constant 48 : index
        %swap3A_641 = tpu.vector_load %arg7[%swap3A_638, %swap3A_639, %swap3A_640] {strides = array<i32>} : memref<2x160x64xf32, #tpu.memory_space<vmem>>, vector<1x1x16xf32>,
        %swap3A_642 = vector.shape_cast %swap3A_641 : vector<1x1x16xf32> to vector<16xf32>
        %swap3A_643 = vector.shape_cast %get3A_636 : vector<16xf32> to vector<1x1x16xf32>
        tpu.vector_store %arg7[%swap3A_638, %swap3A_639, %swap3A_640], %swap3A_643 {strides = array<i32>} : memref<2x160x64xf32, #tpu.memory_space<vmem>>, vector<1x1x16xf32>,
        %mul3A_644 = arith.constant 8 : i32
        %mul3A_645 = arith.muli %scan3A_309, %mul3A_644 : i32
        %add3A_646 = arith.constant 6 : i32
        %add3A_647 = arith.addi %mul3A_645, %add3A_646 : i32
        %get3A_648 = arith.constant 0 : i32
        %get3A_649 = arith.index_cast %get3A_648 : i32 to index
        %get3A_650 = arith.index_cast %add3A_647 : i32 to index
        %get3A_651 = arith.constant 0 : index
        %get3A_652 = tpu.vector_load %arg6[%get3A_649, %get3A_650, %get3A_651] {strides = array<i32>} : memref<2x160x128xf32, #tpu.memory_space<vmem>>, vector<1x1x16xf32>,
        %get3A_653 = vector.shape_cast %get3A_652 : vector<1x1x16xf32> to vector<16xf32>
        %swap3A_654 = arith.constant 0 : i32
        %swap3A_655 = arith.index_cast %swap3A_654 : i32 to index
        %swap3A_656 = arith.index_cast %add3A_647 : i32 to index
        %swap3A_657 = arith.constant 0 : index
        %swap3A_658 = tpu.vector_load %arg7[%swap3A_655, %swap3A_656, %swap3A_657] {strides = array<i32>} : memref<2x160x64xf32, #tpu.memory_space<vmem>>, vector<1x1x16xf32>,
        %swap3A_659 = vector.shape_cast %swap3A_658 : vector<1x1x16xf32> to vector<16xf32>
        %swap3A_660 = vector.shape_cast %get3A_653 : vector<16xf32> to vector<1x1x16xf32>
        tpu.vector_store %arg7[%swap3A_655, %swap3A_656, %swap3A_657], %swap3A_660 {strides = array<i32>} : memref<2x160x64xf32, #tpu.memory_space<vmem>>, vector<1x1x16xf32>,
        %get3A_661 = arith.constant 0 : i32
        %get3A_662 = arith.index_cast %get3A_661 : i32 to index
        %get3A_663 = arith.index_cast %add3A_647 : i32 to index
        %get3A_664 = arith.constant 16 : index
        %get3A_665 = tpu.vector_load %arg6[%get3A_662, %get3A_663, %get3A_664] {strides = array<i32>} : memref<2x160x128xf32, #tpu.memory_space<vmem>>, vector<1x1x16xf32>,
        %get3A_666 = vector.shape_cast %get3A_665 : vector<1x1x16xf32> to vector<16xf32>
        %swap3A_667 = arith.constant 0 : i32
        %swap3A_668 = arith.index_cast %swap3A_667 : i32 to index
        %swap3A_669 = arith.index_cast %add3A_647 : i32 to index
        %swap3A_670 = arith.constant 16 : index
        %swap3A_671 = tpu.vector_load %arg7[%swap3A_668, %swap3A_669, %swap3A_670] {strides = array<i32>} : memref<2x160x64xf32, #tpu.memory_space<vmem>>, vector<1x1x16xf32>,
        %swap3A_672 = vector.shape_cast %swap3A_671 : vector<1x1x16xf32> to vector<16xf32>
        %swap3A_673 = vector.shape_cast %get3A_666 : vector<16xf32> to vector<1x1x16xf32>
        tpu.vector_store %arg7[%swap3A_668, %swap3A_669, %swap3A_670], %swap3A_673 {strides = array<i32>} : memref<2x160x64xf32, #tpu.memory_space<vmem>>, vector<1x1x16xf32>,
        %get3A_674 = arith.constant 0 : i32
        %get3A_675 = arith.index_cast %get3A_674 : i32 to index
        %get3A_676 = arith.index_cast %add3A_647 : i32 to index
        %get3A_677 = arith.constant 32 : index
        %get3A_678 = tpu.vector_load %arg6[%get3A_675, %get3A_676, %get3A_677] {strides = array<i32>} : memref<2x160x128xf32, #tpu.memory_space<vmem>>, vector<1x1x16xf32>,
        %get3A_679 = vector.shape_cast %get3A_678 : vector<1x1x16xf32> to vector<16xf32>
        %swap3A_680 = arith.constant 0 : i32
        %swap3A_681 = arith.index_cast %swap3A_680 : i32 to index
        %swap3A_682 = arith.index_cast %add3A_647 : i32 to index
        %swap3A_683 = arith.constant 32 : index
        %swap3A_684 = tpu.vector_load %arg7[%swap3A_681, %swap3A_682, %swap3A_683] {strides = array<i32>} : memref<2x160x64xf32, #tpu.memory_space<vmem>>, vector<1x1x16xf32>,
        %swap3A_685 = vector.shape_cast %swap3A_684 : vector<1x1x16xf32> to vector<16xf32>
        %swap3A_686 = vector.shape_cast %get3A_679 : vector<16xf32> to vector<1x1x16xf32>
        tpu.vector_store %arg7[%swap3A_681, %swap3A_682, %swap3A_683], %swap3A_686 {strides = array<i32>} : memref<2x160x64xf32, #tpu.memory_space<vmem>>, vector<1x1x16xf32>,
        %get3A_687 = arith.constant 0 : i32
        %get3A_688 = arith.index_cast %get3A_687 : i32 to index
        %get3A_689 = arith.index_cast %add3A_647 : i32 to index
        %get3A_690 = arith.constant 48 : index
        %get3A_691 = tpu.vector_load %arg6[%get3A_688, %get3A_689, %get3A_690] {strides = array<i32>} : memref<2x160x128xf32, #tpu.memory_space<vmem>>, vector<1x1x16xf32>,
        %get3A_692 = vector.shape_cast %get3A_691 : vector<1x1x16xf32> to vector<16xf32>
        %swap3A_693 = arith.constant 0 : i32
        %swap3A_694 = arith.index_cast %swap3A_693 : i32 to index
        %swap3A_695 = arith.index_cast %add3A_647 : i32 to index
        %swap3A_696 = arith.constant 48 : index
        %swap3A_697 = tpu.vector_load %arg7[%swap3A_694, %swap3A_695, %swap3A_696] {strides = array<i32>} : memref<2x160x64xf32, #tpu.memory_space<vmem>>, vector<1x1x16xf32>,
        %swap3A_698 = vector.shape_cast %swap3A_697 : vector<1x1x16xf32> to vector<16xf32>
        %swap3A_699 = vector.shape_cast %get3A_692 : vector<16xf32> to vector<1x1x16xf32>
        tpu.vector_store %arg7[%swap3A_694, %swap3A_695, %swap3A_696], %swap3A_699 {strides = array<i32>} : memref<2x160x64xf32, #tpu.memory_space<vmem>>, vector<1x1x16xf32>,
        %mul3A_700 = arith.constant 8 : i32
        %mul3A_701 = arith.muli %scan3A_309, %mul3A_700 : i32
        %add3A_702 = arith.constant 7 : i32
        %add3A_703 = arith.addi %mul3A_701, %add3A_702 : i32
        %get3A_704 = arith.constant 0 : i32
        %get3A_705 = arith.index_cast %get3A_704 : i32 to index
        %get3A_706 = arith.index_cast %add3A_703 : i32 to index
        %get3A_707 = arith.constant 0 : index
        %get3A_708 = tpu.vector_load %arg6[%get3A_705, %get3A_706, %get3A_707] {strides = array<i32>} : memref<2x160x128xf32, #tpu.memory_space<vmem>>, vector<1x1x16xf32>,
        %get3A_709 = vector.shape_cast %get3A_708 : vector<1x1x16xf32> to vector<16xf32>
        %swap3A_710 = arith.constant 0 : i32
        %swap3A_711 = arith.index_cast %swap3A_710 : i32 to index
        %swap3A_712 = arith.index_cast %add3A_703 : i32 to index
        %swap3A_713 = arith.constant 0 : index
        %swap3A_714 = tpu.vector_load %arg7[%swap3A_711, %swap3A_712, %swap3A_713] {strides = array<i32>} : memref<2x160x64xf32, #tpu.memory_space<vmem>>, vector<1x1x16xf32>,
        %swap3A_715 = vector.shape_cast %swap3A_714 : vector<1x1x16xf32> to vector<16xf32>
        %swap3A_716 = vector.shape_cast %get3A_709 : vector<16xf32> to vector<1x1x16xf32>
        tpu.vector_store %arg7[%swap3A_711, %swap3A_712, %swap3A_713], %swap3A_716 {strides = array<i32>} : memref<2x160x64xf32, #tpu.memory_space<vmem>>, vector<1x1x16xf32>,
        %get3A_717 = arith.constant 0 : i32
        %get3A_718 = arith.index_cast %get3A_717 : i32 to index
        %get3A_719 = arith.index_cast %add3A_703 : i32 to index
        %get3A_720 = arith.constant 16 : index
        %get3A_721 = tpu.vector_load %arg6[%get3A_718, %get3A_719, %get3A_720] {strides = array<i32>} : memref<2x160x128xf32, #tpu.memory_space<vmem>>, vector<1x1x16xf32>,
        %get3A_722 = vector.shape_cast %get3A_721 : vector<1x1x16xf32> to vector<16xf32>
        %swap3A_723 = arith.constant 0 : i32
        %swap3A_724 = arith.index_cast %swap3A_723 : i32 to index
        %swap3A_725 = arith.index_cast %add3A_703 : i32 to index
        %swap3A_726 = arith.constant 16 : index
        %swap3A_727 = tpu.vector_load %arg7[%swap3A_724, %swap3A_725, %swap3A_726] {strides = array<i32>} : memref<2x160x64xf32, #tpu.memory_space<vmem>>, vector<1x1x16xf32>,
        %swap3A_728 = vector.shape_cast %swap3A_727 : vector<1x1x16xf32> to vector<16xf32>
        %swap3A_729 = vector.shape_cast %get3A_722 : vector<16xf32> to vector<1x1x16xf32>
        tpu.vector_store %arg7[%swap3A_724, %swap3A_725, %swap3A_726], %swap3A_729 {strides = array<i32>} : memref<2x160x64xf32, #tpu.memory_space<vmem>>, vector<1x1x16xf32>,
        %get3A_730 = arith.constant 0 : i32
        %get3A_731 = arith.index_cast %get3A_730 : i32 to index
        %get3A_732 = arith.index_cast %add3A_703 : i32 to index
        %get3A_733 = arith.constant 32 : index
        %get3A_734 = tpu.vector_load %arg6[%get3A_731, %get3A_732, %get3A_733] {strides = array<i32>} : memref<2x160x128xf32, #tpu.memory_space<vmem>>, vector<1x1x16xf32>,
        %get3A_735 = vector.shape_cast %get3A_734 : vector<1x1x16xf32> to vector<16xf32>
        %swap3A_736 = arith.constant 0 : i32
        %swap3A_737 = arith.index_cast %swap3A_736 : i32 to index
        %swap3A_738 = arith.index_cast %add3A_703 : i32 to index
        %swap3A_739 = arith.constant 32 : index
        %swap3A_740 = tpu.vector_load %arg7[%swap3A_737, %swap3A_738, %swap3A_739] {strides = array<i32>} : memref<2x160x64xf32, #tpu.memory_space<vmem>>, vector<1x1x16xf32>,
        %swap3A_741 = vector.shape_cast %swap3A_740 : vector<1x1x16xf32> to vector<16xf32>
        %swap3A_742 = vector.shape_cast %get3A_735 : vector<16xf32> to vector<1x1x16xf32>
        tpu.vector_store %arg7[%swap3A_737, %swap3A_738, %swap3A_739], %swap3A_742 {strides = array<i32>} : memref<2x160x64xf32, #tpu.memory_space<vmem>>, vector<1x1x16xf32>,
        %get3A_743 = arith.constant 0 : i32
        %get3A_744 = arith.index_cast %get3A_743 : i32 to index
        %get3A_745 = arith.index_cast %add3A_703 : i32 to index
        %get3A_746 = arith.constant 48 : index
        %get3A_747 = tpu.vector_load %arg6[%get3A_744, %get3A_745, %get3A_746] {strides = array<i32>} : memref<2x160x128xf32, #tpu.memory_space<vmem>>, vector<1x1x16xf32>,
        %get3A_748 = vector.shape_cast %get3A_747 : vector<1x1x16xf32> to vector<16xf32>
        %swap3A_749 = arith.constant 0 : i32
        %swap3A_750 = arith.index_cast %swap3A_749 : i32 to index
        %swap3A_751 = arith.index_cast %add3A_703 : i32 to index
        %swap3A_752 = arith.constant 48 : index
        %swap3A_753 = tpu.vector_load %arg7[%swap3A_750, %swap3A_751, %swap3A_752] {strides = array<i32>} : memref<2x160x64xf32, #tpu.memory_space<vmem>>, vector<1x1x16xf32>,
        %swap3A_754 = vector.shape_cast %swap3A_753 : vector<1x1x16xf32> to vector<16xf32>
        %swap3A_755 = vector.shape_cast %get3A_748 : vector<16xf32> to vector<1x1x16xf32>
        tpu.vector_store %arg7[%swap3A_750, %swap3A_751, %swap3A_752], %swap3A_755 {strides = array<i32>} : memref<2x160x64xf32, #tpu.memory_space<vmem>>, vector<1x1x16xf32>,
      }
      %scan3A_166 = arith.constant 20 : i32
      %add3A_167 = arith.constant 0 : i32
      %add3A_168 = arith.addi %mul3A_144, %add3A_167 : i32
      %mul3A_169 = arith.constant 160 : i32
      %mul3A_170 = arith.muli %add3A_168, %mul3A_169 : i32
      %add3A_171 = arith.addi %mul3A_2, %mul3A_170 : i32
      %dma_start3A_172 = arith.constant 0 : i32
      %dma_start3A_173 = arith.constant 0 : i32
      %dma_start3A_174 = arith.constant 0 : i32
      %dma_start3A_175 = arith.constant 0 : i32
      %dma_start3A_176 = tpu.memref_slice %arg7[%dma_start3A_172, %dma_start3A_174, %dma_start3A_175] : memref<2x160x64xf32, #tpu.memory_space<vmem>> -> memref<1x160x64xf32, #tpu.memory_space<vmem>>
      %dma_start3A_177 = tpu.memref_squeeze %dma_start3A_176 : memref<1x160x64xf32, #tpu.memory_space<vmem>> -> memref<160x64xf32, #tpu.memory_space<vmem>>
      %dma_start3A_178 = arith.constant 0 : i32
      %dma_start3A_179 = tpu.memref_slice %arg4[%add3A_171, %dma_start3A_178] : memref<819200x64xf32, #tpu.memory_space<hbm>> -> memref<160x64xf32, #tpu.memory_space<hbm>>
      %dma_start3A_180 = tpu.memref_slice %arg9[%dma_start3A_173] : memref<2x!tpu.dma_semaphore, #tpu.memory_space<semaphore_mem>> -> memref<1x!tpu.dma_semaphore, #tpu.memory_space<semaphore_mem>>
      %dma_start3A_181 = tpu.memref_squeeze %dma_start3A_180 : memref<1x!tpu.dma_semaphore, #tpu.memory_space<semaphore_mem>> -> memref<!tpu.dma_semaphore, #tpu.memory_space<semaphore_mem>>
      %dma_start3A_182 = arith.constant 0 : i32
      %dma_start3A_183 = tpu.memref_slice %arg4[%add3A_171, %dma_start3A_182] : memref<819200x64xf32, #tpu.memory_space<hbm>> -> memref<160x64xf32, #tpu.memory_space<hbm>>
      %dma_start3A_184 = arith.constant 0 : i32
      %dma_start3A_185 = arith.constant 0 : i32
      %dma_start3A_186 = tpu.memref_slice %arg7[%dma_start3A_172, %dma_start3A_184, %dma_start3A_185] : memref<2x160x64xf32, #tpu.memory_space<vmem>> -> memref<1x160x64xf32, #tpu.memory_space<vmem>>
      %dma_start3A_187 = tpu.memref_squeeze %dma_start3A_186 : memref<1x160x64xf32, #tpu.memory_space<vmem>> -> memref<160x64xf32, #tpu.memory_space<vmem>>
      tpu.enqueue_dma source(%dma_start3A_187 : memref<160x64xf32, #tpu.memory_space<vmem>>) target(%dma_start3A_183 : memref<160x64xf32, #tpu.memory_space<hbm>>) target_semaphore(%dma_start3A_181 : memref<!tpu.dma_semaphore, #tpu.memory_space<semaphore_mem>>)
      %add3A_188 = arith.constant 1 : i32
      %add3A_189 = arith.addi %mul3A_144, %add3A_188 : i32
      %mul3A_190 = arith.constant 160 : i32
      %mul3A_191 = arith.muli %add3A_189, %mul3A_190 : i32
      %dma_wait3A_192 = arith.constant 1 : i32
      %dma_wait3A_193 = arith.constant 1 : i32
      %dma_wait3A_194 = arith.constant 0 : i32
      %dma_wait3A_195 = arith.constant 0 : i32
      %dma_wait3A_196 = tpu.memref_slice %arg6[%dma_wait3A_192, %dma_wait3A_194, %dma_wait3A_195] : memref<2x160x128xf32, #tpu.memory_space<vmem>> -> memref<1x160x128xf32, #tpu.memory_space<vmem>>
      %dma_wait3A_197 = tpu.memref_squeeze %dma_wait3A_196 : memref<1x160x128xf32, #tpu.memory_space<vmem>> -> memref<160x128xf32, #tpu.memory_space<vmem>>
      %dma_wait3A_198 = tpu.memref_slice %arg5[%mul3A_191] : memref<25600xi32, #tpu.memory_space<vmem>> -> memref<160xi32, #tpu.memory_space<vmem>>
      %dma_wait3A_199 = arith.constant 0 : i32
      %dma_wait3A_200 = arith.constant 0 : i32
      %dma_wait3A_201 = tpu.memref_slice %arg3[%dma_wait3A_199, %dma_wait3A_200] : memref<1000000x128xf32, #tpu.memory_space<hbm>> -> memref<1000000x128xf32, #tpu.memory_space<hbm>>
      %dma_wait3A_202 = tpu.memref_slice %arg8[%dma_wait3A_193] : memref<2x!tpu.dma_semaphore, #tpu.memory_space<semaphore_mem>> -> memref<1x!tpu.dma_semaphore, #tpu.memory_space<semaphore_mem>>
      %dma_wait3A_203 = tpu.memref_squeeze %dma_wait3A_202 : memref<1x!tpu.dma_semaphore, #tpu.memory_space<semaphore_mem>> -> memref<!tpu.dma_semaphore, #tpu.memory_space<semaphore_mem>>
      tpu.wait_indirect_dma semaphore(%dma_wait3A_203 : memref<!tpu.dma_semaphore, #tpu.memory_space<semaphore_mem>>) src(%dma_wait3A_201 : memref<1000000x128xf32, #tpu.memory_space<hbm>>) dst(%dma_wait3A_197 : memref<160x128xf32, #tpu.memory_space<vmem>>)
      %scan3A_204 = arith.constant 0 : i32
      %scan3A_205 = arith.constant 0 : i32
      %scan3A_206 = arith.constant 20 : i32
      %scan3A_207 = arith.addi %scan3A_205, %scan3A_206 : i32
      %scan3A_208 = arith.constant 1 : i32
      scf.for %scan3A_309 = %scan3A_205 to %scan3A_207 step %scan3A_208  : i32 {
        %mul3A_310 = arith.constant 8 : i32
        %mul3A_311 = arith.muli %scan3A_309, %mul3A_310 : i32
        %add3A_312 = arith.constant 0 : i32
        %add3A_313 = arith.addi %mul3A_311, %add3A_312 : i32
        %get3A = arith.constant 1 : i32
        %get3A_314 = arith.index_cast %get3A : i32 to index
        %get3A_315 = arith.index_cast %add3A_313 : i32 to index
        %get3A_316 = arith.constant 0 : index
        %get3A_317 = tpu.vector_load %arg6[%get3A_314, %get3A_315, %get3A_316] {strides = array<i32>} : memref<2x160x128xf32, #tpu.memory_space<vmem>>, vector<1x1x16xf32>,
        %get3A_318 = vector.shape_cast %get3A_317 : vector<1x1x16xf32> to vector<16xf32>
        %swap3A = arith.constant 1 : i32
        %swap3A_319 = arith.index_cast %swap3A : i32 to index
        %swap3A_320 = arith.index_cast %add3A_313 : i32 to index
        %swap3A_321 = arith.constant 0 : index
        %swap3A_322 = tpu.vector_load %arg7[%swap3A_319, %swap3A_320, %swap3A_321] {strides = array<i32>} : memref<2x160x64xf32, #tpu.memory_space<vmem>>, vector<1x1x16xf32>,
        %swap3A_323 = vector.shape_cast %swap3A_322 : vector<1x1x16xf32> to vector<16xf32>
        %swap3A_324 = vector.shape_cast %get3A_318 : vector<16xf32> to vector<1x1x16xf32>
        tpu.vector_store %arg7[%swap3A_319, %swap3A_320, %swap3A_321], %swap3A_324 {strides = array<i32>} : memref<2x160x64xf32, #tpu.memory_space<vmem>>, vector<1x1x16xf32>,
        %get3A_325 = arith.constant 1 : i32
        %get3A_326 = arith.index_cast %get3A_325 : i32 to index
        %get3A_327 = arith.index_cast %add3A_313 : i32 to index
        %get3A_328 = arith.constant 16 : index
        %get3A_329 = tpu.vector_load %arg6[%get3A_326, %get3A_327, %get3A_328] {strides = array<i32>} : memref<2x160x128xf32, #tpu.memory_space<vmem>>, vector<1x1x16xf32>,
        %get3A_330 = vector.shape_cast %get3A_329 : vector<1x1x16xf32> to vector<16xf32>
        %swap3A_331 = arith.constant 1 : i32
        %swap3A_332 = arith.index_cast %swap3A_331 : i32 to index
        %swap3A_333 = arith.index_cast %add3A_313 : i32 to index
        %swap3A_334 = arith.constant 16 : index
        %swap3A_335 = tpu.vector_load %arg7[%swap3A_332, %swap3A_333, %swap3A_334] {strides = array<i32>} : memref<2x160x64xf32, #tpu.memory_space<vmem>>, vector<1x1x16xf32>,
        %swap3A_336 = vector.shape_cast %swap3A_335 : vector<1x1x16xf32> to vector<16xf32>
        %swap3A_337 = vector.shape_cast %get3A_330 : vector<16xf32> to vector<1x1x16xf32>
        tpu.vector_store %arg7[%swap3A_332, %swap3A_333, %swap3A_334], %swap3A_337 {strides = array<i32>} : memref<2x160x64xf32, #tpu.memory_space<vmem>>, vector<1x1x16xf32>,
        %get3A_338 = arith.constant 1 : i32
        %get3A_339 = arith.index_cast %get3A_338 : i32 to index
        %get3A_340 = arith.index_cast %add3A_313 : i32 to index
        %get3A_341 = arith.constant 32 : index
        %get3A_342 = tpu.vector_load %arg6[%get3A_339, %get3A_340, %get3A_341] {strides = array<i32>} : memref<2x160x128xf32, #tpu.memory_space<vmem>>, vector<1x1x16xf32>,
        %get3A_343 = vector.shape_cast %get3A_342 : vector<1x1x16xf32> to vector<16xf32>
        %swap3A_344 = arith.constant 1 : i32
        %swap3A_345 = arith.index_cast %swap3A_344 : i32 to index
        %swap3A_346 = arith.index_cast %add3A_313 : i32 to index
        %swap3A_347 = arith.constant 32 : index
        %swap3A_348 = tpu.vector_load %arg7[%swap3A_345, %swap3A_346, %swap3A_347] {strides = array<i32>} : memref<2x160x64xf32, #tpu.memory_space<vmem>>, vector<1x1x16xf32>,
        %swap3A_349 = vector.shape_cast %swap3A_348 : vector<1x1x16xf32> to vector<16xf32>
        %swap3A_350 = vector.shape_cast %get3A_343 : vector<16xf32> to vector<1x1x16xf32>
        tpu.vector_store %arg7[%swap3A_345, %swap3A_346, %swap3A_347], %swap3A_350 {strides = array<i32>} : memref<2x160x64xf32, #tpu.memory_space<vmem>>, vector<1x1x16xf32>,
        %get3A_351 = arith.constant 1 : i32
        %get3A_352 = arith.index_cast %get3A_351 : i32 to index
        %get3A_353 = arith.index_cast %add3A_313 : i32 to index
        %get3A_354 = arith.constant 48 : index
        %get3A_355 = tpu.vector_load %arg6[%get3A_352, %get3A_353, %get3A_354] {strides = array<i32>} : memref<2x160x128xf32, #tpu.memory_space<vmem>>, vector<1x1x16xf32>,
        %get3A_356 = vector.shape_cast %get3A_355 : vector<1x1x16xf32> to vector<16xf32>
        %swap3A_357 = arith.constant 1 : i32
        %swap3A_358 = arith.index_cast %swap3A_357 : i32 to index
        %swap3A_359 = arith.index_cast %add3A_313 : i32 to index
        %swap3A_360 = arith.constant 48 : index
        %swap3A_361 = tpu.vector_load %arg7[%swap3A_358, %swap3A_359, %swap3A_360] {strides = array<i32>} : memref<2x160x64xf32, #tpu.memory_space<vmem>>, vector<1x1x16xf32>,
        %swap3A_362 = vector.shape_cast %swap3A_361 : vector<1x1x16xf32> to vector<16xf32>
        %swap3A_363 = vector.shape_cast %get3A_356 : vector<16xf32> to vector<1x1x16xf32>
        tpu.vector_store %arg7[%swap3A_358, %swap3A_359, %swap3A_360], %swap3A_363 {strides = array<i32>} : memref<2x160x64xf32, #tpu.memory_space<vmem>>, vector<1x1x16xf32>,
        %mul3A_364 = arith.constant 8 : i32
        %mul3A_365 = arith.muli %scan3A_309, %mul3A_364 : i32
        %add3A_366 = arith.constant 1 : i32
        %add3A_367 = arith.addi %mul3A_365, %add3A_366 : i32
        %get3A_368 = arith.constant 1 : i32
        %get3A_369 = arith.index_cast %get3A_368 : i32 to index
        %get3A_370 = arith.index_cast %add3A_367 : i32 to index
        %get3A_371 = arith.constant 0 : index
        %get3A_372 = tpu.vector_load %arg6[%get3A_369, %get3A_370, %get3A_371] {strides = array<i32>} : memref<2x160x128xf32, #tpu.memory_space<vmem>>, vector<1x1x16xf32>,
        %get3A_373 = vector.shape_cast %get3A_372 : vector<1x1x16xf32> to vector<16xf32>
        %swap3A_374 = arith.constant 1 : i32
        %swap3A_375 = arith.index_cast %swap3A_374 : i32 to index
        %swap3A_376 = arith.index_cast %add3A_367 : i32 to index
        %swap3A_377 = arith.constant 0 : index
        %swap3A_378 = tpu.vector_load %arg7[%swap3A_375, %swap3A_376, %swap3A_377] {strides = array<i32>} : memref<2x160x64xf32, #tpu.memory_space<vmem>>, vector<1x1x16xf32>,
        %swap3A_379 = vector.shape_cast %swap3A_378 : vector<1x1x16xf32> to vector<16xf32>
        %swap3A_380 = vector.shape_cast %get3A_373 : vector<16xf32> to vector<1x1x16xf32>
        tpu.vector_store %arg7[%swap3A_375, %swap3A_376, %swap3A_377], %swap3A_380 {strides = array<i32>} : memref<2x160x64xf32, #tpu.memory_space<vmem>>, vector<1x1x16xf32>,
        %get3A_381 = arith.constant 1 : i32
        %get3A_382 = arith.index_cast %get3A_381 : i32 to index
        %get3A_383 = arith.index_cast %add3A_367 : i32 to index
        %get3A_384 = arith.constant 16 : index
        %get3A_385 = tpu.vector_load %arg6[%get3A_382, %get3A_383, %get3A_384] {strides = array<i32>} : memref<2x160x128xf32, #tpu.memory_space<vmem>>, vector<1x1x16xf32>,
        %get3A_386 = vector.shape_cast %get3A_385 : vector<1x1x16xf32> to vector<16xf32>
        %swap3A_387 = arith.constant 1 : i32
        %swap3A_388 = arith.index_cast %swap3A_387 : i32 to index
        %swap3A_389 = arith.index_cast %add3A_367 : i32 to index
        %swap3A_390 = arith.constant 16 : index
        %swap3A_391 = tpu.vector_load %arg7[%swap3A_388, %swap3A_389, %swap3A_390] {strides = array<i32>} : memref<2x160x64xf32, #tpu.memory_space<vmem>>, vector<1x1x16xf32>,
        %swap3A_392 = vector.shape_cast %swap3A_391 : vector<1x1x16xf32> to vector<16xf32>
        %swap3A_393 = vector.shape_cast %get3A_386 : vector<16xf32> to vector<1x1x16xf32>
        tpu.vector_store %arg7[%swap3A_388, %swap3A_389, %swap3A_390], %swap3A_393 {strides = array<i32>} : memref<2x160x64xf32, #tpu.memory_space<vmem>>, vector<1x1x16xf32>,
        %get3A_394 = arith.constant 1 : i32
        %get3A_395 = arith.index_cast %get3A_394 : i32 to index
        %get3A_396 = arith.index_cast %add3A_367 : i32 to index
        %get3A_397 = arith.constant 32 : index
        %get3A_398 = tpu.vector_load %arg6[%get3A_395, %get3A_396, %get3A_397] {strides = array<i32>} : memref<2x160x128xf32, #tpu.memory_space<vmem>>, vector<1x1x16xf32>,
        %get3A_399 = vector.shape_cast %get3A_398 : vector<1x1x16xf32> to vector<16xf32>
        %swap3A_400 = arith.constant 1 : i32
        %swap3A_401 = arith.index_cast %swap3A_400 : i32 to index
        %swap3A_402 = arith.index_cast %add3A_367 : i32 to index
        %swap3A_403 = arith.constant 32 : index
        %swap3A_404 = tpu.vector_load %arg7[%swap3A_401, %swap3A_402, %swap3A_403] {strides = array<i32>} : memref<2x160x64xf32, #tpu.memory_space<vmem>>, vector<1x1x16xf32>,
        %swap3A_405 = vector.shape_cast %swap3A_404 : vector<1x1x16xf32> to vector<16xf32>
        %swap3A_406 = vector.shape_cast %get3A_399 : vector<16xf32> to vector<1x1x16xf32>
        tpu.vector_store %arg7[%swap3A_401, %swap3A_402, %swap3A_403], %swap3A_406 {strides = array<i32>} : memref<2x160x64xf32, #tpu.memory_space<vmem>>, vector<1x1x16xf32>,
        %get3A_407 = arith.constant 1 : i32
        %get3A_408 = arith.index_cast %get3A_407 : i32 to index
        %get3A_409 = arith.index_cast %add3A_367 : i32 to index
        %get3A_410 = arith.constant 48 : index
        %get3A_411 = tpu.vector_load %arg6[%get3A_408, %get3A_409, %get3A_410] {strides = array<i32>} : memref<2x160x128xf32, #tpu.memory_space<vmem>>, vector<1x1x16xf32>,
        %get3A_412 = vector.shape_cast %get3A_411 : vector<1x1x16xf32> to vector<16xf32>
        %swap3A_413 = arith.constant 1 : i32
        %swap3A_414 = arith.index_cast %swap3A_413 : i32 to index
        %swap3A_415 = arith.index_cast %add3A_367 : i32 to index
        %swap3A_416 = arith.constant 48 : index
        %swap3A_417 = tpu.vector_load %arg7[%swap3A_414, %swap3A_415, %swap3A_416] {strides = array<i32>} : memref<2x160x64xf32, #tpu.memory_space<vmem>>, vector<1x1x16xf32>,
        %swap3A_418 = vector.shape_cast %swap3A_417 : vector<1x1x16xf32> to vector<16xf32>
        %swap3A_419 = vector.shape_cast %get3A_412 : vector<16xf32> to vector<1x1x16xf32>
        tpu.vector_store %arg7[%swap3A_414, %swap3A_415, %swap3A_416], %swap3A_419 {strides = array<i32>} : memref<2x160x64xf32, #tpu.memory_space<vmem>>, vector<1x1x16xf32>,
        %mul3A_420 = arith.constant 8 : i32
        %mul3A_421 = arith.muli %scan3A_309, %mul3A_420 : i32
        %add3A_422 = arith.constant 2 : i32
        %add3A_423 = arith.addi %mul3A_421, %add3A_422 : i32
        %get3A_424 = arith.constant 1 : i32
        %get3A_425 = arith.index_cast %get3A_424 : i32 to index
        %get3A_426 = arith.index_cast %add3A_423 : i32 to index
        %get3A_427 = arith.constant 0 : index
        %get3A_428 = tpu.vector_load %arg6[%get3A_425, %get3A_426, %get3A_427] {strides = array<i32>} : memref<2x160x128xf32, #tpu.memory_space<vmem>>, vector<1x1x16xf32>,
        %get3A_429 = vector.shape_cast %get3A_428 : vector<1x1x16xf32> to vector<16xf32>
        %swap3A_430 = arith.constant 1 : i32
        %swap3A_431 = arith.index_cast %swap3A_430 : i32 to index
        %swap3A_432 = arith.index_cast %add3A_423 : i32 to index
        %swap3A_433 = arith.constant 0 : index
        %swap3A_434 = tpu.vector_load %arg7[%swap3A_431, %swap3A_432, %swap3A_433] {strides = array<i32>} : memref<2x160x64xf32, #tpu.memory_space<vmem>>, vector<1x1x16xf32>,
        %swap3A_435 = vector.shape_cast %swap3A_434 : vector<1x1x16xf32> to vector<16xf32>
        %swap3A_436 = vector.shape_cast %get3A_429 : vector<16xf32> to vector<1x1x16xf32>
        tpu.vector_store %arg7[%swap3A_431, %swap3A_432, %swap3A_433], %swap3A_436 {strides = array<i32>} : memref<2x160x64xf32, #tpu.memory_space<vmem>>, vector<1x1x16xf32>,
        %get3A_437 = arith.constant 1 : i32
        %get3A_438 = arith.index_cast %get3A_437 : i32 to index
        %get3A_439 = arith.index_cast %add3A_423 : i32 to index
        %get3A_440 = arith.constant 16 : index
        %get3A_441 = tpu.vector_load %arg6[%get3A_438, %get3A_439, %get3A_440] {strides = array<i32>} : memref<2x160x128xf32, #tpu.memory_space<vmem>>, vector<1x1x16xf32>,
        %get3A_442 = vector.shape_cast %get3A_441 : vector<1x1x16xf32> to vector<16xf32>
        %swap3A_443 = arith.constant 1 : i32
        %swap3A_444 = arith.index_cast %swap3A_443 : i32 to index
        %swap3A_445 = arith.index_cast %add3A_423 : i32 to index
        %swap3A_446 = arith.constant 16 : index
        %swap3A_447 = tpu.vector_load %arg7[%swap3A_444, %swap3A_445, %swap3A_446] {strides = array<i32>} : memref<2x160x64xf32, #tpu.memory_space<vmem>>, vector<1x1x16xf32>,
        %swap3A_448 = vector.shape_cast %swap3A_447 : vector<1x1x16xf32> to vector<16xf32>
        %swap3A_449 = vector.shape_cast %get3A_442 : vector<16xf32> to vector<1x1x16xf32>
        tpu.vector_store %arg7[%swap3A_444, %swap3A_445, %swap3A_446], %swap3A_449 {strides = array<i32>} : memref<2x160x64xf32, #tpu.memory_space<vmem>>, vector<1x1x16xf32>,
        %get3A_450 = arith.constant 1 : i32
        %get3A_451 = arith.index_cast %get3A_450 : i32 to index
        %get3A_452 = arith.index_cast %add3A_423 : i32 to index
        %get3A_453 = arith.constant 32 : index
        %get3A_454 = tpu.vector_load %arg6[%get3A_451, %get3A_452, %get3A_453] {strides = array<i32>} : memref<2x160x128xf32, #tpu.memory_space<vmem>>, vector<1x1x16xf32>,
        %get3A_455 = vector.shape_cast %get3A_454 : vector<1x1x16xf32> to vector<16xf32>
        %swap3A_456 = arith.constant 1 : i32
        %swap3A_457 = arith.index_cast %swap3A_456 : i32 to index
        %swap3A_458 = arith.index_cast %add3A_423 : i32 to index
        %swap3A_459 = arith.constant 32 : index
        %swap3A_460 = tpu.vector_load %arg7[%swap3A_457, %swap3A_458, %swap3A_459] {strides = array<i32>} : memref<2x160x64xf32, #tpu.memory_space<vmem>>, vector<1x1x16xf32>,
        %swap3A_461 = vector.shape_cast %swap3A_460 : vector<1x1x16xf32> to vector<16xf32>
        %swap3A_462 = vector.shape_cast %get3A_455 : vector<16xf32> to vector<1x1x16xf32>
        tpu.vector_store %arg7[%swap3A_457, %swap3A_458, %swap3A_459], %swap3A_462 {strides = array<i32>} : memref<2x160x64xf32, #tpu.memory_space<vmem>>, vector<1x1x16xf32>,
        %get3A_463 = arith.constant 1 : i32
        %get3A_464 = arith.index_cast %get3A_463 : i32 to index
        %get3A_465 = arith.index_cast %add3A_423 : i32 to index
        %get3A_466 = arith.constant 48 : index
        %get3A_467 = tpu.vector_load %arg6[%get3A_464, %get3A_465, %get3A_466] {strides = array<i32>} : memref<2x160x128xf32, #tpu.memory_space<vmem>>, vector<1x1x16xf32>,
        %get3A_468 = vector.shape_cast %get3A_467 : vector<1x1x16xf32> to vector<16xf32>
        %swap3A_469 = arith.constant 1 : i32
        %swap3A_470 = arith.index_cast %swap3A_469 : i32 to index
        %swap3A_471 = arith.index_cast %add3A_423 : i32 to index
        %swap3A_472 = arith.constant 48 : index
        %swap3A_473 = tpu.vector_load %arg7[%swap3A_470, %swap3A_471, %swap3A_472] {strides = array<i32>} : memref<2x160x64xf32, #tpu.memory_space<vmem>>, vector<1x1x16xf32>,
        %swap3A_474 = vector.shape_cast %swap3A_473 : vector<1x1x16xf32> to vector<16xf32>
        %swap3A_475 = vector.shape_cast %get3A_468 : vector<16xf32> to vector<1x1x16xf32>
        tpu.vector_store %arg7[%swap3A_470, %swap3A_471, %swap3A_472], %swap3A_475 {strides = array<i32>} : memref<2x160x64xf32, #tpu.memory_space<vmem>>, vector<1x1x16xf32>,
        %mul3A_476 = arith.constant 8 : i32
        %mul3A_477 = arith.muli %scan3A_309, %mul3A_476 : i32
        %add3A_478 = arith.constant 3 : i32
        %add3A_479 = arith.addi %mul3A_477, %add3A_478 : i32
        %get3A_480 = arith.constant 1 : i32
        %get3A_481 = arith.index_cast %get3A_480 : i32 to index
        %get3A_482 = arith.index_cast %add3A_479 : i32 to index
        %get3A_483 = arith.constant 0 : index
        %get3A_484 = tpu.vector_load %arg6[%get3A_481, %get3A_482, %get3A_483] {strides = array<i32>} : memref<2x160x128xf32, #tpu.memory_space<vmem>>, vector<1x1x16xf32>,
        %get3A_485 = vector.shape_cast %get3A_484 : vector<1x1x16xf32> to vector<16xf32>
        %swap3A_486 = arith.constant 1 : i32
        %swap3A_487 = arith.index_cast %swap3A_486 : i32 to index
        %swap3A_488 = arith.index_cast %add3A_479 : i32 to index
        %swap3A_489 = arith.constant 0 : index
        %swap3A_490 = tpu.vector_load %arg7[%swap3A_487, %swap3A_488, %swap3A_489] {strides = array<i32>} : memref<2x160x64xf32, #tpu.memory_space<vmem>>, vector<1x1x16xf32>,
        %swap3A_491 = vector.shape_cast %swap3A_490 : vector<1x1x16xf32> to vector<16xf32>
        %swap3A_492 = vector.shape_cast %get3A_485 : vector<16xf32> to vector<1x1x16xf32>
        tpu.vector_store %arg7[%swap3A_487, %swap3A_488, %swap3A_489], %swap3A_492 {strides = array<i32>} : memref<2x160x64xf32, #tpu.memory_space<vmem>>, vector<1x1x16xf32>,
        %get3A_493 = arith.constant 1 : i32
        %get3A_494 = arith.index_cast %get3A_493 : i32 to index
        %get3A_495 = arith.index_cast %add3A_479 : i32 to index
        %get3A_496 = arith.constant 16 : index
        %get3A_497 = tpu.vector_load %arg6[%get3A_494, %get3A_495, %get3A_496] {strides = array<i32>} : memref<2x160x128xf32, #tpu.memory_space<vmem>>, vector<1x1x16xf32>,
        %get3A_498 = vector.shape_cast %get3A_497 : vector<1x1x16xf32> to vector<16xf32>
        %swap3A_499 = arith.constant 1 : i32
        %swap3A_500 = arith.index_cast %swap3A_499 : i32 to index
        %swap3A_501 = arith.index_cast %add3A_479 : i32 to index
        %swap3A_502 = arith.constant 16 : index
        %swap3A_503 = tpu.vector_load %arg7[%swap3A_500, %swap3A_501, %swap3A_502] {strides = array<i32>} : memref<2x160x64xf32, #tpu.memory_space<vmem>>, vector<1x1x16xf32>,
        %swap3A_504 = vector.shape_cast %swap3A_503 : vector<1x1x16xf32> to vector<16xf32>
        %swap3A_505 = vector.shape_cast %get3A_498 : vector<16xf32> to vector<1x1x16xf32>
        tpu.vector_store %arg7[%swap3A_500, %swap3A_501, %swap3A_502], %swap3A_505 {strides = array<i32>} : memref<2x160x64xf32, #tpu.memory_space<vmem>>, vector<1x1x16xf32>,
        %get3A_506 = arith.constant 1 : i32
        %get3A_507 = arith.index_cast %get3A_506 : i32 to index
        %get3A_508 = arith.index_cast %add3A_479 : i32 to index
        %get3A_509 = arith.constant 32 : index
        %get3A_510 = tpu.vector_load %arg6[%get3A_507, %get3A_508, %get3A_509] {strides = array<i32>} : memref<2x160x128xf32, #tpu.memory_space<vmem>>, vector<1x1x16xf32>,
        %get3A_511 = vector.shape_cast %get3A_510 : vector<1x1x16xf32> to vector<16xf32>
        %swap3A_512 = arith.constant 1 : i32
        %swap3A_513 = arith.index_cast %swap3A_512 : i32 to index
        %swap3A_514 = arith.index_cast %add3A_479 : i32 to index
        %swap3A_515 = arith.constant 32 : index
        %swap3A_516 = tpu.vector_load %arg7[%swap3A_513, %swap3A_514, %swap3A_515] {strides = array<i32>} : memref<2x160x64xf32, #tpu.memory_space<vmem>>, vector<1x1x16xf32>,
        %swap3A_517 = vector.shape_cast %swap3A_516 : vector<1x1x16xf32> to vector<16xf32>
        %swap3A_518 = vector.shape_cast %get3A_511 : vector<16xf32> to vector<1x1x16xf32>
        tpu.vector_store %arg7[%swap3A_513, %swap3A_514, %swap3A_515], %swap3A_518 {strides = array<i32>} : memref<2x160x64xf32, #tpu.memory_space<vmem>>, vector<1x1x16xf32>,
        %get3A_519 = arith.constant 1 : i32
        %get3A_520 = arith.index_cast %get3A_519 : i32 to index
        %get3A_521 = arith.index_cast %add3A_479 : i32 to index
        %get3A_522 = arith.constant 48 : index
        %get3A_523 = tpu.vector_load %arg6[%get3A_520, %get3A_521, %get3A_522] {strides = array<i32>} : memref<2x160x128xf32, #tpu.memory_space<vmem>>, vector<1x1x16xf32>,
        %get3A_524 = vector.shape_cast %get3A_523 : vector<1x1x16xf32> to vector<16xf32>
        %swap3A_525 = arith.constant 1 : i32
        %swap3A_526 = arith.index_cast %swap3A_525 : i32 to index
        %swap3A_527 = arith.index_cast %add3A_479 : i32 to index
        %swap3A_528 = arith.constant 48 : index
        %swap3A_529 = tpu.vector_load %arg7[%swap3A_526, %swap3A_527, %swap3A_528] {strides = array<i32>} : memref<2x160x64xf32, #tpu.memory_space<vmem>>, vector<1x1x16xf32>,
        %swap3A_530 = vector.shape_cast %swap3A_529 : vector<1x1x16xf32> to vector<16xf32>
        %swap3A_531 = vector.shape_cast %get3A_524 : vector<16xf32> to vector<1x1x16xf32>
        tpu.vector_store %arg7[%swap3A_526, %swap3A_527, %swap3A_528], %swap3A_531 {strides = array<i32>} : memref<2x160x64xf32, #tpu.memory_space<vmem>>, vector<1x1x16xf32>,
        %mul3A_532 = arith.constant 8 : i32
        %mul3A_533 = arith.muli %scan3A_309, %mul3A_532 : i32
        %add3A_534 = arith.constant 4 : i32
        %add3A_535 = arith.addi %mul3A_533, %add3A_534 : i32
        %get3A_536 = arith.constant 1 : i32
        %get3A_537 = arith.index_cast %get3A_536 : i32 to index
        %get3A_538 = arith.index_cast %add3A_535 : i32 to index
        %get3A_539 = arith.constant 0 : index
        %get3A_540 = tpu.vector_load %arg6[%get3A_537, %get3A_538, %get3A_539] {strides = array<i32>} : memref<2x160x128xf32, #tpu.memory_space<vmem>>, vector<1x1x16xf32>,
        %get3A_541 = vector.shape_cast %get3A_540 : vector<1x1x16xf32> to vector<16xf32>
        %swap3A_542 = arith.constant 1 : i32
        %swap3A_543 = arith.index_cast %swap3A_542 : i32 to index
        %swap3A_544 = arith.index_cast %add3A_535 : i32 to index
        %swap3A_545 = arith.constant 0 : index
        %swap3A_546 = tpu.vector_load %arg7[%swap3A_543, %swap3A_544, %swap3A_545] {strides = array<i32>} : memref<2x160x64xf32, #tpu.memory_space<vmem>>, vector<1x1x16xf32>,
        %swap3A_547 = vector.shape_cast %swap3A_546 : vector<1x1x16xf32> to vector<16xf32>
        %swap3A_548 = vector.shape_cast %get3A_541 : vector<16xf32> to vector<1x1x16xf32>
        tpu.vector_store %arg7[%swap3A_543, %swap3A_544, %swap3A_545], %swap3A_548 {strides = array<i32>} : memref<2x160x64xf32, #tpu.memory_space<vmem>>, vector<1x1x16xf32>,
        %get3A_549 = arith.constant 1 : i32
        %get3A_550 = arith.index_cast %get3A_549 : i32 to index
        %get3A_551 = arith.index_cast %add3A_535 : i32 to index
        %get3A_552 = arith.constant 16 : index
        %get3A_553 = tpu.vector_load %arg6[%get3A_550, %get3A_551, %get3A_552] {strides = array<i32>} : memref<2x160x128xf32, #tpu.memory_space<vmem>>, vector<1x1x16xf32>,
        %get3A_554 = vector.shape_cast %get3A_553 : vector<1x1x16xf32> to vector<16xf32>
        %swap3A_555 = arith.constant 1 : i32
        %swap3A_556 = arith.index_cast %swap3A_555 : i32 to index
        %swap3A_557 = arith.index_cast %add3A_535 : i32 to index
        %swap3A_558 = arith.constant 16 : index
        %swap3A_559 = tpu.vector_load %arg7[%swap3A_556, %swap3A_557, %swap3A_558] {strides = array<i32>} : memref<2x160x64xf32, #tpu.memory_space<vmem>>, vector<1x1x16xf32>,
        %swap3A_560 = vector.shape_cast %swap3A_559 : vector<1x1x16xf32> to vector<16xf32>
        %swap3A_561 = vector.shape_cast %get3A_554 : vector<16xf32> to vector<1x1x16xf32>
        tpu.vector_store %arg7[%swap3A_556, %swap3A_557, %swap3A_558], %swap3A_561 {strides = array<i32>} : memref<2x160x64xf32, #tpu.memory_space<vmem>>, vector<1x1x16xf32>,
        %get3A_562 = arith.constant 1 : i32
        %get3A_563 = arith.index_cast %get3A_562 : i32 to index
        %get3A_564 = arith.index_cast %add3A_535 : i32 to index
        %get3A_565 = arith.constant 32 : index
        %get3A_566 = tpu.vector_load %arg6[%get3A_563, %get3A_564, %get3A_565] {strides = array<i32>} : memref<2x160x128xf32, #tpu.memory_space<vmem>>, vector<1x1x16xf32>,
        %get3A_567 = vector.shape_cast %get3A_566 : vector<1x1x16xf32> to vector<16xf32>
        %swap3A_568 = arith.constant 1 : i32
        %swap3A_569 = arith.index_cast %swap3A_568 : i32 to index
        %swap3A_570 = arith.index_cast %add3A_535 : i32 to index
        %swap3A_571 = arith.constant 32 : index
        %swap3A_572 = tpu.vector_load %arg7[%swap3A_569, %swap3A_570, %swap3A_571] {strides = array<i32>} : memref<2x160x64xf32, #tpu.memory_space<vmem>>, vector<1x1x16xf32>,
        %swap3A_573 = vector.shape_cast %swap3A_572 : vector<1x1x16xf32> to vector<16xf32>
        %swap3A_574 = vector.shape_cast %get3A_567 : vector<16xf32> to vector<1x1x16xf32>
        tpu.vector_store %arg7[%swap3A_569, %swap3A_570, %swap3A_571], %swap3A_574 {strides = array<i32>} : memref<2x160x64xf32, #tpu.memory_space<vmem>>, vector<1x1x16xf32>,
        %get3A_575 = arith.constant 1 : i32
        %get3A_576 = arith.index_cast %get3A_575 : i32 to index
        %get3A_577 = arith.index_cast %add3A_535 : i32 to index
        %get3A_578 = arith.constant 48 : index
        %get3A_579 = tpu.vector_load %arg6[%get3A_576, %get3A_577, %get3A_578] {strides = array<i32>} : memref<2x160x128xf32, #tpu.memory_space<vmem>>, vector<1x1x16xf32>,
        %get3A_580 = vector.shape_cast %get3A_579 : vector<1x1x16xf32> to vector<16xf32>
        %swap3A_581 = arith.constant 1 : i32
        %swap3A_582 = arith.index_cast %swap3A_581 : i32 to index
        %swap3A_583 = arith.index_cast %add3A_535 : i32 to index
        %swap3A_584 = arith.constant 48 : index
        %swap3A_585 = tpu.vector_load %arg7[%swap3A_582, %swap3A_583, %swap3A_584] {strides = array<i32>} : memref<2x160x64xf32, #tpu.memory_space<vmem>>, vector<1x1x16xf32>,
        %swap3A_586 = vector.shape_cast %swap3A_585 : vector<1x1x16xf32> to vector<16xf32>
        %swap3A_587 = vector.shape_cast %get3A_580 : vector<16xf32> to vector<1x1x16xf32>
        tpu.vector_store %arg7[%swap3A_582, %swap3A_583, %swap3A_584], %swap3A_587 {strides = array<i32>} : memref<2x160x64xf32, #tpu.memory_space<vmem>>, vector<1x1x16xf32>,
        %mul3A_588 = arith.constant 8 : i32
        %mul3A_589 = arith.muli %scan3A_309, %mul3A_588 : i32
        %add3A_590 = arith.constant 5 : i32
        %add3A_591 = arith.addi %mul3A_589, %add3A_590 : i32
        %get3A_592 = arith.constant 1 : i32
        %get3A_593 = arith.index_cast %get3A_592 : i32 to index
        %get3A_594 = arith.index_cast %add3A_591 : i32 to index
        %get3A_595 = arith.constant 0 : index
        %get3A_596 = tpu.vector_load %arg6[%get3A_593, %get3A_594, %get3A_595] {strides = array<i32>} : memref<2x160x128xf32, #tpu.memory_space<vmem>>, vector<1x1x16xf32>,
        %get3A_597 = vector.shape_cast %get3A_596 : vector<1x1x16xf32> to vector<16xf32>
        %swap3A_598 = arith.constant 1 : i32
        %swap3A_599 = arith.index_cast %swap3A_598 : i32 to index
        %swap3A_600 = arith.index_cast %add3A_591 : i32 to index
        %swap3A_601 = arith.constant 0 : index
        %swap3A_602 = tpu.vector_load %arg7[%swap3A_599, %swap3A_600, %swap3A_601] {strides = array<i32>} : memref<2x160x64xf32, #tpu.memory_space<vmem>>, vector<1x1x16xf32>,
        %swap3A_603 = vector.shape_cast %swap3A_602 : vector<1x1x16xf32> to vector<16xf32>
        %swap3A_604 = vector.shape_cast %get3A_597 : vector<16xf32> to vector<1x1x16xf32>
        tpu.vector_store %arg7[%swap3A_599, %swap3A_600, %swap3A_601], %swap3A_604 {strides = array<i32>} : memref<2x160x64xf32, #tpu.memory_space<vmem>>, vector<1x1x16xf32>,
        %get3A_605 = arith.constant 1 : i32
        %get3A_606 = arith.index_cast %get3A_605 : i32 to index
        %get3A_607 = arith.index_cast %add3A_591 : i32 to index
        %get3A_608 = arith.constant 16 : index
        %get3A_609 = tpu.vector_load %arg6[%get3A_606, %get3A_607, %get3A_608] {strides = array<i32>} : memref<2x160x128xf32, #tpu.memory_space<vmem>>, vector<1x1x16xf32>,
        %get3A_610 = vector.shape_cast %get3A_609 : vector<1x1x16xf32> to vector<16xf32>
        %swap3A_611 = arith.constant 1 : i32
        %swap3A_612 = arith.index_cast %swap3A_611 : i32 to index
        %swap3A_613 = arith.index_cast %add3A_591 : i32 to index
        %swap3A_614 = arith.constant 16 : index
        %swap3A_615 = tpu.vector_load %arg7[%swap3A_612, %swap3A_613, %swap3A_614] {strides = array<i32>} : memref<2x160x64xf32, #tpu.memory_space<vmem>>, vector<1x1x16xf32>,
        %swap3A_616 = vector.shape_cast %swap3A_615 : vector<1x1x16xf32> to vector<16xf32>
        %swap3A_617 = vector.shape_cast %get3A_610 : vector<16xf32> to vector<1x1x16xf32>
        tpu.vector_store %arg7[%swap3A_612, %swap3A_613, %swap3A_614], %swap3A_617 {strides = array<i32>} : memref<2x160x64xf32, #tpu.memory_space<vmem>>, vector<1x1x16xf32>,
        %get3A_618 = arith.constant 1 : i32
        %get3A_619 = arith.index_cast %get3A_618 : i32 to index
        %get3A_620 = arith.index_cast %add3A_591 : i32 to index
        %get3A_621 = arith.constant 32 : index
        %get3A_622 = tpu.vector_load %arg6[%get3A_619, %get3A_620, %get3A_621] {strides = array<i32>} : memref<2x160x128xf32, #tpu.memory_space<vmem>>, vector<1x1x16xf32>,
        %get3A_623 = vector.shape_cast %get3A_622 : vector<1x1x16xf32> to vector<16xf32>
        %swap3A_624 = arith.constant 1 : i32
        %swap3A_625 = arith.index_cast %swap3A_624 : i32 to index
        %swap3A_626 = arith.index_cast %add3A_591 : i32 to index
        %swap3A_627 = arith.constant 32 : index
        %swap3A_628 = tpu.vector_load %arg7[%swap3A_625, %swap3A_626, %swap3A_627] {strides = array<i32>} : memref<2x160x64xf32, #tpu.memory_space<vmem>>, vector<1x1x16xf32>,
        %swap3A_629 = vector.shape_cast %swap3A_628 : vector<1x1x16xf32> to vector<16xf32>
        %swap3A_630 = vector.shape_cast %get3A_623 : vector<16xf32> to vector<1x1x16xf32>
        tpu.vector_store %arg7[%swap3A_625, %swap3A_626, %swap3A_627], %swap3A_630 {strides = array<i32>} : memref<2x160x64xf32, #tpu.memory_space<vmem>>, vector<1x1x16xf32>,
        %get3A_631 = arith.constant 1 : i32
        %get3A_632 = arith.index_cast %get3A_631 : i32 to index
        %get3A_633 = arith.index_cast %add3A_591 : i32 to index
        %get3A_634 = arith.constant 48 : index
        %get3A_635 = tpu.vector_load %arg6[%get3A_632, %get3A_633, %get3A_634] {strides = array<i32>} : memref<2x160x128xf32, #tpu.memory_space<vmem>>, vector<1x1x16xf32>,
        %get3A_636 = vector.shape_cast %get3A_635 : vector<1x1x16xf32> to vector<16xf32>
        %swap3A_637 = arith.constant 1 : i32
        %swap3A_638 = arith.index_cast %swap3A_637 : i32 to index
        %swap3A_639 = arith.index_cast %add3A_591 : i32 to index
        %swap3A_640 = arith.constant 48 : index
        %swap3A_641 = tpu.vector_load %arg7[%swap3A_638, %swap3A_639, %swap3A_640] {strides = array<i32>} : memref<2x160x64xf32, #tpu.memory_space<vmem>>, vector<1x1x16xf32>,
        %swap3A_642 = vector.shape_cast %swap3A_641 : vector<1x1x16xf32> to vector<16xf32>
        %swap3A_643 = vector.shape_cast %get3A_636 : vector<16xf32> to vector<1x1x16xf32>
        tpu.vector_store %arg7[%swap3A_638, %swap3A_639, %swap3A_640], %swap3A_643 {strides = array<i32>} : memref<2x160x64xf32, #tpu.memory_space<vmem>>, vector<1x1x16xf32>,
        %mul3A_644 = arith.constant 8 : i32
        %mul3A_645 = arith.muli %scan3A_309, %mul3A_644 : i32
        %add3A_646 = arith.constant 6 : i32
        %add3A_647 = arith.addi %mul3A_645, %add3A_646 : i32
        %get3A_648 = arith.constant 1 : i32
        %get3A_649 = arith.index_cast %get3A_648 : i32 to index
        %get3A_650 = arith.index_cast %add3A_647 : i32 to index
        %get3A_651 = arith.constant 0 : index
        %get3A_652 = tpu.vector_load %arg6[%get3A_649, %get3A_650, %get3A_651] {strides = array<i32>} : memref<2x160x128xf32, #tpu.memory_space<vmem>>, vector<1x1x16xf32>,
        %get3A_653 = vector.shape_cast %get3A_652 : vector<1x1x16xf32> to vector<16xf32>
        %swap3A_654 = arith.constant 1 : i32
        %swap3A_655 = arith.index_cast %swap3A_654 : i32 to index
        %swap3A_656 = arith.index_cast %add3A_647 : i32 to index
        %swap3A_657 = arith.constant 0 : index
        %swap3A_658 = tpu.vector_load %arg7[%swap3A_655, %swap3A_656, %swap3A_657] {strides = array<i32>} : memref<2x160x64xf32, #tpu.memory_space<vmem>>, vector<1x1x16xf32>,
        %swap3A_659 = vector.shape_cast %swap3A_658 : vector<1x1x16xf32> to vector<16xf32>
        %swap3A_660 = vector.shape_cast %get3A_653 : vector<16xf32> to vector<1x1x16xf32>
        tpu.vector_store %arg7[%swap3A_655, %swap3A_656, %swap3A_657], %swap3A_660 {strides = array<i32>} : memref<2x160x64xf32, #tpu.memory_space<vmem>>, vector<1x1x16xf32>,
        %get3A_661 = arith.constant 1 : i32
        %get3A_662 = arith.index_cast %get3A_661 : i32 to index
        %get3A_663 = arith.index_cast %add3A_647 : i32 to index
        %get3A_664 = arith.constant 16 : index
        %get3A_665 = tpu.vector_load %arg6[%get3A_662, %get3A_663, %get3A_664] {strides = array<i32>} : memref<2x160x128xf32, #tpu.memory_space<vmem>>, vector<1x1x16xf32>,
        %get3A_666 = vector.shape_cast %get3A_665 : vector<1x1x16xf32> to vector<16xf32>
        %swap3A_667 = arith.constant 1 : i32
        %swap3A_668 = arith.index_cast %swap3A_667 : i32 to index
        %swap3A_669 = arith.index_cast %add3A_647 : i32 to index
        %swap3A_670 = arith.constant 16 : index
        %swap3A_671 = tpu.vector_load %arg7[%swap3A_668, %swap3A_669, %swap3A_670] {strides = array<i32>} : memref<2x160x64xf32, #tpu.memory_space<vmem>>, vector<1x1x16xf32>,
        %swap3A_672 = vector.shape_cast %swap3A_671 : vector<1x1x16xf32> to vector<16xf32>
        %swap3A_673 = vector.shape_cast %get3A_666 : vector<16xf32> to vector<1x1x16xf32>
        tpu.vector_store %arg7[%swap3A_668, %swap3A_669, %swap3A_670], %swap3A_673 {strides = array<i32>} : memref<2x160x64xf32, #tpu.memory_space<vmem>>, vector<1x1x16xf32>,
        %get3A_674 = arith.constant 1 : i32
        %get3A_675 = arith.index_cast %get3A_674 : i32 to index
        %get3A_676 = arith.index_cast %add3A_647 : i32 to index
        %get3A_677 = arith.constant 32 : index
        %get3A_678 = tpu.vector_load %arg6[%get3A_675, %get3A_676, %get3A_677] {strides = array<i32>} : memref<2x160x128xf32, #tpu.memory_space<vmem>>, vector<1x1x16xf32>,
        %get3A_679 = vector.shape_cast %get3A_678 : vector<1x1x16xf32> to vector<16xf32>
        %swap3A_680 = arith.constant 1 : i32
        %swap3A_681 = arith.index_cast %swap3A_680 : i32 to index
        %swap3A_682 = arith.index_cast %add3A_647 : i32 to index
        %swap3A_683 = arith.constant 32 : index
        %swap3A_684 = tpu.vector_load %arg7[%swap3A_681, %swap3A_682, %swap3A_683] {strides = array<i32>} : memref<2x160x64xf32, #tpu.memory_space<vmem>>, vector<1x1x16xf32>,
        %swap3A_685 = vector.shape_cast %swap3A_684 : vector<1x1x16xf32> to vector<16xf32>
        %swap3A_686 = vector.shape_cast %get3A_679 : vector<16xf32> to vector<1x1x16xf32>
        tpu.vector_store %arg7[%swap3A_681, %swap3A_682, %swap3A_683], %swap3A_686 {strides = array<i32>} : memref<2x160x64xf32, #tpu.memory_space<vmem>>, vector<1x1x16xf32>,
        %get3A_687 = arith.constant 1 : i32
        %get3A_688 = arith.index_cast %get3A_687 : i32 to index
        %get3A_689 = arith.index_cast %add3A_647 : i32 to index
        %get3A_690 = arith.constant 48 : index
        %get3A_691 = tpu.vector_load %arg6[%get3A_688, %get3A_689, %get3A_690] {strides = array<i32>} : memref<2x160x128xf32, #tpu.memory_space<vmem>>, vector<1x1x16xf32>,
        %get3A_692 = vector.shape_cast %get3A_691 : vector<1x1x16xf32> to vector<16xf32>
        %swap3A_693 = arith.constant 1 : i32
        %swap3A_694 = arith.index_cast %swap3A_693 : i32 to index
        %swap3A_695 = arith.index_cast %add3A_647 : i32 to index
        %swap3A_696 = arith.constant 48 : index
        %swap3A_697 = tpu.vector_load %arg7[%swap3A_694, %swap3A_695, %swap3A_696] {strides = array<i32>} : memref<2x160x64xf32, #tpu.memory_space<vmem>>, vector<1x1x16xf32>,
        %swap3A_698 = vector.shape_cast %swap3A_697 : vector<1x1x16xf32> to vector<16xf32>
        %swap3A_699 = vector.shape_cast %get3A_692 : vector<16xf32> to vector<1x1x16xf32>
        tpu.vector_store %arg7[%swap3A_694, %swap3A_695, %swap3A_696], %swap3A_699 {strides = array<i32>} : memref<2x160x64xf32, #tpu.memory_space<vmem>>, vector<1x1x16xf32>,
        %mul3A_700 = arith.constant 8 : i32
        %mul3A_701 = arith.muli %scan3A_309, %mul3A_700 : i32
        %add3A_702 = arith.constant 7 : i32
        %add3A_703 = arith.addi %mul3A_701, %add3A_702 : i32
        %get3A_704 = arith.constant 1 : i32
        %get3A_705 = arith.index_cast %get3A_704 : i32 to index
        %get3A_706 = arith.index_cast %add3A_703 : i32 to index
        %get3A_707 = arith.constant 0 : index
        %get3A_708 = tpu.vector_load %arg6[%get3A_705, %get3A_706, %get3A_707] {strides = array<i32>} : memref<2x160x128xf32, #tpu.memory_space<vmem>>, vector<1x1x16xf32>,
        %get3A_709 = vector.shape_cast %get3A_708 : vector<1x1x16xf32> to vector<16xf32>
        %swap3A_710 = arith.constant 1 : i32
        %swap3A_711 = arith.index_cast %swap3A_710 : i32 to index
        %swap3A_712 = arith.index_cast %add3A_703 : i32 to index
        %swap3A_713 = arith.constant 0 : index
        %swap3A_714 = tpu.vector_load %arg7[%swap3A_711, %swap3A_712, %swap3A_713] {strides = array<i32>} : memref<2x160x64xf32, #tpu.memory_space<vmem>>, vector<1x1x16xf32>,
        %swap3A_715 = vector.shape_cast %swap3A_714 : vector<1x1x16xf32> to vector<16xf32>
        %swap3A_716 = vector.shape_cast %get3A_709 : vector<16xf32> to vector<1x1x16xf32>
        tpu.vector_store %arg7[%swap3A_711, %swap3A_712, %swap3A_713], %swap3A_716 {strides = array<i32>} : memref<2x160x64xf32, #tpu.memory_space<vmem>>, vector<1x1x16xf32>,
        %get3A_717 = arith.constant 1 : i32
        %get3A_718 = arith.index_cast %get3A_717 : i32 to index
        %get3A_719 = arith.index_cast %add3A_703 : i32 to index
        %get3A_720 = arith.constant 16 : index
        %get3A_721 = tpu.vector_load %arg6[%get3A_718, %get3A_719, %get3A_720] {strides = array<i32>} : memref<2x160x128xf32, #tpu.memory_space<vmem>>, vector<1x1x16xf32>,
        %get3A_722 = vector.shape_cast %get3A_721 : vector<1x1x16xf32> to vector<16xf32>
        %swap3A_723 = arith.constant 1 : i32
        %swap3A_724 = arith.index_cast %swap3A_723 : i32 to index
        %swap3A_725 = arith.index_cast %add3A_703 : i32 to index
        %swap3A_726 = arith.constant 16 : index
        %swap3A_727 = tpu.vector_load %arg7[%swap3A_724, %swap3A_725, %swap3A_726] {strides = array<i32>} : memref<2x160x64xf32, #tpu.memory_space<vmem>>, vector<1x1x16xf32>,
        %swap3A_728 = vector.shape_cast %swap3A_727 : vector<1x1x16xf32> to vector<16xf32>
        %swap3A_729 = vector.shape_cast %get3A_722 : vector<16xf32> to vector<1x1x16xf32>
        tpu.vector_store %arg7[%swap3A_724, %swap3A_725, %swap3A_726], %swap3A_729 {strides = array<i32>} : memref<2x160x64xf32, #tpu.memory_space<vmem>>, vector<1x1x16xf32>,
        %get3A_730 = arith.constant 1 : i32
        %get3A_731 = arith.index_cast %get3A_730 : i32 to index
        %get3A_732 = arith.index_cast %add3A_703 : i32 to index
        %get3A_733 = arith.constant 32 : index
        %get3A_734 = tpu.vector_load %arg6[%get3A_731, %get3A_732, %get3A_733] {strides = array<i32>} : memref<2x160x128xf32, #tpu.memory_space<vmem>>, vector<1x1x16xf32>,
        %get3A_735 = vector.shape_cast %get3A_734 : vector<1x1x16xf32> to vector<16xf32>
        %swap3A_736 = arith.constant 1 : i32
        %swap3A_737 = arith.index_cast %swap3A_736 : i32 to index
        %swap3A_738 = arith.index_cast %add3A_703 : i32 to index
        %swap3A_739 = arith.constant 32 : index
        %swap3A_740 = tpu.vector_load %arg7[%swap3A_737, %swap3A_738, %swap3A_739] {strides = array<i32>} : memref<2x160x64xf32, #tpu.memory_space<vmem>>, vector<1x1x16xf32>,
        %swap3A_741 = vector.shape_cast %swap3A_740 : vector<1x1x16xf32> to vector<16xf32>
        %swap3A_742 = vector.shape_cast %get3A_735 : vector<16xf32> to vector<1x1x16xf32>
        tpu.vector_store %arg7[%swap3A_737, %swap3A_738, %swap3A_739], %swap3A_742 {strides = array<i32>} : memref<2x160x64xf32, #tpu.memory_space<vmem>>, vector<1x1x16xf32>,
        %get3A_743 = arith.constant 1 : i32
        %get3A_744 = arith.index_cast %get3A_743 : i32 to index
        %get3A_745 = arith.index_cast %add3A_703 : i32 to index
        %get3A_746 = arith.constant 48 : index
        %get3A_747 = tpu.vector_load %arg6[%get3A_744, %get3A_745, %get3A_746] {strides = array<i32>} : memref<2x160x128xf32, #tpu.memory_space<vmem>>, vector<1x1x16xf32>,
        %get3A_748 = vector.shape_cast %get3A_747 : vector<1x1x16xf32> to vector<16xf32>
        %swap3A_749 = arith.constant 1 : i32
        %swap3A_750 = arith.index_cast %swap3A_749 : i32 to index
        %swap3A_751 = arith.index_cast %add3A_703 : i32 to index
        %swap3A_752 = arith.constant 48 : index
        %swap3A_753 = tpu.vector_load %arg7[%swap3A_750, %swap3A_751, %swap3A_752] {strides = array<i32>} : memref<2x160x64xf32, #tpu.memory_space<vmem>>, vector<1x1x16xf32>,
        %swap3A_754 = vector.shape_cast %swap3A_753 : vector<1x1x16xf32> to vector<16xf32>
        %swap3A_755 = vector.shape_cast %get3A_748 : vector<16xf32> to vector<1x1x16xf32>
        tpu.vector_store %arg7[%swap3A_750, %swap3A_751, %swap3A_752], %swap3A_755 {strides = array<i32>} : memref<2x160x64xf32, #tpu.memory_space<vmem>>, vector<1x1x16xf32>,
      }
      %scan3A_209 = arith.constant 20 : i32
      %add3A_210 = arith.constant 1 : i32
      %add3A_211 = arith.addi %mul3A_144, %add3A_210 : i32
      %mul3A_212 = arith.constant 160 : i32
      %mul3A_213 = arith.muli %add3A_211, %mul3A_212 : i32
      %add3A_214 = arith.addi %mul3A_2, %mul3A_213 : i32
      %dma_start3A_215 = arith.constant 1 : i32
      %dma_start3A_216 = arith.constant 1 : i32
      %dma_start3A_217 = arith.constant 0 : i32
      %dma_start3A_218 = arith.constant 0 : i32
      %dma_start3A_219 = tpu.memref_slice %arg7[%dma_start3A_215, %dma_start3A_217, %dma_start3A_218] : memref<2x160x64xf32, #tpu.memory_space<vmem>> -> memref<1x160x64xf32, #tpu.memory_space<vmem>>
      %dma_start3A_220 = tpu.memref_squeeze %dma_start3A_219 : memref<1x160x64xf32, #tpu.memory_space<vmem>> -> memref<160x64xf32, #tpu.memory_space<vmem>>
      %dma_start3A_221 = arith.constant 0 : i32
      %dma_start3A_222 = tpu.memref_slice %arg4[%add3A_214, %dma_start3A_221] : memref<819200x64xf32, #tpu.memory_space<hbm>> -> memref<160x64xf32, #tpu.memory_space<hbm>>
      %dma_start3A_223 = tpu.memref_slice %arg9[%dma_start3A_216] : memref<2x!tpu.dma_semaphore, #tpu.memory_space<semaphore_mem>> -> memref<1x!tpu.dma_semaphore, #tpu.memory_space<semaphore_mem>>
      %dma_start3A_224 = tpu.memref_squeeze %dma_start3A_223 : memref<1x!tpu.dma_semaphore, #tpu.memory_space<semaphore_mem>> -> memref<!tpu.dma_semaphore, #tpu.memory_space<semaphore_mem>>
      %dma_start3A_225 = arith.constant 0 : i32
      %dma_start3A_226 = tpu.memref_slice %arg4[%add3A_214, %dma_start3A_225] : memref<819200x64xf32, #tpu.memory_space<hbm>> -> memref<160x64xf32, #tpu.memory_space<hbm>>
      %dma_start3A_227 = arith.constant 0 : i32
      %dma_start3A_228 = arith.constant 0 : i32
      %dma_start3A_229 = tpu.memref_slice %arg7[%dma_start3A_215, %dma_start3A_227, %dma_start3A_228] : memref<2x160x64xf32, #tpu.memory_space<vmem>> -> memref<1x160x64xf32, #tpu.memory_space<vmem>>
      %dma_start3A_230 = tpu.memref_squeeze %dma_start3A_229 : memref<1x160x64xf32, #tpu.memory_space<vmem>> -> memref<160x64xf32, #tpu.memory_space<vmem>>
      tpu.enqueue_dma source(%dma_start3A_230 : memref<160x64xf32, #tpu.memory_space<vmem>>) target(%dma_start3A_226 : memref<160x64xf32, #tpu.memory_space<hbm>>) target_semaphore(%dma_start3A_224 : memref<!tpu.dma_semaphore, #tpu.memory_space<semaphore_mem>>)
      %add3A_231 = arith.constant 0 : i32
      %add3A_232 = arith.addi %mul3A_144, %add3A_231 : i32
      %mul3A_233 = arith.constant 160 : i32
      %mul3A_234 = arith.muli %add3A_232, %mul3A_233 : i32
      %add3A_235 = arith.addi %mul3A_2, %mul3A_234 : i32
      %dma_wait3A_236 = arith.constant 0 : i32
      %dma_wait3A_237 = arith.constant 0 : i32
      %dma_wait3A_238 = arith.constant 0 : i32
      %dma_wait3A_239 = arith.constant 0 : i32
      %dma_wait3A_240 = tpu.memref_slice %arg7[%dma_wait3A_236, %dma_wait3A_238, %dma_wait3A_239] : memref<2x160x64xf32, #tpu.memory_space<vmem>> -> memref<1x160x64xf32, #tpu.memory_space<vmem>>
      %dma_wait3A_241 = tpu.memref_squeeze %dma_wait3A_240 : memref<1x160x64xf32, #tpu.memory_space<vmem>> -> memref<160x64xf32, #tpu.memory_space<vmem>>
      %dma_wait3A_242 = arith.constant 0 : i32
      %dma_wait3A_243 = tpu.memref_slice %arg4[%add3A_235, %dma_wait3A_242] : memref<819200x64xf32, #tpu.memory_space<hbm>> -> memref<160x64xf32, #tpu.memory_space<hbm>>
      %dma_wait3A_244 = tpu.memref_slice %arg9[%dma_wait3A_237] : memref<2x!tpu.dma_semaphore, #tpu.memory_space<semaphore_mem>> -> memref<1x!tpu.dma_semaphore, #tpu.memory_space<semaphore_mem>>
      %dma_wait3A_245 = tpu.memref_squeeze %dma_wait3A_244 : memref<1x!tpu.dma_semaphore, #tpu.memory_space<semaphore_mem>> -> memref<!tpu.dma_semaphore, #tpu.memory_space<semaphore_mem>>
      %dma_wait3A_246 = arith.constant 0 : i32
      %dma_wait3A_247 = tpu.memref_slice %arg4[%add3A_235, %dma_wait3A_246] : memref<819200x64xf32, #tpu.memory_space<hbm>> -> memref<160x64xf32, #tpu.memory_space<hbm>>
      %dma_wait3A_248 = arith.constant 0 : i32
      %dma_wait3A_249 = arith.constant 0 : i32
      %dma_wait3A_250 = tpu.memref_slice %arg7[%dma_wait3A_236, %dma_wait3A_248, %dma_wait3A_249] : memref<2x160x64xf32, #tpu.memory_space<vmem>> -> memref<1x160x64xf32, #tpu.memory_space<vmem>>
      %dma_wait3A_251 = tpu.memref_squeeze %dma_wait3A_250 : memref<1x160x64xf32, #tpu.memory_space<vmem>> -> memref<160x64xf32, #tpu.memory_space<vmem>>
      tpu.wait_dma2 semaphore(%dma_wait3A_245 : memref<!tpu.dma_semaphore, #tpu.memory_space<semaphore_mem>>) src(%dma_wait3A_251 : memref<160x64xf32, #tpu.memory_space<vmem>>) dst(%dma_wait3A_247 : memref<160x64xf32, #tpu.memory_space<hbm>>)
      %add3A_252 = arith.constant 2 : i32
      %add3A_253 = arith.addi %mul3A_144, %add3A_252 : i32
      %add3A_254 = arith.constant 0 : i32
      %add3A_255 = arith.addi %add3A_253, %add3A_254 : i32
      %mul3A_256 = arith.constant 160 : i32
      %mul3A_257 = arith.muli %add3A_255, %mul3A_256 : i32
      %dma_start3A_258 = arith.constant 0 : i32
      %dma_start3A_259 = arith.constant 0 : i32
      %dma_start3A_260 = arith.constant 0 : i32
      %dma_start3A_261 = arith.constant 0 : i32
      %dma_start3A_262 = tpu.memref_slice %arg6[%dma_start3A_258, %dma_start3A_260, %dma_start3A_261] : memref<2x160x128xf32, #tpu.memory_space<vmem>> -> memref<1x160x128xf32, #tpu.memory_space<vmem>>
      %dma_start3A_263 = tpu.memref_squeeze %dma_start3A_262 : memref<1x160x128xf32, #tpu.memory_space<vmem>> -> memref<160x128xf32, #tpu.memory_space<vmem>>
      %dma_start3A_264 = tpu.memref_slice %arg5[%mul3A_257] : memref<25600xi32, #tpu.memory_space<vmem>> -> memref<160xi32, #tpu.memory_space<vmem>>
      %dma_start3A_265 = arith.constant 0 : i32
      %dma_start3A_266 = arith.constant 0 : i32
      %dma_start3A_267 = tpu.memref_slice %arg3[%dma_start3A_265, %dma_start3A_266] : memref<1000000x128xf32, #tpu.memory_space<hbm>> -> memref<1000000x128xf32, #tpu.memory_space<hbm>>
      %dma_start3A_268 = tpu.memref_slice %arg8[%dma_start3A_259] : memref<2x!tpu.dma_semaphore, #tpu.memory_space<semaphore_mem>> -> memref<1x!tpu.dma_semaphore, #tpu.memory_space<semaphore_mem>>
      %dma_start3A_269 = tpu.memref_squeeze %dma_start3A_268 : memref<1x!tpu.dma_semaphore, #tpu.memory_space<semaphore_mem>> -> memref<!tpu.dma_semaphore, #tpu.memory_space<semaphore_mem>>
      tpu.enqueue_indirect_dma source(%dma_start3A_267 : memref<1000000x128xf32, #tpu.memory_space<hbm>>) target(%dma_start3A_263 : memref<160x128xf32, #tpu.memory_space<vmem>>) offsets(%dma_start3A_264 : memref<160xi32, #tpu.memory_space<vmem>>) semaphore(%dma_start3A_269 : memref<!tpu.dma_semaphore, #tpu.memory_space<semaphore_mem>>)
      %add3A_270 = arith.constant 1 : i32
      %add3A_271 = arith.addi %mul3A_144, %add3A_270 : i32
      %mul3A_272 = arith.constant 160 : i32
      %mul3A_273 = arith.muli %add3A_271, %mul3A_272 : i32
      %add3A_274 = arith.addi %mul3A_2, %mul3A_273 : i32
      %dma_wait3A_275 = arith.constant 1 : i32
      %dma_wait3A_276 = arith.constant 1 : i32
      %dma_wait3A_277 = arith.constant 0 : i32
      %dma_wait3A_278 = arith.constant 0 : i32
      %dma_wait3A_279 = tpu.memref_slice %arg7[%dma_wait3A_275, %dma_wait3A_277, %dma_wait3A_278] : memref<2x160x64xf32, #tpu.memory_space<vmem>> -> memref<1x160x64xf32, #tpu.memory_space<vmem>>
      %dma_wait3A_280 = tpu.memref_squeeze %dma_wait3A_279 : memref<1x160x64xf32, #tpu.memory_space<vmem>> -> memref<160x64xf32, #tpu.memory_space<vmem>>
      %dma_wait3A_281 = arith.constant 0 : i32
      %dma_wait3A_282 = tpu.memref_slice %arg4[%add3A_274, %dma_wait3A_281] : memref<819200x64xf32, #tpu.memory_space<hbm>> -> memref<160x64xf32, #tpu.memory_space<hbm>>
      %dma_wait3A_283 = tpu.memref_slice %arg9[%dma_wait3A_276] : memref<2x!tpu.dma_semaphore, #tpu.memory_space<semaphore_mem>> -> memref<1x!tpu.dma_semaphore, #tpu.memory_space<semaphore_mem>>
      %dma_wait3A_284 = tpu.memref_squeeze %dma_wait3A_283 : memref<1x!tpu.dma_semaphore, #tpu.memory_space<semaphore_mem>> -> memref<!tpu.dma_semaphore, #tpu.memory_space<semaphore_mem>>
      %dma_wait3A_285 = arith.constant 0 : i32
      %dma_wait3A_286 = tpu.memref_slice %arg4[%add3A_274, %dma_wait3A_285] : memref<819200x64xf32, #tpu.memory_space<hbm>> -> memref<160x64xf32, #tpu.memory_space<hbm>>
      %dma_wait3A_287 = arith.constant 0 : i32
      %dma_wait3A_288 = arith.constant 0 : i32
      %dma_wait3A_289 = tpu.memref_slice %arg7[%dma_wait3A_275, %dma_wait3A_287, %dma_wait3A_288] : memref<2x160x64xf32, #tpu.memory_space<vmem>> -> memref<1x160x64xf32, #tpu.memory_space<vmem>>
      %dma_wait3A_290 = tpu.memref_squeeze %dma_wait3A_289 : memref<1x160x64xf32, #tpu.memory_space<vmem>> -> memref<160x64xf32, #tpu.memory_space<vmem>>
      tpu.wait_dma2 semaphore(%dma_wait3A_284 : memref<!tpu.dma_semaphore, #tpu.memory_space<semaphore_mem>>) src(%dma_wait3A_290 : memref<160x64xf32, #tpu.memory_space<vmem>>) dst(%dma_wait3A_286 : memref<160x64xf32, #tpu.memory_space<hbm>>)
      %add3A_291 = arith.constant 2 : i32
      %add3A_292 = arith.addi %mul3A_144, %add3A_291 : i32
      %add3A_293 = arith.constant 1 : i32
      %add3A_294 = arith.addi %add3A_292, %add3A_293 : i32
      %mul3A_295 = arith.constant 160 : i32
      %mul3A_296 = arith.muli %add3A_294, %mul3A_295 : i32
      %dma_start3A_297 = arith.constant 1 : i32
      %dma_start3A_298 = arith.constant 1 : i32
      %dma_start3A_299 = arith.constant 0 : i32
      %dma_start3A_300 = arith.constant 0 : i32
      %dma_start3A_301 = tpu.memref_slice %arg6[%dma_start3A_297, %dma_start3A_299, %dma_start3A_300] : memref<2x160x128xf32, #tpu.memory_space<vmem>> -> memref<1x160x128xf32, #tpu.memory_space<vmem>>
      %dma_start3A_302 = tpu.memref_squeeze %dma_start3A_301 : memref<1x160x128xf32, #tpu.memory_space<vmem>> -> memref<160x128xf32, #tpu.memory_space<vmem>>
      %dma_start3A_303 = tpu.memref_slice %arg5[%mul3A_296] : memref<25600xi32, #tpu.memory_space<vmem>> -> memref<160xi32, #tpu.memory_space<vmem>>
      %dma_start3A_304 = arith.constant 0 : i32
      %dma_start3A_305 = arith.constant 0 : i32
      %dma_start3A_306 = tpu.memref_slice %arg3[%dma_start3A_304, %dma_start3A_305] : memref<1000000x128xf32, #tpu.memory_space<hbm>> -> memref<1000000x128xf32, #tpu.memory_space<hbm>>
      %dma_start3A_307 = tpu.memref_slice %arg8[%dma_start3A_298] : memref<2x!tpu.dma_semaphore, #tpu.memory_space<semaphore_mem>> -> memref<1x!tpu.dma_semaphore, #tpu.memory_space<semaphore_mem>>
      %dma_start3A_308 = tpu.memref_squeeze %dma_start3A_307 : memref<1x!tpu.dma_semaphore, #tpu.memory_space<semaphore_mem>> -> memref<!tpu.dma_semaphore, #tpu.memory_space<semaphore_mem>>
      tpu.enqueue_indirect_dma source(%dma_start3A_306 : memref<1000000x128xf32, #tpu.memory_space<hbm>>) target(%dma_start3A_302 : memref<160x128xf32, #tpu.memory_space<vmem>>) offsets(%dma_start3A_303 : memref<160xi32, #tpu.memory_space<vmem>>) semaphore(%dma_start3A_308 : memref<!tpu.dma_semaphore, #tpu.memory_space<semaphore_mem>>)
    }
    %scan3A_32 = arith.constant 79 : i32
    %dma_wait3A = arith.constant 0 : i32
    %dma_wait3A_33 = arith.constant 0 : i32
    %dma_wait3A_34 = arith.constant 0 : i32
    %dma_wait3A_35 = arith.constant 0 : i32
    %dma_wait3A_36 = tpu.memref_slice %arg6[%dma_wait3A, %dma_wait3A_34, %dma_wait3A_35] : memref<2x160x128xf32, #tpu.memory_space<vmem>> -> memref<1x160x128xf32, #tpu.memory_space<vmem>>
    %dma_wait3A_37 = tpu.memref_squeeze %dma_wait3A_36 : memref<1x160x128xf32, #tpu.memory_space<vmem>> -> memref<160x128xf32, #tpu.memory_space<vmem>>
    %dma_wait3A_38 = arith.constant 25280 : i32
    %dma_wait3A_39 = tpu.memref_slice %arg5[%dma_wait3A_38] : memref<25600xi32, #tpu.memory_space<vmem>> -> memref<160xi32, #tpu.memory_space<vmem>>
    %dma_wait3A_40 = arith.constant 0 : i32
    %dma_wait3A_41 = arith.constant 0 : i32
    %dma_wait3A_42 = tpu.memref_slice %arg3[%dma_wait3A_40, %dma_wait3A_41] : memref<1000000x128xf32, #tpu.memory_space<hbm>> -> memref<1000000x128xf32, #tpu.memory_space<hbm>>
    %dma_wait3A_43 = tpu.memref_slice %arg8[%dma_wait3A_33] : memref<2x!tpu.dma_semaphore, #tpu.memory_space<semaphore_mem>> -> memref<1x!tpu.dma_semaphore, #tpu.memory_space<semaphore_mem>>
    %dma_wait3A_44 = tpu.memref_squeeze %dma_wait3A_43 : memref<1x!tpu.dma_semaphore, #tpu.memory_space<semaphore_mem>> -> memref<!tpu.dma_semaphore, #tpu.memory_space<semaphore_mem>>
    tpu.wait_indirect_dma semaphore(%dma_wait3A_44 : memref<!tpu.dma_semaphore, #tpu.memory_space<semaphore_mem>>) src(%dma_wait3A_42 : memref<1000000x128xf32, #tpu.memory_space<hbm>>) dst(%dma_wait3A_37 : memref<160x128xf32, #tpu.memory_space<vmem>>)
    %scan3A_45 = arith.constant 0 : i32
    %scan3A_46 = arith.constant 0 : i32
    %scan3A_47 = arith.constant 20 : i32
    %scan3A_48 = arith.addi %scan3A_46, %scan3A_47 : i32
    %scan3A_49 = arith.constant 1 : i32
    scf.for %scan3A_142 = %scan3A_46 to %scan3A_48 step %scan3A_49  : i32 {
      %mul3A_143 = arith.constant 8 : i32
      %mul3A_144 = arith.muli %scan3A_142, %mul3A_143 : i32
      %add3A_145 = arith.constant 0 : i32
      %add3A_146 = arith.addi %mul3A_144, %add3A_145 : i32
      %get3A = arith.constant 0 : i32
      %get3A_147 = arith.index_cast %get3A : i32 to index
      %get3A_148 = arith.index_cast %add3A_146 : i32 to index
      %get3A_149 = arith.constant 0 : index
      %get3A_150 = tpu.vector_load %arg6[%get3A_147, %get3A_148, %get3A_149] {strides = array<i32>} : memref<2x160x128xf32, #tpu.memory_space<vmem>>, vector<1x1x16xf32>,
      %get3A_151 = vector.shape_cast %get3A_150 : vector<1x1x16xf32> to vector<16xf32>
      %swap3A = arith.constant 0 : i32
      %swap3A_152 = arith.index_cast %swap3A : i32 to index
      %swap3A_153 = arith.index_cast %add3A_146 : i32 to index
      %swap3A_154 = arith.constant 0 : index
      %swap3A_155 = tpu.vector_load %arg7[%swap3A_152, %swap3A_153, %swap3A_154] {strides = array<i32>} : memref<2x160x64xf32, #tpu.memory_space<vmem>>, vector<1x1x16xf32>,
      %swap3A_156 = vector.shape_cast %swap3A_155 : vector<1x1x16xf32> to vector<16xf32>
      %swap3A_157 = vector.shape_cast %get3A_151 : vector<16xf32> to vector<1x1x16xf32>
      tpu.vector_store %arg7[%swap3A_152, %swap3A_153, %swap3A_154], %swap3A_157 {strides = array<i32>} : memref<2x160x64xf32, #tpu.memory_space<vmem>>, vector<1x1x16xf32>,
      %get3A_158 = arith.constant 0 : i32
      %get3A_159 = arith.index_cast %get3A_158 : i32 to index
      %get3A_160 = arith.index_cast %add3A_146 : i32 to index
      %get3A_161 = arith.constant 16 : index
      %get3A_162 = tpu.vector_load %arg6[%get3A_159, %get3A_160, %get3A_161] {strides = array<i32>} : memref<2x160x128xf32, #tpu.memory_space<vmem>>, vector<1x1x16xf32>,
      %get3A_163 = vector.shape_cast %get3A_162 : vector<1x1x16xf32> to vector<16xf32>
      %swap3A_164 = arith.constant 0 : i32
      %swap3A_165 = arith.index_cast %swap3A_164 : i32 to index
      %swap3A_166 = arith.index_cast %add3A_146 : i32 to index
      %swap3A_167 = arith.constant 16 : index
      %swap3A_168 = tpu.vector_load %arg7[%swap3A_165, %swap3A_166, %swap3A_167] {strides = array<i32>} : memref<2x160x64xf32, #tpu.memory_space<vmem>>, vector<1x1x16xf32>,
      %swap3A_169 = vector.shape_cast %swap3A_168 : vector<1x1x16xf32> to vector<16xf32>
      %swap3A_170 = vector.shape_cast %get3A_163 : vector<16xf32> to vector<1x1x16xf32>
      tpu.vector_store %arg7[%swap3A_165, %swap3A_166, %swap3A_167], %swap3A_170 {strides = array<i32>} : memref<2x160x64xf32, #tpu.memory_space<vmem>>, vector<1x1x16xf32>,
      %get3A_171 = arith.constant 0 : i32
      %get3A_172 = arith.index_cast %get3A_171 : i32 to index
      %get3A_173 = arith.index_cast %add3A_146 : i32 to index
      %get3A_174 = arith.constant 32 : index
      %get3A_175 = tpu.vector_load %arg6[%get3A_172, %get3A_173, %get3A_174] {strides = array<i32>} : memref<2x160x128xf32, #tpu.memory_space<vmem>>, vector<1x1x16xf32>,
      %get3A_176 = vector.shape_cast %get3A_175 : vector<1x1x16xf32> to vector<16xf32>
      %swap3A_177 = arith.constant 0 : i32
      %swap3A_178 = arith.index_cast %swap3A_177 : i32 to index
      %swap3A_179 = arith.index_cast %add3A_146 : i32 to index
      %swap3A_180 = arith.constant 32 : index
      %swap3A_181 = tpu.vector_load %arg7[%swap3A_178, %swap3A_179, %swap3A_180] {strides = array<i32>} : memref<2x160x64xf32, #tpu.memory_space<vmem>>, vector<1x1x16xf32>,
      %swap3A_182 = vector.shape_cast %swap3A_181 : vector<1x1x16xf32> to vector<16xf32>
      %swap3A_183 = vector.shape_cast %get3A_176 : vector<16xf32> to vector<1x1x16xf32>
      tpu.vector_store %arg7[%swap3A_178, %swap3A_179, %swap3A_180], %swap3A_183 {strides = array<i32>} : memref<2x160x64xf32, #tpu.memory_space<vmem>>, vector<1x1x16xf32>,
      %get3A_184 = arith.constant 0 : i32
      %get3A_185 = arith.index_cast %get3A_184 : i32 to index
      %get3A_186 = arith.index_cast %add3A_146 : i32 to index
      %get3A_187 = arith.constant 48 : index
      %get3A_188 = tpu.vector_load %arg6[%get3A_185, %get3A_186, %get3A_187] {strides = array<i32>} : memref<2x160x128xf32, #tpu.memory_space<vmem>>, vector<1x1x16xf32>,
      %get3A_189 = vector.shape_cast %get3A_188 : vector<1x1x16xf32> to vector<16xf32>
      %swap3A_190 = arith.constant 0 : i32
      %swap3A_191 = arith.index_cast %swap3A_190 : i32 to index
      %swap3A_192 = arith.index_cast %add3A_146 : i32 to index
      %swap3A_193 = arith.constant 48 : index
      %swap3A_194 = tpu.vector_load %arg7[%swap3A_191, %swap3A_192, %swap3A_193] {strides = array<i32>} : memref<2x160x64xf32, #tpu.memory_space<vmem>>, vector<1x1x16xf32>,
      %swap3A_195 = vector.shape_cast %swap3A_194 : vector<1x1x16xf32> to vector<16xf32>
      %swap3A_196 = vector.shape_cast %get3A_189 : vector<16xf32> to vector<1x1x16xf32>
      tpu.vector_store %arg7[%swap3A_191, %swap3A_192, %swap3A_193], %swap3A_196 {strides = array<i32>} : memref<2x160x64xf32, #tpu.memory_space<vmem>>, vector<1x1x16xf32>,
      %mul3A_197 = arith.constant 8 : i32
      %mul3A_198 = arith.muli %scan3A_142, %mul3A_197 : i32
      %add3A_199 = arith.constant 1 : i32
      %add3A_200 = arith.addi %mul3A_198, %add3A_199 : i32
      %get3A_201 = arith.constant 0 : i32
      %get3A_202 = arith.index_cast %get3A_201 : i32 to index
      %get3A_203 = arith.index_cast %add3A_200 : i32 to index
      %get3A_204 = arith.constant 0 : index
      %get3A_205 = tpu.vector_load %arg6[%get3A_202, %get3A_203, %get3A_204] {strides = array<i32>} : memref<2x160x128xf32, #tpu.memory_space<vmem>>, vector<1x1x16xf32>,
      %get3A_206 = vector.shape_cast %get3A_205 : vector<1x1x16xf32> to vector<16xf32>
      %swap3A_207 = arith.constant 0 : i32
      %swap3A_208 = arith.index_cast %swap3A_207 : i32 to index
      %swap3A_209 = arith.index_cast %add3A_200 : i32 to index
      %swap3A_210 = arith.constant 0 : index
      %swap3A_211 = tpu.vector_load %arg7[%swap3A_208, %swap3A_209, %swap3A_210] {strides = array<i32>} : memref<2x160x64xf32, #tpu.memory_space<vmem>>, vector<1x1x16xf32>,
      %swap3A_212 = vector.shape_cast %swap3A_211 : vector<1x1x16xf32> to vector<16xf32>
      %swap3A_213 = vector.shape_cast %get3A_206 : vector<16xf32> to vector<1x1x16xf32>
      tpu.vector_store %arg7[%swap3A_208, %swap3A_209, %swap3A_210], %swap3A_213 {strides = array<i32>} : memref<2x160x64xf32, #tpu.memory_space<vmem>>, vector<1x1x16xf32>,
      %get3A_214 = arith.constant 0 : i32
      %get3A_215 = arith.index_cast %get3A_214 : i32 to index
      %get3A_216 = arith.index_cast %add3A_200 : i32 to index
      %get3A_217 = arith.constant 16 : index
      %get3A_218 = tpu.vector_load %arg6[%get3A_215, %get3A_216, %get3A_217] {strides = array<i32>} : memref<2x160x128xf32, #tpu.memory_space<vmem>>, vector<1x1x16xf32>,
      %get3A_219 = vector.shape_cast %get3A_218 : vector<1x1x16xf32> to vector<16xf32>
      %swap3A_220 = arith.constant 0 : i32
      %swap3A_221 = arith.index_cast %swap3A_220 : i32 to index
      %swap3A_222 = arith.index_cast %add3A_200 : i32 to index
      %swap3A_223 = arith.constant 16 : index
      %swap3A_224 = tpu.vector_load %arg7[%swap3A_221, %swap3A_222, %swap3A_223] {strides = array<i32>} : memref<2x160x64xf32, #tpu.memory_space<vmem>>, vector<1x1x16xf32>,
      %swap3A_225 = vector.shape_cast %swap3A_224 : vector<1x1x16xf32> to vector<16xf32>
      %swap3A_226 = vector.shape_cast %get3A_219 : vector<16xf32> to vector<1x1x16xf32>
      tpu.vector_store %arg7[%swap3A_221, %swap3A_222, %swap3A_223], %swap3A_226 {strides = array<i32>} : memref<2x160x64xf32, #tpu.memory_space<vmem>>, vector<1x1x16xf32>,
      %get3A_227 = arith.constant 0 : i32
      %get3A_228 = arith.index_cast %get3A_227 : i32 to index
      %get3A_229 = arith.index_cast %add3A_200 : i32 to index
      %get3A_230 = arith.constant 32 : index
      %get3A_231 = tpu.vector_load %arg6[%get3A_228, %get3A_229, %get3A_230] {strides = array<i32>} : memref<2x160x128xf32, #tpu.memory_space<vmem>>, vector<1x1x16xf32>,
      %get3A_232 = vector.shape_cast %get3A_231 : vector<1x1x16xf32> to vector<16xf32>
      %swap3A_233 = arith.constant 0 : i32
      %swap3A_234 = arith.index_cast %swap3A_233 : i32 to index
      %swap3A_235 = arith.index_cast %add3A_200 : i32 to index
      %swap3A_236 = arith.constant 32 : index
      %swap3A_237 = tpu.vector_load %arg7[%swap3A_234, %swap3A_235, %swap3A_236] {strides = array<i32>} : memref<2x160x64xf32, #tpu.memory_space<vmem>>, vector<1x1x16xf32>,
      %swap3A_238 = vector.shape_cast %swap3A_237 : vector<1x1x16xf32> to vector<16xf32>
      %swap3A_239 = vector.shape_cast %get3A_232 : vector<16xf32> to vector<1x1x16xf32>
      tpu.vector_store %arg7[%swap3A_234, %swap3A_235, %swap3A_236], %swap3A_239 {strides = array<i32>} : memref<2x160x64xf32, #tpu.memory_space<vmem>>, vector<1x1x16xf32>,
      %get3A_240 = arith.constant 0 : i32
      %get3A_241 = arith.index_cast %get3A_240 : i32 to index
      %get3A_242 = arith.index_cast %add3A_200 : i32 to index
      %get3A_243 = arith.constant 48 : index
      %get3A_244 = tpu.vector_load %arg6[%get3A_241, %get3A_242, %get3A_243] {strides = array<i32>} : memref<2x160x128xf32, #tpu.memory_space<vmem>>, vector<1x1x16xf32>,
      %get3A_245 = vector.shape_cast %get3A_244 : vector<1x1x16xf32> to vector<16xf32>
      %swap3A_246 = arith.constant 0 : i32
      %swap3A_247 = arith.index_cast %swap3A_246 : i32 to index
      %swap3A_248 = arith.index_cast %add3A_200 : i32 to index
      %swap3A_249 = arith.constant 48 : index
      %swap3A_250 = tpu.vector_load %arg7[%swap3A_247, %swap3A_248, %swap3A_249] {strides = array<i32>} : memref<2x160x64xf32, #tpu.memory_space<vmem>>, vector<1x1x16xf32>,
      %swap3A_251 = vector.shape_cast %swap3A_250 : vector<1x1x16xf32> to vector<16xf32>
      %swap3A_252 = vector.shape_cast %get3A_245 : vector<16xf32> to vector<1x1x16xf32>
      tpu.vector_store %arg7[%swap3A_247, %swap3A_248, %swap3A_249], %swap3A_252 {strides = array<i32>} : memref<2x160x64xf32, #tpu.memory_space<vmem>>, vector<1x1x16xf32>,
      %mul3A_253 = arith.constant 8 : i32
      %mul3A_254 = arith.muli %scan3A_142, %mul3A_253 : i32
      %add3A_255 = arith.constant 2 : i32
      %add3A_256 = arith.addi %mul3A_254, %add3A_255 : i32
      %get3A_257 = arith.constant 0 : i32
      %get3A_258 = arith.index_cast %get3A_257 : i32 to index
      %get3A_259 = arith.index_cast %add3A_256 : i32 to index
      %get3A_260 = arith.constant 0 : index
      %get3A_261 = tpu.vector_load %arg6[%get3A_258, %get3A_259, %get3A_260] {strides = array<i32>} : memref<2x160x128xf32, #tpu.memory_space<vmem>>, vector<1x1x16xf32>,
      %get3A_262 = vector.shape_cast %get3A_261 : vector<1x1x16xf32> to vector<16xf32>
      %swap3A_263 = arith.constant 0 : i32
      %swap3A_264 = arith.index_cast %swap3A_263 : i32 to index
      %swap3A_265 = arith.index_cast %add3A_256 : i32 to index
      %swap3A_266 = arith.constant 0 : index
      %swap3A_267 = tpu.vector_load %arg7[%swap3A_264, %swap3A_265, %swap3A_266] {strides = array<i32>} : memref<2x160x64xf32, #tpu.memory_space<vmem>>, vector<1x1x16xf32>,
      %swap3A_268 = vector.shape_cast %swap3A_267 : vector<1x1x16xf32> to vector<16xf32>
      %swap3A_269 = vector.shape_cast %get3A_262 : vector<16xf32> to vector<1x1x16xf32>
      tpu.vector_store %arg7[%swap3A_264, %swap3A_265, %swap3A_266], %swap3A_269 {strides = array<i32>} : memref<2x160x64xf32, #tpu.memory_space<vmem>>, vector<1x1x16xf32>,
      %get3A_270 = arith.constant 0 : i32
      %get3A_271 = arith.index_cast %get3A_270 : i32 to index
      %get3A_272 = arith.index_cast %add3A_256 : i32 to index
      %get3A_273 = arith.constant 16 : index
      %get3A_274 = tpu.vector_load %arg6[%get3A_271, %get3A_272, %get3A_273] {strides = array<i32>} : memref<2x160x128xf32, #tpu.memory_space<vmem>>, vector<1x1x16xf32>,
      %get3A_275 = vector.shape_cast %get3A_274 : vector<1x1x16xf32> to vector<16xf32>
      %swap3A_276 = arith.constant 0 : i32
      %swap3A_277 = arith.index_cast %swap3A_276 : i32 to index
      %swap3A_278 = arith.index_cast %add3A_256 : i32 to index
      %swap3A_279 = arith.constant 16 : index
      %swap3A_280 = tpu.vector_load %arg7[%swap3A_277, %swap3A_278, %swap3A_279] {strides = array<i32>} : memref<2x160x64xf32, #tpu.memory_space<vmem>>, vector<1x1x16xf32>,
      %swap3A_281 = vector.shape_cast %swap3A_280 : vector<1x1x16xf32> to vector<16xf32>
      %swap3A_282 = vector.shape_cast %get3A_275 : vector<16xf32> to vector<1x1x16xf32>
      tpu.vector_store %arg7[%swap3A_277, %swap3A_278, %swap3A_279], %swap3A_282 {strides = array<i32>} : memref<2x160x64xf32, #tpu.memory_space<vmem>>, vector<1x1x16xf32>,
      %get3A_283 = arith.constant 0 : i32
      %get3A_284 = arith.index_cast %get3A_283 : i32 to index
      %get3A_285 = arith.index_cast %add3A_256 : i32 to index
      %get3A_286 = arith.constant 32 : index
      %get3A_287 = tpu.vector_load %arg6[%get3A_284, %get3A_285, %get3A_286] {strides = array<i32>} : memref<2x160x128xf32, #tpu.memory_space<vmem>>, vector<1x1x16xf32>,
      %get3A_288 = vector.shape_cast %get3A_287 : vector<1x1x16xf32> to vector<16xf32>
      %swap3A_289 = arith.constant 0 : i32
      %swap3A_290 = arith.index_cast %swap3A_289 : i32 to index
      %swap3A_291 = arith.index_cast %add3A_256 : i32 to index
      %swap3A_292 = arith.constant 32 : index
      %swap3A_293 = tpu.vector_load %arg7[%swap3A_290, %swap3A_291, %swap3A_292] {strides = array<i32>} : memref<2x160x64xf32, #tpu.memory_space<vmem>>, vector<1x1x16xf32>,
      %swap3A_294 = vector.shape_cast %swap3A_293 : vector<1x1x16xf32> to vector<16xf32>
      %swap3A_295 = vector.shape_cast %get3A_288 : vector<16xf32> to vector<1x1x16xf32>
      tpu.vector_store %arg7[%swap3A_290, %swap3A_291, %swap3A_292], %swap3A_295 {strides = array<i32>} : memref<2x160x64xf32, #tpu.memory_space<vmem>>, vector<1x1x16xf32>,
      %get3A_296 = arith.constant 0 : i32
      %get3A_297 = arith.index_cast %get3A_296 : i32 to index
      %get3A_298 = arith.index_cast %add3A_256 : i32 to index
      %get3A_299 = arith.constant 48 : index
      %get3A_300 = tpu.vector_load %arg6[%get3A_297, %get3A_298, %get3A_299] {strides = array<i32>} : memref<2x160x128xf32, #tpu.memory_space<vmem>>, vector<1x1x16xf32>,
      %get3A_301 = vector.shape_cast %get3A_300 : vector<1x1x16xf32> to vector<16xf32>
      %swap3A_302 = arith.constant 0 : i32
      %swap3A_303 = arith.index_cast %swap3A_302 : i32 to index
      %swap3A_304 = arith.index_cast %add3A_256 : i32 to index
      %swap3A_305 = arith.constant 48 : index
      %swap3A_306 = tpu.vector_load %arg7[%swap3A_303, %swap3A_304, %swap3A_305] {strides = array<i32>} : memref<2x160x64xf32, #tpu.memory_space<vmem>>, vector<1x1x16xf32>,
      %swap3A_307 = vector.shape_cast %swap3A_306 : vector<1x1x16xf32> to vector<16xf32>
      %swap3A_308 = vector.shape_cast %get3A_301 : vector<16xf32> to vector<1x1x16xf32>
      tpu.vector_store %arg7[%swap3A_303, %swap3A_304, %swap3A_305], %swap3A_308 {strides = array<i32>} : memref<2x160x64xf32, #tpu.memory_space<vmem>>, vector<1x1x16xf32>,
      %mul3A_309 = arith.constant 8 : i32
      %mul3A_310 = arith.muli %scan3A_142, %mul3A_309 : i32
      %add3A_311 = arith.constant 3 : i32
      %add3A_312 = arith.addi %mul3A_310, %add3A_311 : i32
      %get3A_313 = arith.constant 0 : i32
      %get3A_314 = arith.index_cast %get3A_313 : i32 to index
      %get3A_315 = arith.index_cast %add3A_312 : i32 to index
      %get3A_316 = arith.constant 0 : index
      %get3A_317 = tpu.vector_load %arg6[%get3A_314, %get3A_315, %get3A_316] {strides = array<i32>} : memref<2x160x128xf32, #tpu.memory_space<vmem>>, vector<1x1x16xf32>,
      %get3A_318 = vector.shape_cast %get3A_317 : vector<1x1x16xf32> to vector<16xf32>
      %swap3A_319 = arith.constant 0 : i32
      %swap3A_320 = arith.index_cast %swap3A_319 : i32 to index
      %swap3A_321 = arith.index_cast %add3A_312 : i32 to index
      %swap3A_322 = arith.constant 0 : index
      %swap3A_323 = tpu.vector_load %arg7[%swap3A_320, %swap3A_321, %swap3A_322] {strides = array<i32>} : memref<2x160x64xf32, #tpu.memory_space<vmem>>, vector<1x1x16xf32>,
      %swap3A_324 = vector.shape_cast %swap3A_323 : vector<1x1x16xf32> to vector<16xf32>
      %swap3A_325 = vector.shape_cast %get3A_318 : vector<16xf32> to vector<1x1x16xf32>
      tpu.vector_store %arg7[%swap3A_320, %swap3A_321, %swap3A_322], %swap3A_325 {strides = array<i32>} : memref<2x160x64xf32, #tpu.memory_space<vmem>>, vector<1x1x16xf32>,
      %get3A_326 = arith.constant 0 : i32
      %get3A_327 = arith.index_cast %get3A_326 : i32 to index
      %get3A_328 = arith.index_cast %add3A_312 : i32 to index
      %get3A_329 = arith.constant 16 : index
      %get3A_330 = tpu.vector_load %arg6[%get3A_327, %get3A_328, %get3A_329] {strides = array<i32>} : memref<2x160x128xf32, #tpu.memory_space<vmem>>, vector<1x1x16xf32>,
      %get3A_331 = vector.shape_cast %get3A_330 : vector<1x1x16xf32> to vector<16xf32>
      %swap3A_332 = arith.constant 0 : i32
      %swap3A_333 = arith.index_cast %swap3A_332 : i32 to index
      %swap3A_334 = arith.index_cast %add3A_312 : i32 to index
      %swap3A_335 = arith.constant 16 : index
      %swap3A_336 = tpu.vector_load %arg7[%swap3A_333, %swap3A_334, %swap3A_335] {strides = array<i32>} : memref<2x160x64xf32, #tpu.memory_space<vmem>>, vector<1x1x16xf32>,
      %swap3A_337 = vector.shape_cast %swap3A_336 : vector<1x1x16xf32> to vector<16xf32>
      %swap3A_338 = vector.shape_cast %get3A_331 : vector<16xf32> to vector<1x1x16xf32>
      tpu.vector_store %arg7[%swap3A_333, %swap3A_334, %swap3A_335], %swap3A_338 {strides = array<i32>} : memref<2x160x64xf32, #tpu.memory_space<vmem>>, vector<1x1x16xf32>,
      %get3A_339 = arith.constant 0 : i32
      %get3A_340 = arith.index_cast %get3A_339 : i32 to index
      %get3A_341 = arith.index_cast %add3A_312 : i32 to index
      %get3A_342 = arith.constant 32 : index
      %get3A_343 = tpu.vector_load %arg6[%get3A_340, %get3A_341, %get3A_342] {strides = array<i32>} : memref<2x160x128xf32, #tpu.memory_space<vmem>>, vector<1x1x16xf32>,
      %get3A_344 = vector.shape_cast %get3A_343 : vector<1x1x16xf32> to vector<16xf32>
      %swap3A_345 = arith.constant 0 : i32
      %swap3A_346 = arith.index_cast %swap3A_345 : i32 to index
      %swap3A_347 = arith.index_cast %add3A_312 : i32 to index
      %swap3A_348 = arith.constant 32 : index
      %swap3A_349 = tpu.vector_load %arg7[%swap3A_346, %swap3A_347, %swap3A_348] {strides = array<i32>} : memref<2x160x64xf32, #tpu.memory_space<vmem>>, vector<1x1x16xf32>,
      %swap3A_350 = vector.shape_cast %swap3A_349 : vector<1x1x16xf32> to vector<16xf32>
      %swap3A_351 = vector.shape_cast %get3A_344 : vector<16xf32> to vector<1x1x16xf32>
      tpu.vector_store %arg7[%swap3A_346, %swap3A_347, %swap3A_348], %swap3A_351 {strides = array<i32>} : memref<2x160x64xf32, #tpu.memory_space<vmem>>, vector<1x1x16xf32>,
      %get3A_352 = arith.constant 0 : i32
      %get3A_353 = arith.index_cast %get3A_352 : i32 to index
      %get3A_354 = arith.index_cast %add3A_312 : i32 to index
      %get3A_355 = arith.constant 48 : index
      %get3A_356 = tpu.vector_load %arg6[%get3A_353, %get3A_354, %get3A_355] {strides = array<i32>} : memref<2x160x128xf32, #tpu.memory_space<vmem>>, vector<1x1x16xf32>,
      %get3A_357 = vector.shape_cast %get3A_356 : vector<1x1x16xf32> to vector<16xf32>
      %swap3A_358 = arith.constant 0 : i32
      %swap3A_359 = arith.index_cast %swap3A_358 : i32 to index
      %swap3A_360 = arith.index_cast %add3A_312 : i32 to index
      %swap3A_361 = arith.constant 48 : index
      %swap3A_362 = tpu.vector_load %arg7[%swap3A_359, %swap3A_360, %swap3A_361] {strides = array<i32>} : memref<2x160x64xf32, #tpu.memory_space<vmem>>, vector<1x1x16xf32>,
      %swap3A_363 = vector.shape_cast %swap3A_362 : vector<1x1x16xf32> to vector<16xf32>
      %swap3A_364 = vector.shape_cast %get3A_357 : vector<16xf32> to vector<1x1x16xf32>
      tpu.vector_store %arg7[%swap3A_359, %swap3A_360, %swap3A_361], %swap3A_364 {strides = array<i32>} : memref<2x160x64xf32, #tpu.memory_space<vmem>>, vector<1x1x16xf32>,
      %mul3A_365 = arith.constant 8 : i32
      %mul3A_366 = arith.muli %scan3A_142, %mul3A_365 : i32
      %add3A_367 = arith.constant 4 : i32
      %add3A_368 = arith.addi %mul3A_366, %add3A_367 : i32
      %get3A_369 = arith.constant 0 : i32
      %get3A_370 = arith.index_cast %get3A_369 : i32 to index
      %get3A_371 = arith.index_cast %add3A_368 : i32 to index
      %get3A_372 = arith.constant 0 : index
      %get3A_373 = tpu.vector_load %arg6[%get3A_370, %get3A_371, %get3A_372] {strides = array<i32>} : memref<2x160x128xf32, #tpu.memory_space<vmem>>, vector<1x1x16xf32>,
      %get3A_374 = vector.shape_cast %get3A_373 : vector<1x1x16xf32> to vector<16xf32>
      %swap3A_375 = arith.constant 0 : i32
      %swap3A_376 = arith.index_cast %swap3A_375 : i32 to index
      %swap3A_377 = arith.index_cast %add3A_368 : i32 to index
      %swap3A_378 = arith.constant 0 : index
      %swap3A_379 = tpu.vector_load %arg7[%swap3A_376, %swap3A_377, %swap3A_378] {strides = array<i32>} : memref<2x160x64xf32, #tpu.memory_space<vmem>>, vector<1x1x16xf32>,
      %swap3A_380 = vector.shape_cast %swap3A_379 : vector<1x1x16xf32> to vector<16xf32>
      %swap3A_381 = vector.shape_cast %get3A_374 : vector<16xf32> to vector<1x1x16xf32>
      tpu.vector_store %arg7[%swap3A_376, %swap3A_377, %swap3A_378], %swap3A_381 {strides = array<i32>} : memref<2x160x64xf32, #tpu.memory_space<vmem>>, vector<1x1x16xf32>,
      %get3A_382 = arith.constant 0 : i32
      %get3A_383 = arith.index_cast %get3A_382 : i32 to index
      %get3A_384 = arith.index_cast %add3A_368 : i32 to index
      %get3A_385 = arith.constant 16 : index
      %get3A_386 = tpu.vector_load %arg6[%get3A_383, %get3A_384, %get3A_385] {strides = array<i32>} : memref<2x160x128xf32, #tpu.memory_space<vmem>>, vector<1x1x16xf32>,
      %get3A_387 = vector.shape_cast %get3A_386 : vector<1x1x16xf32> to vector<16xf32>
      %swap3A_388 = arith.constant 0 : i32
      %swap3A_389 = arith.index_cast %swap3A_388 : i32 to index
      %swap3A_390 = arith.index_cast %add3A_368 : i32 to index
      %swap3A_391 = arith.constant 16 : index
      %swap3A_392 = tpu.vector_load %arg7[%swap3A_389, %swap3A_390, %swap3A_391] {strides = array<i32>} : memref<2x160x64xf32, #tpu.memory_space<vmem>>, vector<1x1x16xf32>,
      %swap3A_393 = vector.shape_cast %swap3A_392 : vector<1x1x16xf32> to vector<16xf32>
      %swap3A_394 = vector.shape_cast %get3A_387 : vector<16xf32> to vector<1x1x16xf32>
      tpu.vector_store %arg7[%swap3A_389, %swap3A_390, %swap3A_391], %swap3A_394 {strides = array<i32>} : memref<2x160x64xf32, #tpu.memory_space<vmem>>, vector<1x1x16xf32>,
      %get3A_395 = arith.constant 0 : i32
      %get3A_396 = arith.index_cast %get3A_395 : i32 to index
      %get3A_397 = arith.index_cast %add3A_368 : i32 to index
      %get3A_398 = arith.constant 32 : index
      %get3A_399 = tpu.vector_load %arg6[%get3A_396, %get3A_397, %get3A_398] {strides = array<i32>} : memref<2x160x128xf32, #tpu.memory_space<vmem>>, vector<1x1x16xf32>,
      %get3A_400 = vector.shape_cast %get3A_399 : vector<1x1x16xf32> to vector<16xf32>
      %swap3A_401 = arith.constant 0 : i32
      %swap3A_402 = arith.index_cast %swap3A_401 : i32 to index
      %swap3A_403 = arith.index_cast %add3A_368 : i32 to index
      %swap3A_404 = arith.constant 32 : index
      %swap3A_405 = tpu.vector_load %arg7[%swap3A_402, %swap3A_403, %swap3A_404] {strides = array<i32>} : memref<2x160x64xf32, #tpu.memory_space<vmem>>, vector<1x1x16xf32>,
      %swap3A_406 = vector.shape_cast %swap3A_405 : vector<1x1x16xf32> to vector<16xf32>
      %swap3A_407 = vector.shape_cast %get3A_400 : vector<16xf32> to vector<1x1x16xf32>
      tpu.vector_store %arg7[%swap3A_402, %swap3A_403, %swap3A_404], %swap3A_407 {strides = array<i32>} : memref<2x160x64xf32, #tpu.memory_space<vmem>>, vector<1x1x16xf32>,
      %get3A_408 = arith.constant 0 : i32
      %get3A_409 = arith.index_cast %get3A_408 : i32 to index
      %get3A_410 = arith.index_cast %add3A_368 : i32 to index
      %get3A_411 = arith.constant 48 : index
      %get3A_412 = tpu.vector_load %arg6[%get3A_409, %get3A_410, %get3A_411] {strides = array<i32>} : memref<2x160x128xf32, #tpu.memory_space<vmem>>, vector<1x1x16xf32>,
      %get3A_413 = vector.shape_cast %get3A_412 : vector<1x1x16xf32> to vector<16xf32>
      %swap3A_414 = arith.constant 0 : i32
      %swap3A_415 = arith.index_cast %swap3A_414 : i32 to index
      %swap3A_416 = arith.index_cast %add3A_368 : i32 to index
      %swap3A_417 = arith.constant 48 : index
      %swap3A_418 = tpu.vector_load %arg7[%swap3A_415, %swap3A_416, %swap3A_417] {strides = array<i32>} : memref<2x160x64xf32, #tpu.memory_space<vmem>>, vector<1x1x16xf32>,
      %swap3A_419 = vector.shape_cast %swap3A_418 : vector<1x1x16xf32> to vector<16xf32>
      %swap3A_420 = vector.shape_cast %get3A_413 : vector<16xf32> to vector<1x1x16xf32>
      tpu.vector_store %arg7[%swap3A_415, %swap3A_416, %swap3A_417], %swap3A_420 {strides = array<i32>} : memref<2x160x64xf32, #tpu.memory_space<vmem>>, vector<1x1x16xf32>,
      %mul3A_421 = arith.constant 8 : i32
      %mul3A_422 = arith.muli %scan3A_142, %mul3A_421 : i32
      %add3A_423 = arith.constant 5 : i32
      %add3A_424 = arith.addi %mul3A_422, %add3A_423 : i32
      %get3A_425 = arith.constant 0 : i32
      %get3A_426 = arith.index_cast %get3A_425 : i32 to index
      %get3A_427 = arith.index_cast %add3A_424 : i32 to index
      %get3A_428 = arith.constant 0 : index
      %get3A_429 = tpu.vector_load %arg6[%get3A_426, %get3A_427, %get3A_428] {strides = array<i32>} : memref<2x160x128xf32, #tpu.memory_space<vmem>>, vector<1x1x16xf32>,
      %get3A_430 = vector.shape_cast %get3A_429 : vector<1x1x16xf32> to vector<16xf32>
      %swap3A_431 = arith.constant 0 : i32
      %swap3A_432 = arith.index_cast %swap3A_431 : i32 to index
      %swap3A_433 = arith.index_cast %add3A_424 : i32 to index
      %swap3A_434 = arith.constant 0 : index
      %swap3A_435 = tpu.vector_load %arg7[%swap3A_432, %swap3A_433, %swap3A_434] {strides = array<i32>} : memref<2x160x64xf32, #tpu.memory_space<vmem>>, vector<1x1x16xf32>,
      %swap3A_436 = vector.shape_cast %swap3A_435 : vector<1x1x16xf32> to vector<16xf32>
      %swap3A_437 = vector.shape_cast %get3A_430 : vector<16xf32> to vector<1x1x16xf32>
      tpu.vector_store %arg7[%swap3A_432, %swap3A_433, %swap3A_434], %swap3A_437 {strides = array<i32>} : memref<2x160x64xf32, #tpu.memory_space<vmem>>, vector<1x1x16xf32>,
      %get3A_438 = arith.constant 0 : i32
      %get3A_439 = arith.index_cast %get3A_438 : i32 to index
      %get3A_440 = arith.index_cast %add3A_424 : i32 to index
      %get3A_441 = arith.constant 16 : index
      %get3A_442 = tpu.vector_load %arg6[%get3A_439, %get3A_440, %get3A_441] {strides = array<i32>} : memref<2x160x128xf32, #tpu.memory_space<vmem>>, vector<1x1x16xf32>,
      %get3A_443 = vector.shape_cast %get3A_442 : vector<1x1x16xf32> to vector<16xf32>
      %swap3A_444 = arith.constant 0 : i32
      %swap3A_445 = arith.index_cast %swap3A_444 : i32 to index
      %swap3A_446 = arith.index_cast %add3A_424 : i32 to index
      %swap3A_447 = arith.constant 16 : index
      %swap3A_448 = tpu.vector_load %arg7[%swap3A_445, %swap3A_446, %swap3A_447] {strides = array<i32>} : memref<2x160x64xf32, #tpu.memory_space<vmem>>, vector<1x1x16xf32>,
      %swap3A_449 = vector.shape_cast %swap3A_448 : vector<1x1x16xf32> to vector<16xf32>
      %swap3A_450 = vector.shape_cast %get3A_443 : vector<16xf32> to vector<1x1x16xf32>
      tpu.vector_store %arg7[%swap3A_445, %swap3A_446, %swap3A_447], %swap3A_450 {strides = array<i32>} : memref<2x160x64xf32, #tpu.memory_space<vmem>>, vector<1x1x16xf32>,
      %get3A_451 = arith.constant 0 : i32
      %get3A_452 = arith.index_cast %get3A_451 : i32 to index
      %get3A_453 = arith.index_cast %add3A_424 : i32 to index
      %get3A_454 = arith.constant 32 : index
      %get3A_455 = tpu.vector_load %arg6[%get3A_452, %get3A_453, %get3A_454] {strides = array<i32>} : memref<2x160x128xf32, #tpu.memory_space<vmem>>, vector<1x1x16xf32>,
      %get3A_456 = vector.shape_cast %get3A_455 : vector<1x1x16xf32> to vector<16xf32>
      %swap3A_457 = arith.constant 0 : i32
      %swap3A_458 = arith.index_cast %swap3A_457 : i32 to index
      %swap3A_459 = arith.index_cast %add3A_424 : i32 to index
      %swap3A_460 = arith.constant 32 : index
      %swap3A_461 = tpu.vector_load %arg7[%swap3A_458, %swap3A_459, %swap3A_460] {strides = array<i32>} : memref<2x160x64xf32, #tpu.memory_space<vmem>>, vector<1x1x16xf32>,
      %swap3A_462 = vector.shape_cast %swap3A_461 : vector<1x1x16xf32> to vector<16xf32>
      %swap3A_463 = vector.shape_cast %get3A_456 : vector<16xf32> to vector<1x1x16xf32>
      tpu.vector_store %arg7[%swap3A_458, %swap3A_459, %swap3A_460], %swap3A_463 {strides = array<i32>} : memref<2x160x64xf32, #tpu.memory_space<vmem>>, vector<1x1x16xf32>,
      %get3A_464 = arith.constant 0 : i32
      %get3A_465 = arith.index_cast %get3A_464 : i32 to index
      %get3A_466 = arith.index_cast %add3A_424 : i32 to index
      %get3A_467 = arith.constant 48 : index
      %get3A_468 = tpu.vector_load %arg6[%get3A_465, %get3A_466, %get3A_467] {strides = array<i32>} : memref<2x160x128xf32, #tpu.memory_space<vmem>>, vector<1x1x16xf32>,
      %get3A_469 = vector.shape_cast %get3A_468 : vector<1x1x16xf32> to vector<16xf32>
      %swap3A_470 = arith.constant 0 : i32
      %swap3A_471 = arith.index_cast %swap3A_470 : i32 to index
      %swap3A_472 = arith.index_cast %add3A_424 : i32 to index
      %swap3A_473 = arith.constant 48 : index
      %swap3A_474 = tpu.vector_load %arg7[%swap3A_471, %swap3A_472, %swap3A_473] {strides = array<i32>} : memref<2x160x64xf32, #tpu.memory_space<vmem>>, vector<1x1x16xf32>,
      %swap3A_475 = vector.shape_cast %swap3A_474 : vector<1x1x16xf32> to vector<16xf32>
      %swap3A_476 = vector.shape_cast %get3A_469 : vector<16xf32> to vector<1x1x16xf32>
      tpu.vector_store %arg7[%swap3A_471, %swap3A_472, %swap3A_473], %swap3A_476 {strides = array<i32>} : memref<2x160x64xf32, #tpu.memory_space<vmem>>, vector<1x1x16xf32>,
      %mul3A_477 = arith.constant 8 : i32
      %mul3A_478 = arith.muli %scan3A_142, %mul3A_477 : i32
      %add3A_479 = arith.constant 6 : i32
      %add3A_480 = arith.addi %mul3A_478, %add3A_479 : i32
      %get3A_481 = arith.constant 0 : i32
      %get3A_482 = arith.index_cast %get3A_481 : i32 to index
      %get3A_483 = arith.index_cast %add3A_480 : i32 to index
      %get3A_484 = arith.constant 0 : index
      %get3A_485 = tpu.vector_load %arg6[%get3A_482, %get3A_483, %get3A_484] {strides = array<i32>} : memref<2x160x128xf32, #tpu.memory_space<vmem>>, vector<1x1x16xf32>,
      %get3A_486 = vector.shape_cast %get3A_485 : vector<1x1x16xf32> to vector<16xf32>
      %swap3A_487 = arith.constant 0 : i32
      %swap3A_488 = arith.index_cast %swap3A_487 : i32 to index
      %swap3A_489 = arith.index_cast %add3A_480 : i32 to index
      %swap3A_490 = arith.constant 0 : index
      %swap3A_491 = tpu.vector_load %arg7[%swap3A_488, %swap3A_489, %swap3A_490] {strides = array<i32>} : memref<2x160x64xf32, #tpu.memory_space<vmem>>, vector<1x1x16xf32>,
      %swap3A_492 = vector.shape_cast %swap3A_491 : vector<1x1x16xf32> to vector<16xf32>
      %swap3A_493 = vector.shape_cast %get3A_486 : vector<16xf32> to vector<1x1x16xf32>
      tpu.vector_store %arg7[%swap3A_488, %swap3A_489, %swap3A_490], %swap3A_493 {strides = array<i32>} : memref<2x160x64xf32, #tpu.memory_space<vmem>>, vector<1x1x16xf32>,
      %get3A_494 = arith.constant 0 : i32
      %get3A_495 = arith.index_cast %get3A_494 : i32 to index
      %get3A_496 = arith.index_cast %add3A_480 : i32 to index
      %get3A_497 = arith.constant 16 : index
      %get3A_498 = tpu.vector_load %arg6[%get3A_495, %get3A_496, %get3A_497] {strides = array<i32>} : memref<2x160x128xf32, #tpu.memory_space<vmem>>, vector<1x1x16xf32>,
      %get3A_499 = vector.shape_cast %get3A_498 : vector<1x1x16xf32> to vector<16xf32>
      %swap3A_500 = arith.constant 0 : i32
      %swap3A_501 = arith.index_cast %swap3A_500 : i32 to index
      %swap3A_502 = arith.index_cast %add3A_480 : i32 to index
      %swap3A_503 = arith.constant 16 : index
      %swap3A_504 = tpu.vector_load %arg7[%swap3A_501, %swap3A_502, %swap3A_503] {strides = array<i32>} : memref<2x160x64xf32, #tpu.memory_space<vmem>>, vector<1x1x16xf32>,
      %swap3A_505 = vector.shape_cast %swap3A_504 : vector<1x1x16xf32> to vector<16xf32>
      %swap3A_506 = vector.shape_cast %get3A_499 : vector<16xf32> to vector<1x1x16xf32>
      tpu.vector_store %arg7[%swap3A_501, %swap3A_502, %swap3A_503], %swap3A_506 {strides = array<i32>} : memref<2x160x64xf32, #tpu.memory_space<vmem>>, vector<1x1x16xf32>,
      %get3A_507 = arith.constant 0 : i32
      %get3A_508 = arith.index_cast %get3A_507 : i32 to index
      %get3A_509 = arith.index_cast %add3A_480 : i32 to index
      %get3A_510 = arith.constant 32 : index
      %get3A_511 = tpu.vector_load %arg6[%get3A_508, %get3A_509, %get3A_510] {strides = array<i32>} : memref<2x160x128xf32, #tpu.memory_space<vmem>>, vector<1x1x16xf32>,
      %get3A_512 = vector.shape_cast %get3A_511 : vector<1x1x16xf32> to vector<16xf32>
      %swap3A_513 = arith.constant 0 : i32
      %swap3A_514 = arith.index_cast %swap3A_513 : i32 to index
      %swap3A_515 = arith.index_cast %add3A_480 : i32 to index
      %swap3A_516 = arith.constant 32 : index
      %swap3A_517 = tpu.vector_load %arg7[%swap3A_514, %swap3A_515, %swap3A_516] {strides = array<i32>} : memref<2x160x64xf32, #tpu.memory_space<vmem>>, vector<1x1x16xf32>,
      %swap3A_518 = vector.shape_cast %swap3A_517 : vector<1x1x16xf32> to vector<16xf32>
      %swap3A_519 = vector.shape_cast %get3A_512 : vector<16xf32> to vector<1x1x16xf32>
      tpu.vector_store %arg7[%swap3A_514, %swap3A_515, %swap3A_516], %swap3A_519 {strides = array<i32>} : memref<2x160x64xf32, #tpu.memory_space<vmem>>, vector<1x1x16xf32>,
      %get3A_520 = arith.constant 0 : i32
      %get3A_521 = arith.index_cast %get3A_520 : i32 to index
      %get3A_522 = arith.index_cast %add3A_480 : i32 to index
      %get3A_523 = arith.constant 48 : index
      %get3A_524 = tpu.vector_load %arg6[%get3A_521, %get3A_522, %get3A_523] {strides = array<i32>} : memref<2x160x128xf32, #tpu.memory_space<vmem>>, vector<1x1x16xf32>,
      %get3A_525 = vector.shape_cast %get3A_524 : vector<1x1x16xf32> to vector<16xf32>
      %swap3A_526 = arith.constant 0 : i32
      %swap3A_527 = arith.index_cast %swap3A_526 : i32 to index
      %swap3A_528 = arith.index_cast %add3A_480 : i32 to index
      %swap3A_529 = arith.constant 48 : index
      %swap3A_530 = tpu.vector_load %arg7[%swap3A_527, %swap3A_528, %swap3A_529] {strides = array<i32>} : memref<2x160x64xf32, #tpu.memory_space<vmem>>, vector<1x1x16xf32>,
      %swap3A_531 = vector.shape_cast %swap3A_530 : vector<1x1x16xf32> to vector<16xf32>
      %swap3A_532 = vector.shape_cast %get3A_525 : vector<16xf32> to vector<1x1x16xf32>
      tpu.vector_store %arg7[%swap3A_527, %swap3A_528, %swap3A_529], %swap3A_532 {strides = array<i32>} : memref<2x160x64xf32, #tpu.memory_space<vmem>>, vector<1x1x16xf32>,
      %mul3A_533 = arith.constant 8 : i32
      %mul3A_534 = arith.muli %scan3A_142, %mul3A_533 : i32
      %add3A_535 = arith.constant 7 : i32
      %add3A_536 = arith.addi %mul3A_534, %add3A_535 : i32
      %get3A_537 = arith.constant 0 : i32
      %get3A_538 = arith.index_cast %get3A_537 : i32 to index
      %get3A_539 = arith.index_cast %add3A_536 : i32 to index
      %get3A_540 = arith.constant 0 : index
      %get3A_541 = tpu.vector_load %arg6[%get3A_538, %get3A_539, %get3A_540] {strides = array<i32>} : memref<2x160x128xf32, #tpu.memory_space<vmem>>, vector<1x1x16xf32>,
      %get3A_542 = vector.shape_cast %get3A_541 : vector<1x1x16xf32> to vector<16xf32>
      %swap3A_543 = arith.constant 0 : i32
      %swap3A_544 = arith.index_cast %swap3A_543 : i32 to index
      %swap3A_545 = arith.index_cast %add3A_536 : i32 to index
      %swap3A_546 = arith.constant 0 : index
      %swap3A_547 = tpu.vector_load %arg7[%swap3A_544, %swap3A_545, %swap3A_546] {strides = array<i32>} : memref<2x160x64xf32, #tpu.memory_space<vmem>>, vector<1x1x16xf32>,
      %swap3A_548 = vector.shape_cast %swap3A_547 : vector<1x1x16xf32> to vector<16xf32>
      %swap3A_549 = vector.shape_cast %get3A_542 : vector<16xf32> to vector<1x1x16xf32>
      tpu.vector_store %arg7[%swap3A_544, %swap3A_545, %swap3A_546], %swap3A_549 {strides = array<i32>} : memref<2x160x64xf32, #tpu.memory_space<vmem>>, vector<1x1x16xf32>,
      %get3A_550 = arith.constant 0 : i32
      %get3A_551 = arith.index_cast %get3A_550 : i32 to index
      %get3A_552 = arith.index_cast %add3A_536 : i32 to index
      %get3A_553 = arith.constant 16 : index
      %get3A_554 = tpu.vector_load %arg6[%get3A_551, %get3A_552, %get3A_553] {strides = array<i32>} : memref<2x160x128xf32, #tpu.memory_space<vmem>>, vector<1x1x16xf32>,
      %get3A_555 = vector.shape_cast %get3A_554 : vector<1x1x16xf32> to vector<16xf32>
      %swap3A_556 = arith.constant 0 : i32
      %swap3A_557 = arith.index_cast %swap3A_556 : i32 to index
      %swap3A_558 = arith.index_cast %add3A_536 : i32 to index
      %swap3A_559 = arith.constant 16 : index
      %swap3A_560 = tpu.vector_load %arg7[%swap3A_557, %swap3A_558, %swap3A_559] {strides = array<i32>} : memref<2x160x64xf32, #tpu.memory_space<vmem>>, vector<1x1x16xf32>,
      %swap3A_561 = vector.shape_cast %swap3A_560 : vector<1x1x16xf32> to vector<16xf32>
      %swap3A_562 = vector.shape_cast %get3A_555 : vector<16xf32> to vector<1x1x16xf32>
      tpu.vector_store %arg7[%swap3A_557, %swap3A_558, %swap3A_559], %swap3A_562 {strides = array<i32>} : memref<2x160x64xf32, #tpu.memory_space<vmem>>, vector<1x1x16xf32>,
      %get3A_563 = arith.constant 0 : i32
      %get3A_564 = arith.index_cast %get3A_563 : i32 to index
      %get3A_565 = arith.index_cast %add3A_536 : i32 to index
      %get3A_566 = arith.constant 32 : index
      %get3A_567 = tpu.vector_load %arg6[%get3A_564, %get3A_565, %get3A_566] {strides = array<i32>} : memref<2x160x128xf32, #tpu.memory_space<vmem>>, vector<1x1x16xf32>,
      %get3A_568 = vector.shape_cast %get3A_567 : vector<1x1x16xf32> to vector<16xf32>
      %swap3A_569 = arith.constant 0 : i32
      %swap3A_570 = arith.index_cast %swap3A_569 : i32 to index
      %swap3A_571 = arith.index_cast %add3A_536 : i32 to index
      %swap3A_572 = arith.constant 32 : index
      %swap3A_573 = tpu.vector_load %arg7[%swap3A_570, %swap3A_571, %swap3A_572] {strides = array<i32>} : memref<2x160x64xf32, #tpu.memory_space<vmem>>, vector<1x1x16xf32>,
      %swap3A_574 = vector.shape_cast %swap3A_573 : vector<1x1x16xf32> to vector<16xf32>
      %swap3A_575 = vector.shape_cast %get3A_568 : vector<16xf32> to vector<1x1x16xf32>
      tpu.vector_store %arg7[%swap3A_570, %swap3A_571, %swap3A_572], %swap3A_575 {strides = array<i32>} : memref<2x160x64xf32, #tpu.memory_space<vmem>>, vector<1x1x16xf32>,
      %get3A_576 = arith.constant 0 : i32
      %get3A_577 = arith.index_cast %get3A_576 : i32 to index
      %get3A_578 = arith.index_cast %add3A_536 : i32 to index
      %get3A_579 = arith.constant 48 : index
      %get3A_580 = tpu.vector_load %arg6[%get3A_577, %get3A_578, %get3A_579] {strides = array<i32>} : memref<2x160x128xf32, #tpu.memory_space<vmem>>, vector<1x1x16xf32>,
      %get3A_581 = vector.shape_cast %get3A_580 : vector<1x1x16xf32> to vector<16xf32>
      %swap3A_582 = arith.constant 0 : i32
      %swap3A_583 = arith.index_cast %swap3A_582 : i32 to index
      %swap3A_584 = arith.index_cast %add3A_536 : i32 to index
      %swap3A_585 = arith.constant 48 : index
      %swap3A_586 = tpu.vector_load %arg7[%swap3A_583, %swap3A_584, %swap3A_585] {strides = array<i32>} : memref<2x160x64xf32, #tpu.memory_space<vmem>>, vector<1x1x16xf32>,
      %swap3A_587 = vector.shape_cast %swap3A_586 : vector<1x1x16xf32> to vector<16xf32>
      %swap3A_588 = vector.shape_cast %get3A_581 : vector<16xf32> to vector<1x1x16xf32>
      tpu.vector_store %arg7[%swap3A_583, %swap3A_584, %swap3A_585], %swap3A_588 {strides = array<i32>} : memref<2x160x64xf32, #tpu.memory_space<vmem>>, vector<1x1x16xf32>,
    }
    %scan3A_50 = arith.constant 20 : i32
    %add3A_51 = arith.constant 25280 : i32
    %add3A_52 = arith.addi %mul3A_2, %add3A_51 : i32
    %dma_start3A_53 = arith.constant 0 : i32
    %dma_start3A_54 = arith.constant 0 : i32
    %dma_start3A_55 = arith.constant 0 : i32
    %dma_start3A_56 = arith.constant 0 : i32
    %dma_start3A_57 = tpu.memref_slice %arg7[%dma_start3A_53, %dma_start3A_55, %dma_start3A_56] : memref<2x160x64xf32, #tpu.memory_space<vmem>> -> memref<1x160x64xf32, #tpu.memory_space<vmem>>
    %dma_start3A_58 = tpu.memref_squeeze %dma_start3A_57 : memref<1x160x64xf32, #tpu.memory_space<vmem>> -> memref<160x64xf32, #tpu.memory_space<vmem>>
    %dma_start3A_59 = arith.constant 0 : i32
    %dma_start3A_60 = tpu.memref_slice %arg4[%add3A_52, %dma_start3A_59] : memref<819200x64xf32, #tpu.memory_space<hbm>> -> memref<160x64xf32, #tpu.memory_space<hbm>>
    %dma_start3A_61 = tpu.memref_slice %arg9[%dma_start3A_54] : memref<2x!tpu.dma_semaphore, #tpu.memory_space<semaphore_mem>> -> memref<1x!tpu.dma_semaphore, #tpu.memory_space<semaphore_mem>>
    %dma_start3A_62 = tpu.memref_squeeze %dma_start3A_61 : memref<1x!tpu.dma_semaphore, #tpu.memory_space<semaphore_mem>> -> memref<!tpu.dma_semaphore, #tpu.memory_space<semaphore_mem>>
    %dma_start3A_63 = arith.constant 0 : i32
    %dma_start3A_64 = tpu.memref_slice %arg4[%add3A_52, %dma_start3A_63] : memref<819200x64xf32, #tpu.memory_space<hbm>> -> memref<160x64xf32, #tpu.memory_space<hbm>>
    %dma_start3A_65 = arith.constant 0 : i32
    %dma_start3A_66 = arith.constant 0 : i32
    %dma_start3A_67 = tpu.memref_slice %arg7[%dma_start3A_53, %dma_start3A_65, %dma_start3A_66] : memref<2x160x64xf32, #tpu.memory_space<vmem>> -> memref<1x160x64xf32, #tpu.memory_space<vmem>>
    %dma_start3A_68 = tpu.memref_squeeze %dma_start3A_67 : memref<1x160x64xf32, #tpu.memory_space<vmem>> -> memref<160x64xf32, #tpu.memory_space<vmem>>
    tpu.enqueue_dma source(%dma_start3A_68 : memref<160x64xf32, #tpu.memory_space<vmem>>) target(%dma_start3A_64 : memref<160x64xf32, #tpu.memory_space<hbm>>) target_semaphore(%dma_start3A_62 : memref<!tpu.dma_semaphore, #tpu.memory_space<semaphore_mem>>)
    %dma_wait3A_69 = arith.constant 1 : i32
    %dma_wait3A_70 = arith.constant 1 : i32
    %dma_wait3A_71 = arith.constant 0 : i32
    %dma_wait3A_72 = arith.constant 0 : i32
    %dma_wait3A_73 = tpu.memref_slice %arg6[%dma_wait3A_69, %dma_wait3A_71, %dma_wait3A_72] : memref<2x160x128xf32, #tpu.memory_space<vmem>> -> memref<1x160x128xf32, #tpu.memory_space<vmem>>
    %dma_wait3A_74 = tpu.memref_squeeze %dma_wait3A_73 : memref<1x160x128xf32, #tpu.memory_space<vmem>> -> memref<160x128xf32, #tpu.memory_space<vmem>>
    %dma_wait3A_75 = arith.constant 25440 : i32
    %dma_wait3A_76 = tpu.memref_slice %arg5[%dma_wait3A_75] : memref<25600xi32, #tpu.memory_space<vmem>> -> memref<160xi32, #tpu.memory_space<vmem>>
    %dma_wait3A_77 = arith.constant 0 : i32
    %dma_wait3A_78 = arith.constant 0 : i32
    %dma_wait3A_79 = tpu.memref_slice %arg3[%dma_wait3A_77, %dma_wait3A_78] : memref<1000000x128xf32, #tpu.memory_space<hbm>> -> memref<1000000x128xf32, #tpu.memory_space<hbm>>
    %dma_wait3A_80 = tpu.memref_slice %arg8[%dma_wait3A_70] : memref<2x!tpu.dma_semaphore, #tpu.memory_space<semaphore_mem>> -> memref<1x!tpu.dma_semaphore, #tpu.memory_space<semaphore_mem>>
    %dma_wait3A_81 = tpu.memref_squeeze %dma_wait3A_80 : memref<1x!tpu.dma_semaphore, #tpu.memory_space<semaphore_mem>> -> memref<!tpu.dma_semaphore, #tpu.memory_space<semaphore_mem>>
    tpu.wait_indirect_dma semaphore(%dma_wait3A_81 : memref<!tpu.dma_semaphore, #tpu.memory_space<semaphore_mem>>) src(%dma_wait3A_79 : memref<1000000x128xf32, #tpu.memory_space<hbm>>) dst(%dma_wait3A_74 : memref<160x128xf32, #tpu.memory_space<vmem>>)
    %scan3A_82 = arith.constant 0 : i32
    %scan3A_83 = arith.constant 0 : i32
    %scan3A_84 = arith.constant 20 : i32
    %scan3A_85 = arith.addi %scan3A_83, %scan3A_84 : i32
    %scan3A_86 = arith.constant 1 : i32
    scf.for %scan3A_142 = %scan3A_83 to %scan3A_85 step %scan3A_86  : i32 {
      %mul3A_143 = arith.constant 8 : i32
      %mul3A_144 = arith.muli %scan3A_142, %mul3A_143 : i32
      %add3A_145 = arith.constant 0 : i32
      %add3A_146 = arith.addi %mul3A_144, %add3A_145 : i32
      %get3A = arith.constant 1 : i32
      %get3A_147 = arith.index_cast %get3A : i32 to index
      %get3A_148 = arith.index_cast %add3A_146 : i32 to index
      %get3A_149 = arith.constant 0 : index
      %get3A_150 = tpu.vector_load %arg6[%get3A_147, %get3A_148, %get3A_149] {strides = array<i32>} : memref<2x160x128xf32, #tpu.memory_space<vmem>>, vector<1x1x16xf32>,
      %get3A_151 = vector.shape_cast %get3A_150 : vector<1x1x16xf32> to vector<16xf32>
      %swap3A = arith.constant 1 : i32
      %swap3A_152 = arith.index_cast %swap3A : i32 to index
      %swap3A_153 = arith.index_cast %add3A_146 : i32 to index
      %swap3A_154 = arith.constant 0 : index
      %swap3A_155 = tpu.vector_load %arg7[%swap3A_152, %swap3A_153, %swap3A_154] {strides = array<i32>} : memref<2x160x64xf32, #tpu.memory_space<vmem>>, vector<1x1x16xf32>,
      %swap3A_156 = vector.shape_cast %swap3A_155 : vector<1x1x16xf32> to vector<16xf32>
      %swap3A_157 = vector.shape_cast %get3A_151 : vector<16xf32> to vector<1x1x16xf32>
      tpu.vector_store %arg7[%swap3A_152, %swap3A_153, %swap3A_154], %swap3A_157 {strides = array<i32>} : memref<2x160x64xf32, #tpu.memory_space<vmem>>, vector<1x1x16xf32>,
      %get3A_158 = arith.constant 1 : i32
      %get3A_159 = arith.index_cast %get3A_158 : i32 to index
      %get3A_160 = arith.index_cast %add3A_146 : i32 to index
      %get3A_161 = arith.constant 16 : index
      %get3A_162 = tpu.vector_load %arg6[%get3A_159, %get3A_160, %get3A_161] {strides = array<i32>} : memref<2x160x128xf32, #tpu.memory_space<vmem>>, vector<1x1x16xf32>,
      %get3A_163 = vector.shape_cast %get3A_162 : vector<1x1x16xf32> to vector<16xf32>
      %swap3A_164 = arith.constant 1 : i32
      %swap3A_165 = arith.index_cast %swap3A_164 : i32 to index
      %swap3A_166 = arith.index_cast %add3A_146 : i32 to index
      %swap3A_167 = arith.constant 16 : index
      %swap3A_168 = tpu.vector_load %arg7[%swap3A_165, %swap3A_166, %swap3A_167] {strides = array<i32>} : memref<2x160x64xf32, #tpu.memory_space<vmem>>, vector<1x1x16xf32>,
      %swap3A_169 = vector.shape_cast %swap3A_168 : vector<1x1x16xf32> to vector<16xf32>
      %swap3A_170 = vector.shape_cast %get3A_163 : vector<16xf32> to vector<1x1x16xf32>
      tpu.vector_store %arg7[%swap3A_165, %swap3A_166, %swap3A_167], %swap3A_170 {strides = array<i32>} : memref<2x160x64xf32, #tpu.memory_space<vmem>>, vector<1x1x16xf32>,
      %get3A_171 = arith.constant 1 : i32
      %get3A_172 = arith.index_cast %get3A_171 : i32 to index
      %get3A_173 = arith.index_cast %add3A_146 : i32 to index
      %get3A_174 = arith.constant 32 : index
      %get3A_175 = tpu.vector_load %arg6[%get3A_172, %get3A_173, %get3A_174] {strides = array<i32>} : memref<2x160x128xf32, #tpu.memory_space<vmem>>, vector<1x1x16xf32>,
      %get3A_176 = vector.shape_cast %get3A_175 : vector<1x1x16xf32> to vector<16xf32>
      %swap3A_177 = arith.constant 1 : i32
      %swap3A_178 = arith.index_cast %swap3A_177 : i32 to index
      %swap3A_179 = arith.index_cast %add3A_146 : i32 to index
      %swap3A_180 = arith.constant 32 : index
      %swap3A_181 = tpu.vector_load %arg7[%swap3A_178, %swap3A_179, %swap3A_180] {strides = array<i32>} : memref<2x160x64xf32, #tpu.memory_space<vmem>>, vector<1x1x16xf32>,
      %swap3A_182 = vector.shape_cast %swap3A_181 : vector<1x1x16xf32> to vector<16xf32>
      %swap3A_183 = vector.shape_cast %get3A_176 : vector<16xf32> to vector<1x1x16xf32>
      tpu.vector_store %arg7[%swap3A_178, %swap3A_179, %swap3A_180], %swap3A_183 {strides = array<i32>} : memref<2x160x64xf32, #tpu.memory_space<vmem>>, vector<1x1x16xf32>,
      %get3A_184 = arith.constant 1 : i32
      %get3A_185 = arith.index_cast %get3A_184 : i32 to index
      %get3A_186 = arith.index_cast %add3A_146 : i32 to index
      %get3A_187 = arith.constant 48 : index
      %get3A_188 = tpu.vector_load %arg6[%get3A_185, %get3A_186, %get3A_187] {strides = array<i32>} : memref<2x160x128xf32, #tpu.memory_space<vmem>>, vector<1x1x16xf32>,
      %get3A_189 = vector.shape_cast %get3A_188 : vector<1x1x16xf32> to vector<16xf32>
      %swap3A_190 = arith.constant 1 : i32
      %swap3A_191 = arith.index_cast %swap3A_190 : i32 to index
      %swap3A_192 = arith.index_cast %add3A_146 : i32 to index
      %swap3A_193 = arith.constant 48 : index
      %swap3A_194 = tpu.vector_load %arg7[%swap3A_191, %swap3A_192, %swap3A_193] {strides = array<i32>} : memref<2x160x64xf32, #tpu.memory_space<vmem>>, vector<1x1x16xf32>,
      %swap3A_195 = vector.shape_cast %swap3A_194 : vector<1x1x16xf32> to vector<16xf32>
      %swap3A_196 = vector.shape_cast %get3A_189 : vector<16xf32> to vector<1x1x16xf32>
      tpu.vector_store %arg7[%swap3A_191, %swap3A_192, %swap3A_193], %swap3A_196 {strides = array<i32>} : memref<2x160x64xf32, #tpu.memory_space<vmem>>, vector<1x1x16xf32>,
      %mul3A_197 = arith.constant 8 : i32
      %mul3A_198 = arith.muli %scan3A_142, %mul3A_197 : i32
      %add3A_199 = arith.constant 1 : i32
      %add3A_200 = arith.addi %mul3A_198, %add3A_199 : i32
      %get3A_201 = arith.constant 1 : i32
      %get3A_202 = arith.index_cast %get3A_201 : i32 to index
      %get3A_203 = arith.index_cast %add3A_200 : i32 to index
      %get3A_204 = arith.constant 0 : index
      %get3A_205 = tpu.vector_load %arg6[%get3A_202, %get3A_203, %get3A_204] {strides = array<i32>} : memref<2x160x128xf32, #tpu.memory_space<vmem>>, vector<1x1x16xf32>,
      %get3A_206 = vector.shape_cast %get3A_205 : vector<1x1x16xf32> to vector<16xf32>
      %swap3A_207 = arith.constant 1 : i32
      %swap3A_208 = arith.index_cast %swap3A_207 : i32 to index
      %swap3A_209 = arith.index_cast %add3A_200 : i32 to index
      %swap3A_210 = arith.constant 0 : index
      %swap3A_211 = tpu.vector_load %arg7[%swap3A_208, %swap3A_209, %swap3A_210] {strides = array<i32>} : memref<2x160x64xf32, #tpu.memory_space<vmem>>, vector<1x1x16xf32>,
      %swap3A_212 = vector.shape_cast %swap3A_211 : vector<1x1x16xf32> to vector<16xf32>
      %swap3A_213 = vector.shape_cast %get3A_206 : vector<16xf32> to vector<1x1x16xf32>
      tpu.vector_store %arg7[%swap3A_208, %swap3A_209, %swap3A_210], %swap3A_213 {strides = array<i32>} : memref<2x160x64xf32, #tpu.memory_space<vmem>>, vector<1x1x16xf32>,
      %get3A_214 = arith.constant 1 : i32
      %get3A_215 = arith.index_cast %get3A_214 : i32 to index
      %get3A_216 = arith.index_cast %add3A_200 : i32 to index
      %get3A_217 = arith.constant 16 : index
      %get3A_218 = tpu.vector_load %arg6[%get3A_215, %get3A_216, %get3A_217] {strides = array<i32>} : memref<2x160x128xf32, #tpu.memory_space<vmem>>, vector<1x1x16xf32>,
      %get3A_219 = vector.shape_cast %get3A_218 : vector<1x1x16xf32> to vector<16xf32>
      %swap3A_220 = arith.constant 1 : i32
      %swap3A_221 = arith.index_cast %swap3A_220 : i32 to index
      %swap3A_222 = arith.index_cast %add3A_200 : i32 to index
      %swap3A_223 = arith.constant 16 : index
      %swap3A_224 = tpu.vector_load %arg7[%swap3A_221, %swap3A_222, %swap3A_223] {strides = array<i32>} : memref<2x160x64xf32, #tpu.memory_space<vmem>>, vector<1x1x16xf32>,
      %swap3A_225 = vector.shape_cast %swap3A_224 : vector<1x1x16xf32> to vector<16xf32>
      %swap3A_226 = vector.shape_cast %get3A_219 : vector<16xf32> to vector<1x1x16xf32>
      tpu.vector_store %arg7[%swap3A_221, %swap3A_222, %swap3A_223], %swap3A_226 {strides = array<i32>} : memref<2x160x64xf32, #tpu.memory_space<vmem>>, vector<1x1x16xf32>,
      %get3A_227 = arith.constant 1 : i32
      %get3A_228 = arith.index_cast %get3A_227 : i32 to index
      %get3A_229 = arith.index_cast %add3A_200 : i32 to index
      %get3A_230 = arith.constant 32 : index
      %get3A_231 = tpu.vector_load %arg6[%get3A_228, %get3A_229, %get3A_230] {strides = array<i32>} : memref<2x160x128xf32, #tpu.memory_space<vmem>>, vector<1x1x16xf32>,
      %get3A_232 = vector.shape_cast %get3A_231 : vector<1x1x16xf32> to vector<16xf32>
      %swap3A_233 = arith.constant 1 : i32
      %swap3A_234 = arith.index_cast %swap3A_233 : i32 to index
      %swap3A_235 = arith.index_cast %add3A_200 : i32 to index
      %swap3A_236 = arith.constant 32 : index
      %swap3A_237 = tpu.vector_load %arg7[%swap3A_234, %swap3A_235, %swap3A_236] {strides = array<i32>} : memref<2x160x64xf32, #tpu.memory_space<vmem>>, vector<1x1x16xf32>,
      %swap3A_238 = vector.shape_cast %swap3A_237 : vector<1x1x16xf32> to vector<16xf32>
      %swap3A_239 = vector.shape_cast %get3A_232 : vector<16xf32> to vector<1x1x16xf32>
      tpu.vector_store %arg7[%swap3A_234, %swap3A_235, %swap3A_236], %swap3A_239 {strides = array<i32>} : memref<2x160x64xf32, #tpu.memory_space<vmem>>, vector<1x1x16xf32>,
      %get3A_240 = arith.constant 1 : i32
      %get3A_241 = arith.index_cast %get3A_240 : i32 to index
      %get3A_242 = arith.index_cast %add3A_200 : i32 to index
      %get3A_243 = arith.constant 48 : index
      %get3A_244 = tpu.vector_load %arg6[%get3A_241, %get3A_242, %get3A_243] {strides = array<i32>} : memref<2x160x128xf32, #tpu.memory_space<vmem>>, vector<1x1x16xf32>,
      %get3A_245 = vector.shape_cast %get3A_244 : vector<1x1x16xf32> to vector<16xf32>
      %swap3A_246 = arith.constant 1 : i32
      %swap3A_247 = arith.index_cast %swap3A_246 : i32 to index
      %swap3A_248 = arith.index_cast %add3A_200 : i32 to index
      %swap3A_249 = arith.constant 48 : index
      %swap3A_250 = tpu.vector_load %arg7[%swap3A_247, %swap3A_248, %swap3A_249] {strides = array<i32>} : memref<2x160x64xf32, #tpu.memory_space<vmem>>, vector<1x1x16xf32>,
      %swap3A_251 = vector.shape_cast %swap3A_250 : vector<1x1x16xf32> to vector<16xf32>
      %swap3A_252 = vector.shape_cast %get3A_245 : vector<16xf32> to vector<1x1x16xf32>
      tpu.vector_store %arg7[%swap3A_247, %swap3A_248, %swap3A_249], %swap3A_252 {strides = array<i32>} : memref<2x160x64xf32, #tpu.memory_space<vmem>>, vector<1x1x16xf32>,
      %mul3A_253 = arith.constant 8 : i32
      %mul3A_254 = arith.muli %scan3A_142, %mul3A_253 : i32
      %add3A_255 = arith.constant 2 : i32
      %add3A_256 = arith.addi %mul3A_254, %add3A_255 : i32
      %get3A_257 = arith.constant 1 : i32
      %get3A_258 = arith.index_cast %get3A_257 : i32 to index
      %get3A_259 = arith.index_cast %add3A_256 : i32 to index
      %get3A_260 = arith.constant 0 : index
      %get3A_261 = tpu.vector_load %arg6[%get3A_258, %get3A_259, %get3A_260] {strides = array<i32>} : memref<2x160x128xf32, #tpu.memory_space<vmem>>, vector<1x1x16xf32>,
      %get3A_262 = vector.shape_cast %get3A_261 : vector<1x1x16xf32> to vector<16xf32>
      %swap3A_263 = arith.constant 1 : i32
      %swap3A_264 = arith.index_cast %swap3A_263 : i32 to index
      %swap3A_265 = arith.index_cast %add3A_256 : i32 to index
      %swap3A_266 = arith.constant 0 : index
      %swap3A_267 = tpu.vector_load %arg7[%swap3A_264, %swap3A_265, %swap3A_266] {strides = array<i32>} : memref<2x160x64xf32, #tpu.memory_space<vmem>>, vector<1x1x16xf32>,
      %swap3A_268 = vector.shape_cast %swap3A_267 : vector<1x1x16xf32> to vector<16xf32>
      %swap3A_269 = vector.shape_cast %get3A_262 : vector<16xf32> to vector<1x1x16xf32>
      tpu.vector_store %arg7[%swap3A_264, %swap3A_265, %swap3A_266], %swap3A_269 {strides = array<i32>} : memref<2x160x64xf32, #tpu.memory_space<vmem>>, vector<1x1x16xf32>,
      %get3A_270 = arith.constant 1 : i32
      %get3A_271 = arith.index_cast %get3A_270 : i32 to index
      %get3A_272 = arith.index_cast %add3A_256 : i32 to index
      %get3A_273 = arith.constant 16 : index
      %get3A_274 = tpu.vector_load %arg6[%get3A_271, %get3A_272, %get3A_273] {strides = array<i32>} : memref<2x160x128xf32, #tpu.memory_space<vmem>>, vector<1x1x16xf32>,
      %get3A_275 = vector.shape_cast %get3A_274 : vector<1x1x16xf32> to vector<16xf32>
      %swap3A_276 = arith.constant 1 : i32
      %swap3A_277 = arith.index_cast %swap3A_276 : i32 to index
      %swap3A_278 = arith.index_cast %add3A_256 : i32 to index
      %swap3A_279 = arith.constant 16 : index
      %swap3A_280 = tpu.vector_load %arg7[%swap3A_277, %swap3A_278, %swap3A_279] {strides = array<i32>} : memref<2x160x64xf32, #tpu.memory_space<vmem>>, vector<1x1x16xf32>,
      %swap3A_281 = vector.shape_cast %swap3A_280 : vector<1x1x16xf32> to vector<16xf32>
      %swap3A_282 = vector.shape_cast %get3A_275 : vector<16xf32> to vector<1x1x16xf32>
      tpu.vector_store %arg7[%swap3A_277, %swap3A_278, %swap3A_279], %swap3A_282 {strides = array<i32>} : memref<2x160x64xf32, #tpu.memory_space<vmem>>, vector<1x1x16xf32>,
      %get3A_283 = arith.constant 1 : i32
      %get3A_284 = arith.index_cast %get3A_283 : i32 to index
      %get3A_285 = arith.index_cast %add3A_256 : i32 to index
      %get3A_286 = arith.constant 32 : index
      %get3A_287 = tpu.vector_load %arg6[%get3A_284, %get3A_285, %get3A_286] {strides = array<i32>} : memref<2x160x128xf32, #tpu.memory_space<vmem>>, vector<1x1x16xf32>,
      %get3A_288 = vector.shape_cast %get3A_287 : vector<1x1x16xf32> to vector<16xf32>
      %swap3A_289 = arith.constant 1 : i32
      %swap3A_290 = arith.index_cast %swap3A_289 : i32 to index
      %swap3A_291 = arith.index_cast %add3A_256 : i32 to index
      %swap3A_292 = arith.constant 32 : index
      %swap3A_293 = tpu.vector_load %arg7[%swap3A_290, %swap3A_291, %swap3A_292] {strides = array<i32>} : memref<2x160x64xf32, #tpu.memory_space<vmem>>, vector<1x1x16xf32>,
      %swap3A_294 = vector.shape_cast %swap3A_293 : vector<1x1x16xf32> to vector<16xf32>
      %swap3A_295 = vector.shape_cast %get3A_288 : vector<16xf32> to vector<1x1x16xf32>
      tpu.vector_store %arg7[%swap3A_290, %swap3A_291, %swap3A_292], %swap3A_295 {strides = array<i32>} : memref<2x160x64xf32, #tpu.memory_space<vmem>>, vector<1x1x16xf32>,
      %get3A_296 = arith.constant 1 : i32
      %get3A_297 = arith.index_cast %get3A_296 : i32 to index
      %get3A_298 = arith.index_cast %add3A_256 : i32 to index
      %get3A_299 = arith.constant 48 : index
      %get3A_300 = tpu.vector_load %arg6[%get3A_297, %get3A_298, %get3A_299] {strides = array<i32>} : memref<2x160x128xf32, #tpu.memory_space<vmem>>, vector<1x1x16xf32>,
      %get3A_301 = vector.shape_cast %get3A_300 : vector<1x1x16xf32> to vector<16xf32>
      %swap3A_302 = arith.constant 1 : i32
      %swap3A_303 = arith.index_cast %swap3A_302 : i32 to index
      %swap3A_304 = arith.index_cast %add3A_256 : i32 to index
      %swap3A_305 = arith.constant 48 : index
      %swap3A_306 = tpu.vector_load %arg7[%swap3A_303, %swap3A_304, %swap3A_305] {strides = array<i32>} : memref<2x160x64xf32, #tpu.memory_space<vmem>>, vector<1x1x16xf32>,
      %swap3A_307 = vector.shape_cast %swap3A_306 : vector<1x1x16xf32> to vector<16xf32>
      %swap3A_308 = vector.shape_cast %get3A_301 : vector<16xf32> to vector<1x1x16xf32>
      tpu.vector_store %arg7[%swap3A_303, %swap3A_304, %swap3A_305], %swap3A_308 {strides = array<i32>} : memref<2x160x64xf32, #tpu.memory_space<vmem>>, vector<1x1x16xf32>,
      %mul3A_309 = arith.constant 8 : i32
      %mul3A_310 = arith.muli %scan3A_142, %mul3A_309 : i32
      %add3A_311 = arith.constant 3 : i32
      %add3A_312 = arith.addi %mul3A_310, %add3A_311 : i32
      %get3A_313 = arith.constant 1 : i32
      %get3A_314 = arith.index_cast %get3A_313 : i32 to index
      %get3A_315 = arith.index_cast %add3A_312 : i32 to index
      %get3A_316 = arith.constant 0 : index
      %get3A_317 = tpu.vector_load %arg6[%get3A_314, %get3A_315, %get3A_316] {strides = array<i32>} : memref<2x160x128xf32, #tpu.memory_space<vmem>>, vector<1x1x16xf32>,
      %get3A_318 = vector.shape_cast %get3A_317 : vector<1x1x16xf32> to vector<16xf32>
      %swap3A_319 = arith.constant 1 : i32
      %swap3A_320 = arith.index_cast %swap3A_319 : i32 to index
      %swap3A_321 = arith.index_cast %add3A_312 : i32 to index
      %swap3A_322 = arith.constant 0 : index
      %swap3A_323 = tpu.vector_load %arg7[%swap3A_320, %swap3A_321, %swap3A_322] {strides = array<i32>} : memref<2x160x64xf32, #tpu.memory_space<vmem>>, vector<1x1x16xf32>,
      %swap3A_324 = vector.shape_cast %swap3A_323 : vector<1x1x16xf32> to vector<16xf32>
      %swap3A_325 = vector.shape_cast %get3A_318 : vector<16xf32> to vector<1x1x16xf32>
      tpu.vector_store %arg7[%swap3A_320, %swap3A_321, %swap3A_322], %swap3A_325 {strides = array<i32>} : memref<2x160x64xf32, #tpu.memory_space<vmem>>, vector<1x1x16xf32>,
      %get3A_326 = arith.constant 1 : i32
      %get3A_327 = arith.index_cast %get3A_326 : i32 to index
      %get3A_328 = arith.index_cast %add3A_312 : i32 to index
      %get3A_329 = arith.constant 16 : index
      %get3A_330 = tpu.vector_load %arg6[%get3A_327, %get3A_328, %get3A_329] {strides = array<i32>} : memref<2x160x128xf32, #tpu.memory_space<vmem>>, vector<1x1x16xf32>,
      %get3A_331 = vector.shape_cast %get3A_330 : vector<1x1x16xf32> to vector<16xf32>
      %swap3A_332 = arith.constant 1 : i32
      %swap3A_333 = arith.index_cast %swap3A_332 : i32 to index
      %swap3A_334 = arith.index_cast %add3A_312 : i32 to index
      %swap3A_335 = arith.constant 16 : index
      %swap3A_336 = tpu.vector_load %arg7[%swap3A_333, %swap3A_334, %swap3A_335] {strides = array<i32>} : memref<2x160x64xf32, #tpu.memory_space<vmem>>, vector<1x1x16xf32>,
      %swap3A_337 = vector.shape_cast %swap3A_336 : vector<1x1x16xf32> to vector<16xf32>
      %swap3A_338 = vector.shape_cast %get3A_331 : vector<16xf32> to vector<1x1x16xf32>
      tpu.vector_store %arg7[%swap3A_333, %swap3A_334, %swap3A_335], %swap3A_338 {strides = array<i32>} : memref<2x160x64xf32, #tpu.memory_space<vmem>>, vector<1x1x16xf32>,
      %get3A_339 = arith.constant 1 : i32
      %get3A_340 = arith.index_cast %get3A_339 : i32 to index
      %get3A_341 = arith.index_cast %add3A_312 : i32 to index
      %get3A_342 = arith.constant 32 : index
      %get3A_343 = tpu.vector_load %arg6[%get3A_340, %get3A_341, %get3A_342] {strides = array<i32>} : memref<2x160x128xf32, #tpu.memory_space<vmem>>, vector<1x1x16xf32>,
      %get3A_344 = vector.shape_cast %get3A_343 : vector<1x1x16xf32> to vector<16xf32>
      %swap3A_345 = arith.constant 1 : i32
      %swap3A_346 = arith.index_cast %swap3A_345 : i32 to index
      %swap3A_347 = arith.index_cast %add3A_312 : i32 to index
      %swap3A_348 = arith.constant 32 : index
      %swap3A_349 = tpu.vector_load %arg7[%swap3A_346, %swap3A_347, %swap3A_348] {strides = array<i32>} : memref<2x160x64xf32, #tpu.memory_space<vmem>>, vector<1x1x16xf32>,
      %swap3A_350 = vector.shape_cast %swap3A_349 : vector<1x1x16xf32> to vector<16xf32>
      %swap3A_351 = vector.shape_cast %get3A_344 : vector<16xf32> to vector<1x1x16xf32>
      tpu.vector_store %arg7[%swap3A_346, %swap3A_347, %swap3A_348], %swap3A_351 {strides = array<i32>} : memref<2x160x64xf32, #tpu.memory_space<vmem>>, vector<1x1x16xf32>,
      %get3A_352 = arith.constant 1 : i32
      %get3A_353 = arith.index_cast %get3A_352 : i32 to index
      %get3A_354 = arith.index_cast %add3A_312 : i32 to index
      %get3A_355 = arith.constant 48 : index
      %get3A_356 = tpu.vector_load %arg6[%get3A_353, %get3A_354, %get3A_355] {strides = array<i32>} : memref<2x160x128xf32, #tpu.memory_space<vmem>>, vector<1x1x16xf32>,
      %get3A_357 = vector.shape_cast %get3A_356 : vector<1x1x16xf32> to vector<16xf32>
      %swap3A_358 = arith.constant 1 : i32
      %swap3A_359 = arith.index_cast %swap3A_358 : i32 to index
      %swap3A_360 = arith.index_cast %add3A_312 : i32 to index
      %swap3A_361 = arith.constant 48 : index
      %swap3A_362 = tpu.vector_load %arg7[%swap3A_359, %swap3A_360, %swap3A_361] {strides = array<i32>} : memref<2x160x64xf32, #tpu.memory_space<vmem>>, vector<1x1x16xf32>,
      %swap3A_363 = vector.shape_cast %swap3A_362 : vector<1x1x16xf32> to vector<16xf32>
      %swap3A_364 = vector.shape_cast %get3A_357 : vector<16xf32> to vector<1x1x16xf32>
      tpu.vector_store %arg7[%swap3A_359, %swap3A_360, %swap3A_361], %swap3A_364 {strides = array<i32>} : memref<2x160x64xf32, #tpu.memory_space<vmem>>, vector<1x1x16xf32>,
      %mul3A_365 = arith.constant 8 : i32
      %mul3A_366 = arith.muli %scan3A_142, %mul3A_365 : i32
      %add3A_367 = arith.constant 4 : i32
      %add3A_368 = arith.addi %mul3A_366, %add3A_367 : i32
      %get3A_369 = arith.constant 1 : i32
      %get3A_370 = arith.index_cast %get3A_369 : i32 to index
      %get3A_371 = arith.index_cast %add3A_368 : i32 to index
      %get3A_372 = arith.constant 0 : index
      %get3A_373 = tpu.vector_load %arg6[%get3A_370, %get3A_371, %get3A_372] {strides = array<i32>} : memref<2x160x128xf32, #tpu.memory_space<vmem>>, vector<1x1x16xf32>,
      %get3A_374 = vector.shape_cast %get3A_373 : vector<1x1x16xf32> to vector<16xf32>
      %swap3A_375 = arith.constant 1 : i32
      %swap3A_376 = arith.index_cast %swap3A_375 : i32 to index
      %swap3A_377 = arith.index_cast %add3A_368 : i32 to index
      %swap3A_378 = arith.constant 0 : index
      %swap3A_379 = tpu.vector_load %arg7[%swap3A_376, %swap3A_377, %swap3A_378] {strides = array<i32>} : memref<2x160x64xf32, #tpu.memory_space<vmem>>, vector<1x1x16xf32>,
      %swap3A_380 = vector.shape_cast %swap3A_379 : vector<1x1x16xf32> to vector<16xf32>
      %swap3A_381 = vector.shape_cast %get3A_374 : vector<16xf32> to vector<1x1x16xf32>
      tpu.vector_store %arg7[%swap3A_376, %swap3A_377, %swap3A_378], %swap3A_381 {strides = array<i32>} : memref<2x160x64xf32, #tpu.memory_space<vmem>>, vector<1x1x16xf32>,
      %get3A_382 = arith.constant 1 : i32
      %get3A_383 = arith.index_cast %get3A_382 : i32 to index
      %get3A_384 = arith.index_cast %add3A_368 : i32 to index
      %get3A_385 = arith.constant 16 : index
      %get3A_386 = tpu.vector_load %arg6[%get3A_383, %get3A_384, %get3A_385] {strides = array<i32>} : memref<2x160x128xf32, #tpu.memory_space<vmem>>, vector<1x1x16xf32>,
      %get3A_387 = vector.shape_cast %get3A_386 : vector<1x1x16xf32> to vector<16xf32>
      %swap3A_388 = arith.constant 1 : i32
      %swap3A_389 = arith.index_cast %swap3A_388 : i32 to index
      %swap3A_390 = arith.index_cast %add3A_368 : i32 to index
      %swap3A_391 = arith.constant 16 : index
      %swap3A_392 = tpu.vector_load %arg7[%swap3A_389, %swap3A_390, %swap3A_391] {strides = array<i32>} : memref<2x160x64xf32, #tpu.memory_space<vmem>>, vector<1x1x16xf32>,
      %swap3A_393 = vector.shape_cast %swap3A_392 : vector<1x1x16xf32> to vector<16xf32>
      %swap3A_394 = vector.shape_cast %get3A_387 : vector<16xf32> to vector<1x1x16xf32>
      tpu.vector_store %arg7[%swap3A_389, %swap3A_390, %swap3A_391], %swap3A_394 {strides = array<i32>} : memref<2x160x64xf32, #tpu.memory_space<vmem>>, vector<1x1x16xf32>,
      %get3A_395 = arith.constant 1 : i32
      %get3A_396 = arith.index_cast %get3A_395 : i32 to index
      %get3A_397 = arith.index_cast %add3A_368 : i32 to index
      %get3A_398 = arith.constant 32 : index
      %get3A_399 = tpu.vector_load %arg6[%get3A_396, %get3A_397, %get3A_398] {strides = array<i32>} : memref<2x160x128xf32, #tpu.memory_space<vmem>>, vector<1x1x16xf32>,
      %get3A_400 = vector.shape_cast %get3A_399 : vector<1x1x16xf32> to vector<16xf32>
      %swap3A_401 = arith.constant 1 : i32
      %swap3A_402 = arith.index_cast %swap3A_401 : i32 to index
      %swap3A_403 = arith.index_cast %add3A_368 : i32 to index
      %swap3A_404 = arith.constant 32 : index
      %swap3A_405 = tpu.vector_load %arg7[%swap3A_402, %swap3A_403, %swap3A_404] {strides = array<i32>} : memref<2x160x64xf32, #tpu.memory_space<vmem>>, vector<1x1x16xf32>,
      %swap3A_406 = vector.shape_cast %swap3A_405 : vector<1x1x16xf32> to vector<16xf32>
      %swap3A_407 = vector.shape_cast %get3A_400 : vector<16xf32> to vector<1x1x16xf32>
      tpu.vector_store %arg7[%swap3A_402, %swap3A_403, %swap3A_404], %swap3A_407 {strides = array<i32>} : memref<2x160x64xf32, #tpu.memory_space<vmem>>, vector<1x1x16xf32>,
      %get3A_408 = arith.constant 1 : i32
      %get3A_409 = arith.index_cast %get3A_408 : i32 to index
      %get3A_410 = arith.index_cast %add3A_368 : i32 to index
      %get3A_411 = arith.constant 48 : index
      %get3A_412 = tpu.vector_load %arg6[%get3A_409, %get3A_410, %get3A_411] {strides = array<i32>} : memref<2x160x128xf32, #tpu.memory_space<vmem>>, vector<1x1x16xf32>,
      %get3A_413 = vector.shape_cast %get3A_412 : vector<1x1x16xf32> to vector<16xf32>
      %swap3A_414 = arith.constant 1 : i32
      %swap3A_415 = arith.index_cast %swap3A_414 : i32 to index
      %swap3A_416 = arith.index_cast %add3A_368 : i32 to index
      %swap3A_417 = arith.constant 48 : index
      %swap3A_418 = tpu.vector_load %arg7[%swap3A_415, %swap3A_416, %swap3A_417] {strides = array<i32>} : memref<2x160x64xf32, #tpu.memory_space<vmem>>, vector<1x1x16xf32>,
      %swap3A_419 = vector.shape_cast %swap3A_418 : vector<1x1x16xf32> to vector<16xf32>
      %swap3A_420 = vector.shape_cast %get3A_413 : vector<16xf32> to vector<1x1x16xf32>
      tpu.vector_store %arg7[%swap3A_415, %swap3A_416, %swap3A_417], %swap3A_420 {strides = array<i32>} : memref<2x160x64xf32, #tpu.memory_space<vmem>>, vector<1x1x16xf32>,
      %mul3A_421 = arith.constant 8 : i32
      %mul3A_422 = arith.muli %scan3A_142, %mul3A_421 : i32
      %add3A_423 = arith.constant 5 : i32
      %add3A_424 = arith.addi %mul3A_422, %add3A_423 : i32
      %get3A_425 = arith.constant 1 : i32
      %get3A_426 = arith.index_cast %get3A_425 : i32 to index
      %get3A_427 = arith.index_cast %add3A_424 : i32 to index
      %get3A_428 = arith.constant 0 : index
      %get3A_429 = tpu.vector_load %arg6[%get3A_426, %get3A_427, %get3A_428] {strides = array<i32>} : memref<2x160x128xf32, #tpu.memory_space<vmem>>, vector<1x1x16xf32>,
      %get3A_430 = vector.shape_cast %get3A_429 : vector<1x1x16xf32> to vector<16xf32>
      %swap3A_431 = arith.constant 1 : i32
      %swap3A_432 = arith.index_cast %swap3A_431 : i32 to index
      %swap3A_433 = arith.index_cast %add3A_424 : i32 to index
      %swap3A_434 = arith.constant 0 : index
      %swap3A_435 = tpu.vector_load %arg7[%swap3A_432, %swap3A_433, %swap3A_434] {strides = array<i32>} : memref<2x160x64xf32, #tpu.memory_space<vmem>>, vector<1x1x16xf32>,
      %swap3A_436 = vector.shape_cast %swap3A_435 : vector<1x1x16xf32> to vector<16xf32>
      %swap3A_437 = vector.shape_cast %get3A_430 : vector<16xf32> to vector<1x1x16xf32>
      tpu.vector_store %arg7[%swap3A_432, %swap3A_433, %swap3A_434], %swap3A_437 {strides = array<i32>} : memref<2x160x64xf32, #tpu.memory_space<vmem>>, vector<1x1x16xf32>,
      %get3A_438 = arith.constant 1 : i32
      %get3A_439 = arith.index_cast %get3A_438 : i32 to index
      %get3A_440 = arith.index_cast %add3A_424 : i32 to index
      %get3A_441 = arith.constant 16 : index
      %get3A_442 = tpu.vector_load %arg6[%get3A_439, %get3A_440, %get3A_441] {strides = array<i32>} : memref<2x160x128xf32, #tpu.memory_space<vmem>>, vector<1x1x16xf32>,
      %get3A_443 = vector.shape_cast %get3A_442 : vector<1x1x16xf32> to vector<16xf32>
      %swap3A_444 = arith.constant 1 : i32
      %swap3A_445 = arith.index_cast %swap3A_444 : i32 to index
      %swap3A_446 = arith.index_cast %add3A_424 : i32 to index
      %swap3A_447 = arith.constant 16 : index
      %swap3A_448 = tpu.vector_load %arg7[%swap3A_445, %swap3A_446, %swap3A_447] {strides = array<i32>} : memref<2x160x64xf32, #tpu.memory_space<vmem>>, vector<1x1x16xf32>,
      %swap3A_449 = vector.shape_cast %swap3A_448 : vector<1x1x16xf32> to vector<16xf32>
      %swap3A_450 = vector.shape_cast %get3A_443 : vector<16xf32> to vector<1x1x16xf32>
      tpu.vector_store %arg7[%swap3A_445, %swap3A_446, %swap3A_447], %swap3A_450 {strides = array<i32>} : memref<2x160x64xf32, #tpu.memory_space<vmem>>, vector<1x1x16xf32>,
      %get3A_451 = arith.constant 1 : i32
      %get3A_452 = arith.index_cast %get3A_451 : i32 to index
      %get3A_453 = arith.index_cast %add3A_424 : i32 to index
      %get3A_454 = arith.constant 32 : index
      %get3A_455 = tpu.vector_load %arg6[%get3A_452, %get3A_453, %get3A_454] {strides = array<i32>} : memref<2x160x128xf32, #tpu.memory_space<vmem>>, vector<1x1x16xf32>,
      %get3A_456 = vector.shape_cast %get3A_455 : vector<1x1x16xf32> to vector<16xf32>
      %swap3A_457 = arith.constant 1 : i32
      %swap3A_458 = arith.index_cast %swap3A_457 : i32 to index
      %swap3A_459 = arith.index_cast %add3A_424 : i32 to index
      %swap3A_460 = arith.constant 32 : index
      %swap3A_461 = tpu.vector_load %arg7[%swap3A_458, %swap3A_459, %swap3A_460] {strides = array<i32>} : memref<2x160x64xf32, #tpu.memory_space<vmem>>, vector<1x1x16xf32>,
      %swap3A_462 = vector.shape_cast %swap3A_461 : vector<1x1x16xf32> to vector<16xf32>
      %swap3A_463 = vector.shape_cast %get3A_456 : vector<16xf32> to vector<1x1x16xf32>
      tpu.vector_store %arg7[%swap3A_458, %swap3A_459, %swap3A_460], %swap3A_463 {strides = array<i32>} : memref<2x160x64xf32, #tpu.memory_space<vmem>>, vector<1x1x16xf32>,
      %get3A_464 = arith.constant 1 : i32
      %get3A_465 = arith.index_cast %get3A_464 : i32 to index
      %get3A_466 = arith.index_cast %add3A_424 : i32 to index
      %get3A_467 = arith.constant 48 : index
      %get3A_468 = tpu.vector_load %arg6[%get3A_465, %get3A_466, %get3A_467] {strides = array<i32>} : memref<2x160x128xf32, #tpu.memory_space<vmem>>, vector<1x1x16xf32>,
      %get3A_469 = vector.shape_cast %get3A_468 : vector<1x1x16xf32> to vector<16xf32>
      %swap3A_470 = arith.constant 1 : i32
      %swap3A_471 = arith.index_cast %swap3A_470 : i32 to index
      %swap3A_472 = arith.index_cast %add3A_424 : i32 to index
      %swap3A_473 = arith.constant 48 : index
      %swap3A_474 = tpu.vector_load %arg7[%swap3A_471, %swap3A_472, %swap3A_473] {strides = array<i32>} : memref<2x160x64xf32, #tpu.memory_space<vmem>>, vector<1x1x16xf32>,
      %swap3A_475 = vector.shape_cast %swap3A_474 : vector<1x1x16xf32> to vector<16xf32>
      %swap3A_476 = vector.shape_cast %get3A_469 : vector<16xf32> to vector<1x1x16xf32>
      tpu.vector_store %arg7[%swap3A_471, %swap3A_472, %swap3A_473], %swap3A_476 {strides = array<i32>} : memref<2x160x64xf32, #tpu.memory_space<vmem>>, vector<1x1x16xf32>,
      %mul3A_477 = arith.constant 8 : i32
      %mul3A_478 = arith.muli %scan3A_142, %mul3A_477 : i32
      %add3A_479 = arith.constant 6 : i32
      %add3A_480 = arith.addi %mul3A_478, %add3A_479 : i32
      %get3A_481 = arith.constant 1 : i32
      %get3A_482 = arith.index_cast %get3A_481 : i32 to index
      %get3A_483 = arith.index_cast %add3A_480 : i32 to index
      %get3A_484 = arith.constant 0 : index
      %get3A_485 = tpu.vector_load %arg6[%get3A_482, %get3A_483, %get3A_484] {strides = array<i32>} : memref<2x160x128xf32, #tpu.memory_space<vmem>>, vector<1x1x16xf32>,
      %get3A_486 = vector.shape_cast %get3A_485 : vector<1x1x16xf32> to vector<16xf32>
      %swap3A_487 = arith.constant 1 : i32
      %swap3A_488 = arith.index_cast %swap3A_487 : i32 to index
      %swap3A_489 = arith.index_cast %add3A_480 : i32 to index
      %swap3A_490 = arith.constant 0 : index
      %swap3A_491 = tpu.vector_load %arg7[%swap3A_488, %swap3A_489, %swap3A_490] {strides = array<i32>} : memref<2x160x64xf32, #tpu.memory_space<vmem>>, vector<1x1x16xf32>,
      %swap3A_492 = vector.shape_cast %swap3A_491 : vector<1x1x16xf32> to vector<16xf32>
      %swap3A_493 = vector.shape_cast %get3A_486 : vector<16xf32> to vector<1x1x16xf32>
      tpu.vector_store %arg7[%swap3A_488, %swap3A_489, %swap3A_490], %swap3A_493 {strides = array<i32>} : memref<2x160x64xf32, #tpu.memory_space<vmem>>, vector<1x1x16xf32>,
      %get3A_494 = arith.constant 1 : i32
      %get3A_495 = arith.index_cast %get3A_494 : i32 to index
      %get3A_496 = arith.index_cast %add3A_480 : i32 to index
      %get3A_497 = arith.constant 16 : index
      %get3A_498 = tpu.vector_load %arg6[%get3A_495, %get3A_496, %get3A_497] {strides = array<i32>} : memref<2x160x128xf32, #tpu.memory_space<vmem>>, vector<1x1x16xf32>,
      %get3A_499 = vector.shape_cast %get3A_498 : vector<1x1x16xf32> to vector<16xf32>
      %swap3A_500 = arith.constant 1 : i32
      %swap3A_501 = arith.index_cast %swap3A_500 : i32 to index
      %swap3A_502 = arith.index_cast %add3A_480 : i32 to index
      %swap3A_503 = arith.constant 16 : index
      %swap3A_504 = tpu.vector_load %arg7[%swap3A_501, %swap3A_502, %swap3A_503] {strides = array<i32>} : memref<2x160x64xf32, #tpu.memory_space<vmem>>, vector<1x1x16xf32>,
      %swap3A_505 = vector.shape_cast %swap3A_504 : vector<1x1x16xf32> to vector<16xf32>
      %swap3A_506 = vector.shape_cast %get3A_499 : vector<16xf32> to vector<1x1x16xf32>
      tpu.vector_store %arg7[%swap3A_501, %swap3A_502, %swap3A_503], %swap3A_506 {strides = array<i32>} : memref<2x160x64xf32, #tpu.memory_space<vmem>>, vector<1x1x16xf32>,
      %get3A_507 = arith.constant 1 : i32
      %get3A_508 = arith.index_cast %get3A_507 : i32 to index
      %get3A_509 = arith.index_cast %add3A_480 : i32 to index
      %get3A_510 = arith.constant 32 : index
      %get3A_511 = tpu.vector_load %arg6[%get3A_508, %get3A_509, %get3A_510] {strides = array<i32>} : memref<2x160x128xf32, #tpu.memory_space<vmem>>, vector<1x1x16xf32>,
      %get3A_512 = vector.shape_cast %get3A_511 : vector<1x1x16xf32> to vector<16xf32>
      %swap3A_513 = arith.constant 1 : i32
      %swap3A_514 = arith.index_cast %swap3A_513 : i32 to index
      %swap3A_515 = arith.index_cast %add3A_480 : i32 to index
      %swap3A_516 = arith.constant 32 : index
      %swap3A_517 = tpu.vector_load %arg7[%swap3A_514, %swap3A_515, %swap3A_516] {strides = array<i32>} : memref<2x160x64xf32, #tpu.memory_space<vmem>>, vector<1x1x16xf32>,
      %swap3A_518 = vector.shape_cast %swap3A_517 : vector<1x1x16xf32> to vector<16xf32>
      %swap3A_519 = vector.shape_cast %get3A_512 : vector<16xf32> to vector<1x1x16xf32>
      tpu.vector_store %arg7[%swap3A_514, %swap3A_515, %swap3A_516], %swap3A_519 {strides = array<i32>} : memref<2x160x64xf32, #tpu.memory_space<vmem>>, vector<1x1x16xf32>,
      %get3A_520 = arith.constant 1 : i32
      %get3A_521 = arith.index_cast %get3A_520 : i32 to index
      %get3A_522 = arith.index_cast %add3A_480 : i32 to index
      %get3A_523 = arith.constant 48 : index
      %get3A_524 = tpu.vector_load %arg6[%get3A_521, %get3A_522, %get3A_523] {strides = array<i32>} : memref<2x160x128xf32, #tpu.memory_space<vmem>>, vector<1x1x16xf32>,
      %get3A_525 = vector.shape_cast %get3A_524 : vector<1x1x16xf32> to vector<16xf32>
      %swap3A_526 = arith.constant 1 : i32
      %swap3A_527 = arith.index_cast %swap3A_526 : i32 to index
      %swap3A_528 = arith.index_cast %add3A_480 : i32 to index
      %swap3A_529 = arith.constant 48 : index
      %swap3A_530 = tpu.vector_load %arg7[%swap3A_527, %swap3A_528, %swap3A_529] {strides = array<i32>} : memref<2x160x64xf32, #tpu.memory_space<vmem>>, vector<1x1x16xf32>,
      %swap3A_531 = vector.shape_cast %swap3A_530 : vector<1x1x16xf32> to vector<16xf32>
      %swap3A_532 = vector.shape_cast %get3A_525 : vector<16xf32> to vector<1x1x16xf32>
      tpu.vector_store %arg7[%swap3A_527, %swap3A_528, %swap3A_529], %swap3A_532 {strides = array<i32>} : memref<2x160x64xf32, #tpu.memory_space<vmem>>, vector<1x1x16xf32>,
      %mul3A_533 = arith.constant 8 : i32
      %mul3A_534 = arith.muli %scan3A_142, %mul3A_533 : i32
      %add3A_535 = arith.constant 7 : i32
      %add3A_536 = arith.addi %mul3A_534, %add3A_535 : i32
      %get3A_537 = arith.constant 1 : i32
      %get3A_538 = arith.index_cast %get3A_537 : i32 to index
      %get3A_539 = arith.index_cast %add3A_536 : i32 to index
      %get3A_540 = arith.constant 0 : index
      %get3A_541 = tpu.vector_load %arg6[%get3A_538, %get3A_539, %get3A_540] {strides = array<i32>} : memref<2x160x128xf32, #tpu.memory_space<vmem>>, vector<1x1x16xf32>,
      %get3A_542 = vector.shape_cast %get3A_541 : vector<1x1x16xf32> to vector<16xf32>
      %swap3A_543 = arith.constant 1 : i32
      %swap3A_544 = arith.index_cast %swap3A_543 : i32 to index
      %swap3A_545 = arith.index_cast %add3A_536 : i32 to index
      %swap3A_546 = arith.constant 0 : index
      %swap3A_547 = tpu.vector_load %arg7[%swap3A_544, %swap3A_545, %swap3A_546] {strides = array<i32>} : memref<2x160x64xf32, #tpu.memory_space<vmem>>, vector<1x1x16xf32>,
      %swap3A_548 = vector.shape_cast %swap3A_547 : vector<1x1x16xf32> to vector<16xf32>
      %swap3A_549 = vector.shape_cast %get3A_542 : vector<16xf32> to vector<1x1x16xf32>
      tpu.vector_store %arg7[%swap3A_544, %swap3A_545, %swap3A_546], %swap3A_549 {strides = array<i32>} : memref<2x160x64xf32, #tpu.memory_space<vmem>>, vector<1x1x16xf32>,
      %get3A_550 = arith.constant 1 : i32
      %get3A_551 = arith.index_cast %get3A_550 : i32 to index
      %get3A_552 = arith.index_cast %add3A_536 : i32 to index
      %get3A_553 = arith.constant 16 : index
      %get3A_554 = tpu.vector_load %arg6[%get3A_551, %get3A_552, %get3A_553] {strides = array<i32>} : memref<2x160x128xf32, #tpu.memory_space<vmem>>, vector<1x1x16xf32>,
      %get3A_555 = vector.shape_cast %get3A_554 : vector<1x1x16xf32> to vector<16xf32>
      %swap3A_556 = arith.constant 1 : i32
      %swap3A_557 = arith.index_cast %swap3A_556 : i32 to index
      %swap3A_558 = arith.index_cast %add3A_536 : i32 to index
      %swap3A_559 = arith.constant 16 : index
      %swap3A_560 = tpu.vector_load %arg7[%swap3A_557, %swap3A_558, %swap3A_559] {strides = array<i32>} : memref<2x160x64xf32, #tpu.memory_space<vmem>>, vector<1x1x16xf32>,
      %swap3A_561 = vector.shape_cast %swap3A_560 : vector<1x1x16xf32> to vector<16xf32>
      %swap3A_562 = vector.shape_cast %get3A_555 : vector<16xf32> to vector<1x1x16xf32>
      tpu.vector_store %arg7[%swap3A_557, %swap3A_558, %swap3A_559], %swap3A_562 {strides = array<i32>} : memref<2x160x64xf32, #tpu.memory_space<vmem>>, vector<1x1x16xf32>,
      %get3A_563 = arith.constant 1 : i32
      %get3A_564 = arith.index_cast %get3A_563 : i32 to index
      %get3A_565 = arith.index_cast %add3A_536 : i32 to index
      %get3A_566 = arith.constant 32 : index
      %get3A_567 = tpu.vector_load %arg6[%get3A_564, %get3A_565, %get3A_566] {strides = array<i32>} : memref<2x160x128xf32, #tpu.memory_space<vmem>>, vector<1x1x16xf32>,
      %get3A_568 = vector.shape_cast %get3A_567 : vector<1x1x16xf32> to vector<16xf32>
      %swap3A_569 = arith.constant 1 : i32
      %swap3A_570 = arith.index_cast %swap3A_569 : i32 to index
      %swap3A_571 = arith.index_cast %add3A_536 : i32 to index
      %swap3A_572 = arith.constant 32 : index
      %swap3A_573 = tpu.vector_load %arg7[%swap3A_570, %swap3A_571, %swap3A_572] {strides = array<i32>} : memref<2x160x64xf32, #tpu.memory_space<vmem>>, vector<1x1x16xf32>,
      %swap3A_574 = vector.shape_cast %swap3A_573 : vector<1x1x16xf32> to vector<16xf32>
      %swap3A_575 = vector.shape_cast %get3A_568 : vector<16xf32> to vector<1x1x16xf32>
      tpu.vector_store %arg7[%swap3A_570, %swap3A_571, %swap3A_572], %swap3A_575 {strides = array<i32>} : memref<2x160x64xf32, #tpu.memory_space<vmem>>, vector<1x1x16xf32>,
      %get3A_576 = arith.constant 1 : i32
      %get3A_577 = arith.index_cast %get3A_576 : i32 to index
      %get3A_578 = arith.index_cast %add3A_536 : i32 to index
      %get3A_579 = arith.constant 48 : index
      %get3A_580 = tpu.vector_load %arg6[%get3A_577, %get3A_578, %get3A_579] {strides = array<i32>} : memref<2x160x128xf32, #tpu.memory_space<vmem>>, vector<1x1x16xf32>,
      %get3A_581 = vector.shape_cast %get3A_580 : vector<1x1x16xf32> to vector<16xf32>
      %swap3A_582 = arith.constant 1 : i32
      %swap3A_583 = arith.index_cast %swap3A_582 : i32 to index
      %swap3A_584 = arith.index_cast %add3A_536 : i32 to index
      %swap3A_585 = arith.constant 48 : index
      %swap3A_586 = tpu.vector_load %arg7[%swap3A_583, %swap3A_584, %swap3A_585] {strides = array<i32>} : memref<2x160x64xf32, #tpu.memory_space<vmem>>, vector<1x1x16xf32>,
      %swap3A_587 = vector.shape_cast %swap3A_586 : vector<1x1x16xf32> to vector<16xf32>
      %swap3A_588 = vector.shape_cast %get3A_581 : vector<16xf32> to vector<1x1x16xf32>
      tpu.vector_store %arg7[%swap3A_583, %swap3A_584, %swap3A_585], %swap3A_588 {strides = array<i32>} : memref<2x160x64xf32, #tpu.memory_space<vmem>>, vector<1x1x16xf32>,
    }
    %scan3A_87 = arith.constant 20 : i32
    %add3A_88 = arith.constant 25440 : i32
    %add3A_89 = arith.addi %mul3A_2, %add3A_88 : i32
    %dma_start3A_90 = arith.constant 1 : i32
    %dma_start3A_91 = arith.constant 1 : i32
    %dma_start3A_92 = arith.constant 0 : i32
    %dma_start3A_93 = arith.constant 0 : i32
    %dma_start3A_94 = tpu.memref_slice %arg7[%dma_start3A_90, %dma_start3A_92, %dma_start3A_93] : memref<2x160x64xf32, #tpu.memory_space<vmem>> -> memref<1x160x64xf32, #tpu.memory_space<vmem>>
    %dma_start3A_95 = tpu.memref_squeeze %dma_start3A_94 : memref<1x160x64xf32, #tpu.memory_space<vmem>> -> memref<160x64xf32, #tpu.memory_space<vmem>>
    %dma_start3A_96 = arith.constant 0 : i32
    %dma_start3A_97 = tpu.memref_slice %arg4[%add3A_89, %dma_start3A_96] : memref<819200x64xf32, #tpu.memory_space<hbm>> -> memref<160x64xf32, #tpu.memory_space<hbm>>
    %dma_start3A_98 = tpu.memref_slice %arg9[%dma_start3A_91] : memref<2x!tpu.dma_semaphore, #tpu.memory_space<semaphore_mem>> -> memref<1x!tpu.dma_semaphore, #tpu.memory_space<semaphore_mem>>
    %dma_start3A_99 = tpu.memref_squeeze %dma_start3A_98 : memref<1x!tpu.dma_semaphore, #tpu.memory_space<semaphore_mem>> -> memref<!tpu.dma_semaphore, #tpu.memory_space<semaphore_mem>>
    %dma_start3A_100 = arith.constant 0 : i32
    %dma_start3A_101 = tpu.memref_slice %arg4[%add3A_89, %dma_start3A_100] : memref<819200x64xf32, #tpu.memory_space<hbm>> -> memref<160x64xf32, #tpu.memory_space<hbm>>
    %dma_start3A_102 = arith.constant 0 : i32
    %dma_start3A_103 = arith.constant 0 : i32
    %dma_start3A_104 = tpu.memref_slice %arg7[%dma_start3A_90, %dma_start3A_102, %dma_start3A_103] : memref<2x160x64xf32, #tpu.memory_space<vmem>> -> memref<1x160x64xf32, #tpu.memory_space<vmem>>
    %dma_start3A_105 = tpu.memref_squeeze %dma_start3A_104 : memref<1x160x64xf32, #tpu.memory_space<vmem>> -> memref<160x64xf32, #tpu.memory_space<vmem>>
    tpu.enqueue_dma source(%dma_start3A_105 : memref<160x64xf32, #tpu.memory_space<vmem>>) target(%dma_start3A_101 : memref<160x64xf32, #tpu.memory_space<hbm>>) target_semaphore(%dma_start3A_99 : memref<!tpu.dma_semaphore, #tpu.memory_space<semaphore_mem>>)
    %add3A_106 = arith.constant 25280 : i32
    %add3A_107 = arith.addi %mul3A_2, %add3A_106 : i32
    %dma_wait3A_108 = arith.constant 0 : i32
    %dma_wait3A_109 = arith.constant 0 : i32
    %dma_wait3A_110 = arith.constant 0 : i32
    %dma_wait3A_111 = arith.constant 0 : i32
    %dma_wait3A_112 = tpu.memref_slice %arg7[%dma_wait3A_108, %dma_wait3A_110, %dma_wait3A_111] : memref<2x160x64xf32, #tpu.memory_space<vmem>> -> memref<1x160x64xf32, #tpu.memory_space<vmem>>
    %dma_wait3A_113 = tpu.memref_squeeze %dma_wait3A_112 : memref<1x160x64xf32, #tpu.memory_space<vmem>> -> memref<160x64xf32, #tpu.memory_space<vmem>>
    %dma_wait3A_114 = arith.constant 0 : i32
    %dma_wait3A_115 = tpu.memref_slice %arg4[%add3A_107, %dma_wait3A_114] : memref<819200x64xf32, #tpu.memory_space<hbm>> -> memref<160x64xf32, #tpu.memory_space<hbm>>
    %dma_wait3A_116 = tpu.memref_slice %arg9[%dma_wait3A_109] : memref<2x!tpu.dma_semaphore, #tpu.memory_space<semaphore_mem>> -> memref<1x!tpu.dma_semaphore, #tpu.memory_space<semaphore_mem>>
    %dma_wait3A_117 = tpu.memref_squeeze %dma_wait3A_116 : memref<1x!tpu.dma_semaphore, #tpu.memory_space<semaphore_mem>> -> memref<!tpu.dma_semaphore, #tpu.memory_space<semaphore_mem>>
    %dma_wait3A_118 = arith.constant 0 : i32
    %dma_wait3A_119 = tpu.memref_slice %arg4[%add3A_107, %dma_wait3A_118] : memref<819200x64xf32, #tpu.memory_space<hbm>> -> memref<160x64xf32, #tpu.memory_space<hbm>>
    %dma_wait3A_120 = arith.constant 0 : i32
    %dma_wait3A_121 = arith.constant 0 : i32
    %dma_wait3A_122 = tpu.memref_slice %arg7[%dma_wait3A_108, %dma_wait3A_120, %dma_wait3A_121] : memref<2x160x64xf32, #tpu.memory_space<vmem>> -> memref<1x160x64xf32, #tpu.memory_space<vmem>>
    %dma_wait3A_123 = tpu.memref_squeeze %dma_wait3A_122 : memref<1x160x64xf32, #tpu.memory_space<vmem>> -> memref<160x64xf32, #tpu.memory_space<vmem>>
    tpu.wait_dma2 semaphore(%dma_wait3A_117 : memref<!tpu.dma_semaphore, #tpu.memory_space<semaphore_mem>>) src(%dma_wait3A_123 : memref<160x64xf32, #tpu.memory_space<vmem>>) dst(%dma_wait3A_119 : memref<160x64xf32, #tpu.memory_space<hbm>>)
    %add3A_124 = arith.constant 25440 : i32
    %add3A_125 = arith.addi %mul3A_2, %add3A_124 : i32
    %dma_wait3A_126 = arith.constant 1 : i32
    %dma_wait3A_127 = arith.constant 1 : i32
    %dma_wait3A_128 = arith.constant 0 : i32
    %dma_wait3A_129 = arith.constant 0 : i32
    %dma_wait3A_130 = tpu.memref_slice %arg7[%dma_wait3A_126, %dma_wait3A_128, %dma_wait3A_129] : memref<2x160x64xf32, #tpu.memory_space<vmem>> -> memref<1x160x64xf32, #tpu.memory_space<vmem>>
    %dma_wait3A_131 = tpu.memref_squeeze %dma_wait3A_130 : memref<1x160x64xf32, #tpu.memory_space<vmem>> -> memref<160x64xf32, #tpu.memory_space<vmem>>
    %dma_wait3A_132 = arith.constant 0 : i32
    %dma_wait3A_133 = tpu.memref_slice %arg4[%add3A_125, %dma_wait3A_132] : memref<819200x64xf32, #tpu.memory_space<hbm>> -> memref<160x64xf32, #tpu.memory_space<hbm>>
    %dma_wait3A_134 = tpu.memref_slice %arg9[%dma_wait3A_127] : memref<2x!tpu.dma_semaphore, #tpu.memory_space<semaphore_mem>> -> memref<1x!tpu.dma_semaphore, #tpu.memory_space<semaphore_mem>>
    %dma_wait3A_135 = tpu.memref_squeeze %dma_wait3A_134 : memref<1x!tpu.dma_semaphore, #tpu.memory_space<semaphore_mem>> -> memref<!tpu.dma_semaphore, #tpu.memory_space<semaphore_mem>>
    %dma_wait3A_136 = arith.constant 0 : i32
    %dma_wait3A_137 = tpu.memref_slice %arg4[%add3A_125, %dma_wait3A_136] : memref<819200x64xf32, #tpu.memory_space<hbm>> -> memref<160x64xf32, #tpu.memory_space<hbm>>
    %dma_wait3A_138 = arith.constant 0 : i32
    %dma_wait3A_139 = arith.constant 0 : i32
    %dma_wait3A_140 = tpu.memref_slice %arg7[%dma_wait3A_126, %dma_wait3A_138, %dma_wait3A_139] : memref<2x160x64xf32, #tpu.memory_space<vmem>> -> memref<1x160x64xf32, #tpu.memory_space<vmem>>
    %dma_wait3A_141 = tpu.memref_squeeze %dma_wait3A_140 : memref<1x160x64xf32, #tpu.memory_space<vmem>> -> memref<160x64xf32, #tpu.memory_space<vmem>>
    tpu.wait_dma2 semaphore(%dma_wait3A_135 : memref<!tpu.dma_semaphore, #tpu.memory_space<semaphore_mem>>) src(%dma_wait3A_141 : memref<160x64xf32, #tpu.memory_space<vmem>>) dst(%dma_wait3A_137 : memref<160x64xf32, #tpu.memory_space<hbm>>)
    return
  }
}

</mosaic_0001>

<sc_bundles>
// kernel: kernel.3.cloned.1.call-start
scs
__scs_entry_jumppad:
0x0: {  	(pc) =	sbr.rel $0x88, $3  }
0x1: {  	(tag) =	ssettag $0x0;
	lr =	simm.s32 $0x1  }
0x2: {  	[smem:$0x3F9F] =	sst lr;
	_ =	strace $0xD0000000  }
0x3: {  	_ = 	snop  }
0x4: {  	_ = 	snop  }
0x5: {  	_ = 	snop  }
0x6: {  	_ = 	snop  }
0x7: {  	_ = 	snop  }
__scs_overlays_trampoline_lowered:
0x8: {  	[smem:$0x3FAE] =	sst s0  }
0x9: {  	[smem:$0x3FAF] =	sst s1  }
0xa: {  	[smem:$0x3FB0] =	sst s2  }
0xb: {  	[smem:$0x3FB1] =	sst s3  }
0xc: {  	[smem:$0x3FB2] =	sst s4  }
0xd: {  	[smem:$0x3FB3] =	sst s5  }
0xe: {  	[smem:$0x3FB4] =	sst s6  }
0xf: {  	[smem:$0x3FB5] =	sst s7  }
0x10: {  	[smem:$0x3FB6] =	sst s8  }
0x11: {  	[smem:$0x3FB7] =	sst s9;
	s0 =	simm.s32 @!p0 $0x0  }
0x12: {  	s1 =	sld [smem:$0x3F9D];
	s0 =	simm.s32 @p0 $0x1  }
0x13: {  	[smem:$0x3FB8] =	sst s0;
	s0 =	simm.s32 @!p1 $0x0  }
0x14: {  	s2 =	sld [smem:$0x3F9C];
	s0 =	simm.s32 @p1 $0x1  }
0x15: {  	[smem:$0x3FB9] =	sst s0;
	s0 =	simm.s32 @!p2 $0x0  }
0x16: {  	s3 =	sld [smem:$0x3FDB];
	s0 =	simm.s32 @p2 $0x1  }
0x17: {  	s4 =	simm.s32 $0x1BF5;
	[smem:$0x3FBB] =	sst s0  }
0x18: {  	s0 =	sld [smem:$0x3F9E];
	_ =	swait.ge [sflag:s4], $0x0  }
0x19: {  	s7 =	sld [smem:$0x3F9F]  }
0x1a: {  	s8 =	sadd.s32 $0xFFFFE003, lr  }
0x1b: {  	s9 =	sadd.s32 $0xFFFFFEF7, lr;
	s5 =	simm.s32 $0xFFFFFFFF;
	p2 =	slt.u32 s8, $0xFFFFF086  }
0x1c: {  	p1 =	slt.u32 s9, $0xF7A;
	s5 =	simm.s32 @!p2 $0x0  }
0x1d: {  	s5 =	simm.s32 @p1 $0x1;
	p0 =	seq.s32 s7, s2  }
0x1e: {  	s7 =	smul.u32 @!p0 $0xF7A, s2;
	p2 =	seq.s32 @!p0 s5, $0x0  }
0x1f: {  	s9 =	smul.u32 $0xF7A, s1;
	s8 =	simm.s32 @!p0 $0x1BF5;
	p2 =	por !p2, p0  }
0x20: {  	[sflag:s8] =	ssyncset.s32 @!p0 $0xFFFFF086;
	s6 =	sadd.s32 @!p0 s3, s7;
	s7 =	simm.s32 @!p0 $0x108  }
0x21: {  	s3 =	sadd.s32 s3, s9;
	s6 =	sadd.s32 @!p0 $0x88, s6;
	s7 =	simm.s32 @p2 $0x1082  }
0x22: {  	[simem:s7], [sflag:s8] =	dma.local @!p0 [hbm:s6], $0xF7A  }
0x23: {  	s9 =	sor.u32 $0xD0000000, s2;
	s6 =	simm.s32 $0x108;
	_ =	swait.ge @!p0 [sflag:s8], $0x0  }
0x24: {  	s3 =	sadd.s32 $0x88, s3;
	s6 =	simm.s32 @!p1 $0x1082;
	[sflag:s4] =	ssyncset.s32 $0xFFFFF086  }
0x25: {  	[simem:s6], [sflag:s4] =	dma.local [hbm:s3], $0xF7A  }
0x26: {  	[smem:$0x3F9F] =	sst s1;
	(tag) =	ssettag s2;
	_ =	strace s9  }
0x27: {  	s1 =	sld [smem:$0x3FAF]  }
0x28: {  	s2 =	sld [smem:$0x3FB0]  }
0x29: {  	s4 =	sld [smem:$0x3FB2]  }
0x2a: {  	p0 =	seq.s32 s5, $0x0;
	s5 =	sld [smem:$0x3FB3]  }
0x2b: {  	s6 =	sld [smem:$0x3FB4]  }
0x2c: {  	s7 =	sld [smem:$0x3FB5]  }
0x2d: {  	s3 =	simm.s32 $0x108;
	s8 =	sld [smem:$0x3FB6]  }
0x2e: {  	s3 =	simm.s32 @!p0 $0x1082;
	s9 =	sld [smem:$0x3FB7]  }
0x2f: {  	lr =	sadd.s32 s0, s3;
	s0 =	sld [smem:$0x3FAE]  }
0x30: {  	s3 =	sld [smem:$0x3FB1]  }
0x31: {  	[smem:$0x3FBA] =	sst s10  }
0x32: {  	s10 =	sld [smem:$0x3FB8];
	_ =	sdelay $0x3  }
0x33: {  	p0 =	seq.s32 s10, $0x1;
	s10 =	sld [smem:$0x3FBA];
	_ =	sdelay $0x3  }
0x34: {  	[smem:$0x3FBA] =	sst s10  }
0x35: {  	s10 =	sld [smem:$0x3FB9];
	_ =	sdelay $0x3  }
0x36: {  	p1 =	seq.s32 s10, $0x1;
	s10 =	sld [smem:$0x3FBA];
	_ =	sdelay $0x3  }
0x37: {  	[smem:$0x3FBA] =	sst s10  }
0x38: {  	s10 =	sld [smem:$0x3FBB]  }
0x39: {  	_ = 	snop;
	(pc) =	sbr.ind lr, $3  }
0x3a: {  	_ = 	snop  }
0x3b: {  	_ = 	snop  }
0x3c: {  	p2 =	seq.s32 s10, $0x1;
	s10 =	sld [smem:$0x3FBA]  }
0x3d: {  	_ =	shalt  }
0x3e: {  	_ =	shalt  }
0x3f: {  	_ =	shalt  }
0x40: {  	_ =	shalt  }
0x41: {  	_ =	shalt  }
0x42: {  	_ =	shalt  }
0x43: {  	_ =	shalt  }
0x44: {  	_ =	shalt  }
0x45: {  	_ =	shalt  }
0x46: {  	_ =	shalt  }
0x47: {  	_ =	shalt  }
0x48: {  	_ =	shalt  }
0x49: {  	_ =	shalt  }
0x4a: {  	_ =	shalt  }
0x4b: {  	_ =	shalt  }
0x4c: {  	_ =	shalt  }
0x4d: {  	_ =	shalt  }
0x4e: {  	_ =	shalt  }
0x4f: {  	_ =	shalt  }
0x50: {  	_ =	shalt  }
0x51: {  	_ =	shalt  }
0x52: {  	_ =	shalt  }
0x53: {  	_ =	shalt  }
0x54: {  	_ =	shalt  }
0x55: {  	_ =	shalt  }
0x56: {  	_ =	shalt  }
0x57: {  	_ =	shalt  }
0x58: {  	_ =	shalt  }
0x59: {  	_ =	shalt  }
0x5a: {  	_ =	shalt  }
0x5b: {  	_ =	shalt  }
0x5c: {  	_ =	shalt  }
0x5d: {  	_ =	shalt  }
0x5e: {  	_ =	shalt  }
0x5f: {  	_ =	shalt  }
0x60: {  	_ =	shalt  }
0x61: {  	_ =	shalt  }
0x62: {  	_ =	shalt  }
0x63: {  	_ =	shalt  }
0x64: {  	_ =	shalt  }
0x65: {  	_ =	shalt  }
0x66: {  	_ =	shalt  }
0x67: {  	_ =	shalt  }
0x68: {  	_ =	shalt  }
0x69: {  	_ =	shalt  }
0x6a: {  	_ =	shalt  }
0x6b: {  	_ =	shalt  }
0x6c: {  	_ =	shalt  }
0x6d: {  	_ =	shalt  }
0x6e: {  	_ =	shalt  }
0x6f: {  	_ =	shalt  }
0x70: {  	_ =	shalt  }
0x71: {  	_ =	shalt  }
0x72: {  	_ =	shalt  }
0x73: {  	_ =	shalt  }
0x74: {  	_ =	shalt  }
0x75: {  	_ =	shalt  }
0x76: {  	_ =	shalt  }
0x77: {  	_ =	shalt  }
0x78: {  	_ =	shalt  }
0x79: {  	_ =	shalt  }
0x7a: {  	_ =	shalt  }
0x7b: {  	_ =	shalt  }
0x7c: {  	_ =	shalt  }
0x7d: {  	_ =	shalt  }
0x7e: {  	_ =	shalt  }
0x7f: {  	_ =	shalt  }
0x80: {  	_ =	shalt  }
0x81: {  	_ =	shalt  }
0x82: {  	_ =	shalt  }
0x83: {  	_ =	shalt  }
0x84: {  	_ =	shalt  }
0x85: {  	_ =	shalt  }
0x86: {  	_ =	shalt  }
0x87: {  	_ =	shalt  }
.Lfunc_end0:
.L_simem_size_0:
called_computation.1_lowered:
.L_overlay_start_0:
0x88: {  	s2 =	sld [smem:$0x3FD9]  }
0x89: {  	s3 =	sld [smem:$0x3FFE];
	_ =	sdelay $0x1  }
0x8a: {  	s1 =	srdreg.scid  }
0x8b: {  	s0 =	sand.u32 $0x1, s1  }
0x8c: {  	s17 =	sshll.u32 s0, $0xA;
	s2 =	sadd.s32 s3, s2  }
0x8d: {  	s2 =	sadd.s32 s2, s17  }
0x8e: {  	[smem:$0x3FC6] =	sst s2  }
0x8f: {  	_ = 	snop  }
0x90: {  	s2 =	sld [smem:$0x3FD0];
	(tm) =	ssettm $0x1  }
0x91: {  	s18 =	sld [smem:$0x3FFB];
	_ =	sdelay $0x3  }
0x92: {  	_ =	strace s18  }
0x93: {  	s3 =	sld [smem:$0x3FFC];
	_ =	sdelay $0x3  }
0x94: {  	_ =	strace s3  }
0x95: {  	s3 =	sld [smem:$0x3FFD];
	_ =	sdelay $0x3  }
0x96: {  	_ =	strace s3  }
0x97: {  	_ =	strace $0x8FFFFFFF  }
0x98: {  	s19 =	sld [smem:$0x3FDB];
	_ =	sdelay $0x1  }
0x99: {  	s4 =	simm.s32 $_scs_section_size  }
0x9a: {  	s5 =	simm.s32 $_size__tile_overlayer_lowered;
	s6 =	simm.s32 $_tile_overlayer_lowered  }
0x9b: {  	s22 =	simm.s32 $0x1BFF;
	s21 =	sshll.u32 s6, $0x1;
	s3 =	sadd.s32 s4, s19  }
0x9c: {  	s7 =	simm.s32 $0x0;
	s20 =	sshll.u32 s5, $0x1;
	s5 =	sadd.s32 s21, s3  }
0x9d: {  	[timem:s7], [sflag:s22] =	dma.local [hbm:s5], s20  }
0x9e: {  	_ =	swait.ge [sflag:s22], s20  }
0x9f: {  	s4 =	ssub.s32 $0x0, s20;
	[sflag:s22] =	ssyncset.done $0x0  }
0xa0: {  	[sflag:s22] =	ssyncadd.s32 s4;
	_ =	sdelay $0x1  }
0xa1: {  	s23 =	simm.s32 $0x1B8B  }
0xa2: {  	_ =	swait.ge [sflag:s23], $0x1  }
0xa3: {  	[sflag:s23] =	ssyncset.done $0x0  }
0xa4: {  	s25 =	simm.s32 $0x1B8E;
	s24 =	sld [smem:$0x3FFE];
	[sflag:s23] =	ssyncadd.s32 $0xFFFFFFFF  }
0xa5: {  	s26 =	simm.s32 $execute0_lowered;
	[smem:$0x3FD2] =	sst s25  }
0xa6: {  	s5 =	sshll.u32 s26, $0x1;
	_ =	strace $0x80000046;
	[dreg:$0x1] =	wrdreg $0xFFFFFFFF  }
0xa7: {  	s28 =	simm.s32 $_size_execute0_lowered;
	s3 =	sadd.s32 s3, s5;
	[dreg:$0x0] =	wrdreg $0x0  }
0xa8: {  	s5 =	sshll.u32 s28, $0x1;
	[dreg:$0x2] =	wrdreg s3  }
0xa9: {  	[dreg:$0x3] =	wrdreg s5  }
0xaa: {  	[dreg:$0x4] =	wrdreg $0xC0  }
0xab: {  	_ =	task [dreg:s7], $0x5FFFF  }
0xac: {  	[dreg:$0x1] =	wrdreg $0xFFFFFFFF  }
0xad: {  	[dreg:$0x0] =	wrdreg $0x60  }
0xae: {  	[dreg:$0x2] =	wrdreg s2  }
0xaf: {  	[dreg:$0x3] =	wrdreg s24  }
0xb0: {  	[dreg:$0x4] =	wrdreg $0x9  }
0xb1: {  	_ =	task.clear_ibuf [dreg:s7], $0x5FFFF;
	_ =	strace $0x90000046  }
0xb2: {  	s29 =	simm.s32 $0x9;
	_ =	strace $0x80000048  }
0xb3: {  	_ =	swait.ge [sflag:s29], $0x1  }
0xb4: {  	[sflag:s29] =	ssyncadd.s32 $0xFFFFFFFF  }
0xb5: {  	_ =	strace $0x90000048  }
0xb6: {  	_ =	sfence  }
0xb7: {  	s30 =	sld [smem:$0x0];
	_ =	sdelay $0x2  }
0xb8: {  	s31 =	sshll.u32 s1, $0xD;
	s1 =	sshrl.u32 s1, $0x2  }
0xb9: {  	s3 =	sand.u32 $0x4000, s31;
	s1 =	sadd.s32 s1, s30  }
0xba: {  	s0 =	sor.u32 s3, s0;
	s1 =	sshll.u32 s1, $0x11  }
0xbb: {  	s0 =	sor.u32 s1, s0  }
0xbc: {  	s0 =	sadd.s32 $0x8F2B, s0  }
0xbd: {  	[sflag:s0] =	ssyncadd.remote.s32 $0x1  }
0xbe: {  	_ =	sfence.sel $0xFFFF  }
0xbf: {  	[dreg:$0x0] =	wrdreg $0xFFFFFFFF;
	(pc) =	sbr.abs _section_cstart, $3  }
0xc0: {  	[dreg:$0x1] =	wrdreg $0xFFFFFFFF  }
0xc1: {  	_ =	task.clear_ibuf [dreg:s7], $0x2FFFF;
	_ =	strace $0x9FFFFFFF  }
0xc2: {  	(tm) =	ssettm $0x7FFFFFFF  }
0xc3: {  	_ =	shalt  }
tec
execute0_lowered:
.L_overlay_start_1:
0x0: {  	(tag) =	ssettag $0x1  }
0x1: {  	s6 =	rddreg [dreg:$0x0];
	s1 =	srdreg.scid  }
0x2: {  	s0 =	stileid.u32;
	s5 =	rddreg [dreg:$0x1]  }
0x3: {  	s2 =	simm.s32 $0x0;
	s12 =	simm.s32 $0xA0;
	s13 =	simm.s32 $0x6400  }
0x4: {  	s14 =	simm.s32 $0xB400;
	s15 =	simm.s32 $0x1;
	s16 =	simm.s32 $0x10400  }
0x5: {  	s17 =	simm.s32 $0x2;
	s18 =	simm.s32 $0x15400;
	s19 =	simm.s32 $0x3  }
0x6: {  	s20 =	simm.s32 $0x4;
	s7 =	sand.u32 $0x1, s1;
	s3 =	sshll.u32 s0, $0x1  }
0x7: {  	s21 =	simm.s32 $0x0;
	s1 =	rddreg [dreg:$0x2];
	s4 =	sor.u32 s7, s3  }
0x8: {  	[smem:$0x7FF] =	sst s2;
	s7 =	ssub.s32 $0x2, s7;
	s3 =	smul.u32 $0x6400, s4  }
0x9: {  	_ =	strace $0x80000047;
	s8 =	smul.u32 $0x320000, s4;
	s9 =	sshrl.u32 s7, $0x1  }
0xa: {  	s4 =	sadd.s32 $0xF42E00, s5;
	s5 =	sadd.s32 $0xA00, s5;
	s11 =	ssub.s32 s7, s9  }
0xb: {  	s10 =	sshrl.u32 s3, $0x3;
	s8 =	sshrl.u32 s8, $0x3;
	s7 =	sor.u32 $0xA0, s3  }
0xc: {  	s6 =	sadd.s32 s6, s10;
	s31 =	sadd.s32 s5, s8;
	s10 =	smax.u32 s11, $0x1  }
0xd: {  	s11 =	simm.s32 $0x5;
	s8 =	sadd.s32 $0x62C00, s31;
	s9 =	sadd.s32 $0x63600, s31  }
.LBB2_1:
0xe: {  	[tilespmem:s2], [sflag:$0x5] =	stream.linear.gather [hbm4b:s6+s2], $0x6400, $0x38;
	[tilespmem:$0x1A400] =	vst v63  }
0xf: {  	_ =	swait.ge [sflag:s11], $0x6400  }
0x10: {  	[sflag:s11] =	ssyncset.done $0x0  }
0x11: {  	[sflag:s11] =	ssyncadd.s32 $0xFFFF9C00  }
0x12: {  	[tilespmem:s13], [sflag:$0x1] =	stream.indirect.gather [hbm4b:s4+s12], $0x80, s2, s12, $0xb8;
	[tilespmem:$0x1A400] =	vst v63  }
0x13: {  	s22 =	simm.s32 $0x0  }
0x14: {  	[tilespmem:s14], [sflag:$0x2] =	stream.indirect.gather [hbm4b:s4+s12], $0x80, s12, s12, $0xb8;
	[tilespmem:$0x1A400] =	vst v63  }
.LBB2_2:
0x15: {  	_ =	swait.ge [sflag:s15], $0x5000  }
0x16: {  	[sflag:s15] =	ssyncset.done $0x0  }
0x17: {  	s23 =	simm.s32 $0x0;
	[sflag:s15] =	ssyncadd.s32 $0xFFFFB000  }
0x18: {  	v0 =	vld [tilespmem:s23+$0x67B0]  }
0x19: {  	v1 =	vld [tilespmem:s23+$0x6400]  }
0x1a: {  	v2 =	vld [tilespmem:s23+$0x6410]  }
0x1b: {  	v3 =	vld [tilespmem:s23+$0x6420]  }
0x1c: {  	v4 =	vld [tilespmem:s23+$0x6430]  }
0x1d: {  	v5 =	vld [tilespmem:s23+$0x6480];
	[tilespmem:s23+$0x107B0] =	vst v0  }
0x1e: {  	[tilespmem:s23+$0x10400] =	vst v1;
	v0 =	vld [tilespmem:s23+$0x6490]  }
0x1f: {  	[tilespmem:s23+$0x10410] =	vst v2;
	v1 =	vld [tilespmem:s23+$0x64A0]  }
0x20: {  	[tilespmem:s23+$0x10420] =	vst v3;
	v2 =	vld [tilespmem:s23+$0x64B0]  }
0x21: {  	[tilespmem:s23+$0x10430] =	vst v4;
	v3 =	vld [tilespmem:s23+$0x6500]  }
0x22: {  	[tilespmem:s23+$0x10480] =	vst v5;
	v4 =	vld [tilespmem:s23+$0x6510]  }
0x23: {  	v5 =	vld [tilespmem:s23+$0x6710];
	[tilespmem:s23+$0x10490] =	vst v0  }
0x24: {  	v0 =	vld [tilespmem:s23+$0x6520];
	[tilespmem:s23+$0x104A0] =	vst v1  }
0x25: {  	v1 =	vld [tilespmem:s23+$0x6530];
	[tilespmem:s23+$0x104B0] =	vst v2  }
0x26: {  	v2 =	vld [tilespmem:s23+$0x6580];
	[tilespmem:s23+$0x10500] =	vst v3  }
0x27: {  	v3 =	vld [tilespmem:s23+$0x6590];
	[tilespmem:s23+$0x10510] =	vst v4  }
0x28: {  	v4 =	vld [tilespmem:s23+$0x65A0];
	[tilespmem:s23+$0x10710] =	vst v5  }
0x29: {  	[tilespmem:s23+$0x10520] =	vst v0;
	v0 =	vld [tilespmem:s23+$0x65B0]  }
0x2a: {  	[tilespmem:s23+$0x10530] =	vst v1;
	v1 =	vld [tilespmem:s23+$0x6600]  }
0x2b: {  	[tilespmem:s23+$0x10580] =	vst v2;
	v2 =	vld [tilespmem:s23+$0x6610]  }
0x2c: {  	[tilespmem:s23+$0x10590] =	vst v3;
	v3 =	vld [tilespmem:s23+$0x6620]  }
0x2d: {  	[tilespmem:s23+$0x105A0] =	vst v4;
	v4 =	vld [tilespmem:s23+$0x6630]  }
0x2e: {  	[tilespmem:s23+$0x105B0] =	vst v0;
	v0 =	vld [tilespmem:s23+$0x6680]  }
0x2f: {  	[tilespmem:s23+$0x10600] =	vst v1;
	v1 =	vld [tilespmem:s23+$0x6690]  }
0x30: {  	[tilespmem:s23+$0x10610] =	vst v2;
	v2 =	vld [tilespmem:s23+$0x66A0]  }
0x31: {  	[tilespmem:s23+$0x10620] =	vst v3;
	v3 =	vld [tilespmem:s23+$0x66B0]  }
0x32: {  	[tilespmem:s23+$0x10630] =	vst v4;
	v4 =	vld [tilespmem:s23+$0x6700]  }
0x33: {  	[tilespmem:s23+$0x10680] =	vst v0;
	v0 =	vld [tilespmem:s23+$0x6720]  }
0x34: {  	[tilespmem:s23+$0x10690] =	vst v1;
	v1 =	vld [tilespmem:s23+$0x6730]  }
0x35: {  	[tilespmem:s23+$0x106A0] =	vst v2;
	v2 =	vld [tilespmem:s23+$0x6780]  }
0x36: {  	[tilespmem:s23+$0x106B0] =	vst v3;
	v3 =	vld [tilespmem:s23+$0x6790]  }
0x37: {  	s25 =	simm.s32 $0x400;
	s24 =	simm.s32 $0x2000;
	[tilespmem:s23+$0x10700] =	vst v4;
	v4 =	vld [tilespmem:s23+$0x67A0]  }
.LBB2_3:
0x38: {  	p0 =	sne.s32 s24, $0x13000;
	v5 =	vld [tilespmem:s25+$0x67B0];
	[tilespmem:s23+$0x10720] =	vst v0  }
0x39: {  	v0 =	vld [tilespmem:s25+$0x6400];
	[tilespmem:s23+$0x10730] =	vst v1  }
0x3a: {  	v1 =	vld [tilespmem:s25+$0x6410];
	[tilespmem:s23+$0x10780] =	vst v2  }
0x3b: {  	v2 =	vld [tilespmem:s25+$0x6420];
	[tilespmem:s23+$0x10790] =	vst v3  }
0x3c: {  	v3 =	vld [tilespmem:s25+$0x6430];
	[tilespmem:s23+$0x107A0] =	vst v4;
	s23 =	smov.u32 s25  }
0x3d: {  	v4 =	vld [tilespmem:s23+$0x6480];
	[tilespmem:s23+$0x107B0] =	vst v5  }
0x3e: {  	[tilespmem:s23+$0x10400] =	vst v0;
	v0 =	vld [tilespmem:s23+$0x6490]  }
0x3f: {  	[tilespmem:s23+$0x10410] =	vst v1;
	v1 =	vld [tilespmem:s23+$0x64A0]  }
0x40: {  	[tilespmem:s23+$0x10420] =	vst v2;
	v2 =	vld [tilespmem:s23+$0x64B0]  }
0x41: {  	[tilespmem:s23+$0x10430] =	vst v3;
	v3 =	vld [tilespmem:s23+$0x6500]  }
0x42: {  	[tilespmem:s23+$0x10480] =	vst v4;
	v4 =	vld [tilespmem:s23+$0x6510]  }
0x43: {  	[tilespmem:s23+$0x10490] =	vst v0;
	v0 =	vld [tilespmem:s23+$0x6520]  }
0x44: {  	[tilespmem:s23+$0x104A0] =	vst v1;
	v1 =	vld [tilespmem:s23+$0x6530]  }
0x45: {  	[tilespmem:s23+$0x104B0] =	vst v2;
	v2 =	vld [tilespmem:s23+$0x6580]  }
0x46: {  	[tilespmem:s23+$0x10500] =	vst v3;
	v3 =	vld [tilespmem:s23+$0x6590]  }
0x47: {  	[tilespmem:s23+$0x10510] =	vst v4;
	v4 =	vld [tilespmem:s23+$0x65A0]  }
0x48: {  	[tilespmem:s23+$0x10520] =	vst v0;
	v0 =	vld [tilespmem:s23+$0x65B0]  }
0x49: {  	[tilespmem:s23+$0x10530] =	vst v1;
	v1 =	vld [tilespmem:s23+$0x6600]  }
0x4a: {  	[tilespmem:s23+$0x10580] =	vst v2;
	v2 =	vld [tilespmem:s23+$0x6610]  }
0x4b: {  	[tilespmem:s23+$0x10590] =	vst v3;
	v3 =	vld [tilespmem:s23+$0x6620]  }
0x4c: {  	[tilespmem:s23+$0x105A0] =	vst v4;
	v4 =	vld [tilespmem:s23+$0x6630]  }
0x4d: {  	[tilespmem:s23+$0x105B0] =	vst v0;
	v0 =	vld [tilespmem:s23+$0x6680]  }
0x4e: {  	[tilespmem:s23+$0x10600] =	vst v1;
	v1 =	vld [tilespmem:s23+$0x6690]  }
0x4f: {  	[tilespmem:s23+$0x10610] =	vst v2;
	v2 =	vld [tilespmem:s23+$0x66A0]  }
0x50: {  	[tilespmem:s23+$0x10620] =	vst v3;
	v3 =	vld [tilespmem:s23+$0x66B0]  }
0x51: {  	[tilespmem:s23+$0x10630] =	vst v4;
	v4 =	vld [tilespmem:s23+$0x6700]  }
0x52: {  	[tilespmem:s23+$0x10680] =	vst v0;
	v5 =	vld [tilespmem:s23+$0x6710]  }
.Ltmp0:
0x53: {  	[tilespmem:s23+$0x10690] =	vst v1;
	v0 =	vld [tilespmem:s23+$0x6720];
	(pc) =	sbr.rel @p0 .LBB2_3-.Ltmp0, $4  }
0x54: {  	[tilespmem:s23+$0x106A0] =	vst v2;
	v1 =	vld [tilespmem:s23+$0x6730]  }
0x55: {  	[tilespmem:s23+$0x106B0] =	vst v3;
	v2 =	vld [tilespmem:s23+$0x6780]  }
0x56: {  	[tilespmem:s23+$0x10700] =	vst v4;
	v3 =	vld [tilespmem:s23+$0x6790]  }
0x57: {  	s25 =	sshra.s32 s24, $0x2;
	s24 =	sadd.s32 $0x1000, s24;
	[tilespmem:s23+$0x10710] =	vst v5;
	v4 =	vld [tilespmem:s23+$0x67A0]  }
0x58: {  	v5 =	vld [tilespmem:s25+$0x67B0];
	[tilespmem:s23+$0x10720] =	vst v0  }
0x59: {  	v0 =	vld [tilespmem:s25+$0x6400];
	[tilespmem:s23+$0x10730] =	vst v1  }
0x5a: {  	v1 =	vld [tilespmem:s25+$0x6410];
	[tilespmem:s23+$0x10780] =	vst v2  }
0x5b: {  	v2 =	vld [tilespmem:s25+$0x6420];
	[tilespmem:s23+$0x10790] =	vst v3  }
0x5c: {  	v3 =	vld [tilespmem:s25+$0x6430];
	[tilespmem:s23+$0x107A0] =	vst v4  }
0x5d: {  	v4 =	vld [tilespmem:s25+$0x6480];
	[tilespmem:s25+$0x107B0] =	vst v5  }
0x5e: {  	[tilespmem:s25+$0x10400] =	vst v0;
	v0 =	vld [tilespmem:s25+$0x6490]  }
0x5f: {  	[tilespmem:s25+$0x10410] =	vst v1;
	v1 =	vld [tilespmem:s25+$0x64A0]  }
0x60: {  	[tilespmem:s25+$0x10420] =	vst v2;
	v2 =	vld [tilespmem:s25+$0x64B0]  }
0x61: {  	[tilespmem:s25+$0x10430] =	vst v3;
	v3 =	vld [tilespmem:s25+$0x6500]  }
0x62: {  	[tilespmem:s25+$0x10480] =	vst v4;
	v4 =	vld [tilespmem:s25+$0x6510]  }
0x63: {  	[tilespmem:s25+$0x10490] =	vst v0;
	v0 =	vld [tilespmem:s25+$0x6520]  }
0x64: {  	[tilespmem:s25+$0x104A0] =	vst v1;
	v1 =	vld [tilespmem:s25+$0x6530]  }
0x65: {  	[tilespmem:s25+$0x104B0] =	vst v2;
	v2 =	vld [tilespmem:s25+$0x6580]  }
0x66: {  	[tilespmem:s25+$0x10500] =	vst v3;
	v3 =	vld [tilespmem:s25+$0x6590]  }
0x67: {  	[tilespmem:s25+$0x10510] =	vst v4;
	v4 =	vld [tilespmem:s25+$0x65A0]  }
0x68: {  	[tilespmem:s25+$0x10520] =	vst v0;
	v0 =	vld [tilespmem:s25+$0x65B0]  }
0x69: {  	[tilespmem:s25+$0x10530] =	vst v1;
	v1 =	vld [tilespmem:s25+$0x6600]  }
0x6a: {  	[tilespmem:s25+$0x10580] =	vst v2;
	v2 =	vld [tilespmem:s25+$0x6610]  }
0x6b: {  	[tilespmem:s25+$0x10590] =	vst v3;
	v3 =	vld [tilespmem:s25+$0x6620]  }
0x6c: {  	[tilespmem:s25+$0x105A0] =	vst v4;
	v4 =	vld [tilespmem:s25+$0x6630]  }
0x6d: {  	[tilespmem:s25+$0x105B0] =	vst v0;
	v0 =	vld [tilespmem:s25+$0x6680]  }
0x6e: {  	[tilespmem:s25+$0x10600] =	vst v1;
	v1 =	vld [tilespmem:s25+$0x6690]  }
0x6f: {  	[tilespmem:s25+$0x10610] =	vst v2;
	v2 =	vld [tilespmem:s25+$0x66A0]  }
0x70: {  	[tilespmem:s25+$0x10620] =	vst v3;
	v3 =	vld [tilespmem:s25+$0x66B0]  }
0x71: {  	[tilespmem:s25+$0x10630] =	vst v4;
	v4 =	vld [tilespmem:s25+$0x6700]  }
0x72: {  	[tilespmem:s25+$0x10680] =	vst v0;
	v0 =	vld [tilespmem:s25+$0x6710]  }
0x73: {  	[tilespmem:s25+$0x10690] =	vst v1;
	v1 =	vld [tilespmem:s25+$0x6720]  }
0x74: {  	[tilespmem:s25+$0x106A0] =	vst v2;
	v2 =	vld [tilespmem:s25+$0x6730]  }
0x75: {  	[tilespmem:s25+$0x106B0] =	vst v3;
	v3 =	vld [tilespmem:s25+$0x6780]  }
0x76: {  	[tilespmem:s25+$0x10700] =	vst v4;
	v4 =	vld [tilespmem:s25+$0x6790]  }
0x77: {  	[tilespmem:s25+$0x10710] =	vst v0;
	v0 =	vld [tilespmem:s25+$0x67A0]  }
0x78: {  	s23 =	smul.u32 $0x140, s22;
	[tilespmem:s25+$0x10720] =	vst v1  }
0x79: {  	[tilespmem:s25+$0x10730] =	vst v2  }
0x7a: {  	s24 =	sadd.s32 s3, s23;
	[tilespmem:s25+$0x10780] =	vst v3  }
0x7b: {  	s24 =	sshll.u32 s24, $0x4;
	[tilespmem:s25+$0x10790] =	vst v4  }
0x7c: {  	s31 =	simm.s32 $0x0;
	s24 =	sadd.s32 s5, s24;
	[tilespmem:s25+$0x107A0] =	vst v0  }
0x7d: {  	[hbm4b:s24+s31] =	stream.linear.scatter [tilespmem:s16], [sflag:$0x3], $0x5000, $0x38;
	[tilespmem:$0x1A400] =	vst v63  }
0x7e: {  	_ =	swait.ge [sflag:s17], $0x5000  }
0x7f: {  	[sflag:s17] =	ssyncset.done $0x0  }
0x80: {  	s24 =	simm.s32 $0x0;
	[sflag:s17] =	ssyncadd.s32 $0xFFFFB000  }
0x81: {  	v0 =	vld [tilespmem:s24+$0xB7B0]  }
0x82: {  	v1 =	vld [tilespmem:s24+$0xB400]  }
0x83: {  	v2 =	vld [tilespmem:s24+$0xB410]  }
0x84: {  	v3 =	vld [tilespmem:s24+$0xB420]  }
0x85: {  	v4 =	vld [tilespmem:s24+$0xB430]  }
0x86: {  	v5 =	vld [tilespmem:s24+$0xB480];
	[tilespmem:s24+$0x157B0] =	vst v0  }
0x87: {  	[tilespmem:s24+$0x15400] =	vst v1;
	v0 =	vld [tilespmem:s24+$0xB490]  }
0x88: {  	[tilespmem:s24+$0x15410] =	vst v2;
	v1 =	vld [tilespmem:s24+$0xB4A0]  }
0x89: {  	[tilespmem:s24+$0x15420] =	vst v3;
	v2 =	vld [tilespmem:s24+$0xB4B0]  }
0x8a: {  	[tilespmem:s24+$0x15430] =	vst v4;
	v3 =	vld [tilespmem:s24+$0xB500]  }
0x8b: {  	[tilespmem:s24+$0x15480] =	vst v5;
	v4 =	vld [tilespmem:s24+$0xB510]  }
0x8c: {  	v5 =	vld [tilespmem:s24+$0xB710];
	[tilespmem:s24+$0x15490] =	vst v0  }
0x8d: {  	v0 =	vld [tilespmem:s24+$0xB520];
	[tilespmem:s24+$0x154A0] =	vst v1  }
0x8e: {  	v1 =	vld [tilespmem:s24+$0xB530];
	[tilespmem:s24+$0x154B0] =	vst v2  }
0x8f: {  	v2 =	vld [tilespmem:s24+$0xB580];
	[tilespmem:s24+$0x15500] =	vst v3  }
0x90: {  	v3 =	vld [tilespmem:s24+$0xB590];
	[tilespmem:s24+$0x15510] =	vst v4  }
0x91: {  	v4 =	vld [tilespmem:s24+$0xB5A0];
	[tilespmem:s24+$0x15710] =	vst v5  }
0x92: {  	[tilespmem:s24+$0x15520] =	vst v0;
	v0 =	vld [tilespmem:s24+$0xB5B0]  }
0x93: {  	[tilespmem:s24+$0x15530] =	vst v1;
	v1 =	vld [tilespmem:s24+$0xB600]  }
0x94: {  	[tilespmem:s24+$0x15580] =	vst v2;
	v2 =	vld [tilespmem:s24+$0xB610]  }
0x95: {  	[tilespmem:s24+$0x15590] =	vst v3;
	v3 =	vld [tilespmem:s24+$0xB620]  }
0x96: {  	[tilespmem:s24+$0x155A0] =	vst v4;
	v4 =	vld [tilespmem:s24+$0xB630]  }
0x97: {  	[tilespmem:s24+$0x155B0] =	vst v0;
	v0 =	vld [tilespmem:s24+$0xB680]  }
0x98: {  	[tilespmem:s24+$0x15600] =	vst v1;
	v1 =	vld [tilespmem:s24+$0xB690]  }
0x99: {  	[tilespmem:s24+$0x15610] =	vst v2;
	v2 =	vld [tilespmem:s24+$0xB6A0]  }
0x9a: {  	[tilespmem:s24+$0x15620] =	vst v3;
	v3 =	vld [tilespmem:s24+$0xB6B0]  }
0x9b: {  	[tilespmem:s24+$0x15630] =	vst v4;
	v4 =	vld [tilespmem:s24+$0xB700]  }
0x9c: {  	[tilespmem:s24+$0x15680] =	vst v0;
	v0 =	vld [tilespmem:s24+$0xB720]  }
0x9d: {  	[tilespmem:s24+$0x15690] =	vst v1;
	v1 =	vld [tilespmem:s24+$0xB730]  }
0x9e: {  	[tilespmem:s24+$0x156A0] =	vst v2;
	v2 =	vld [tilespmem:s24+$0xB780]  }
0x9f: {  	[tilespmem:s24+$0x156B0] =	vst v3;
	v3 =	vld [tilespmem:s24+$0xB790]  }
0xa0: {  	s26 =	simm.s32 $0x400;
	s25 =	simm.s32 $0x2000;
	[tilespmem:s24+$0x15700] =	vst v4;
	v4 =	vld [tilespmem:s24+$0xB7A0]  }
.LBB2_5:
0xa1: {  	p0 =	sne.s32 s25, $0x13000;
	v5 =	vld [tilespmem:s26+$0xB7B0];
	[tilespmem:s24+$0x15720] =	vst v0  }
0xa2: {  	v0 =	vld [tilespmem:s26+$0xB400];
	[tilespmem:s24+$0x15730] =	vst v1  }
0xa3: {  	v1 =	vld [tilespmem:s26+$0xB410];
	[tilespmem:s24+$0x15780] =	vst v2  }
0xa4: {  	v2 =	vld [tilespmem:s26+$0xB420];
	[tilespmem:s24+$0x15790] =	vst v3  }
0xa5: {  	v3 =	vld [tilespmem:s26+$0xB430];
	[tilespmem:s24+$0x157A0] =	vst v4;
	s24 =	smov.u32 s26  }
0xa6: {  	v4 =	vld [tilespmem:s24+$0xB480];
	[tilespmem:s24+$0x157B0] =	vst v5  }
0xa7: {  	[tilespmem:s24+$0x15400] =	vst v0;
	v0 =	vld [tilespmem:s24+$0xB490]  }
0xa8: {  	[tilespmem:s24+$0x15410] =	vst v1;
	v1 =	vld [tilespmem:s24+$0xB4A0]  }
0xa9: {  	[tilespmem:s24+$0x15420] =	vst v2;
	v2 =	vld [tilespmem:s24+$0xB4B0]  }
0xaa: {  	[tilespmem:s24+$0x15430] =	vst v3;
	v3 =	vld [tilespmem:s24+$0xB500]  }
0xab: {  	[tilespmem:s24+$0x15480] =	vst v4;
	v4 =	vld [tilespmem:s24+$0xB510]  }
0xac: {  	[tilespmem:s24+$0x15490] =	vst v0;
	v0 =	vld [tilespmem:s24+$0xB520]  }
0xad: {  	[tilespmem:s24+$0x154A0] =	vst v1;
	v1 =	vld [tilespmem:s24+$0xB530]  }
0xae: {  	[tilespmem:s24+$0x154B0] =	vst v2;
	v2 =	vld [tilespmem:s24+$0xB580]  }
0xaf: {  	[tilespmem:s24+$0x15500] =	vst v3;
	v3 =	vld [tilespmem:s24+$0xB590]  }
0xb0: {  	[tilespmem:s24+$0x15510] =	vst v4;
	v4 =	vld [tilespmem:s24+$0xB5A0]  }
0xb1: {  	[tilespmem:s24+$0x15520] =	vst v0;
	v0 =	vld [tilespmem:s24+$0xB5B0]  }
0xb2: {  	[tilespmem:s24+$0x15530] =	vst v1;
	v1 =	vld [tilespmem:s24+$0xB600]  }
0xb3: {  	[tilespmem:s24+$0x15580] =	vst v2;
	v2 =	vld [tilespmem:s24+$0xB610]  }
0xb4: {  	[tilespmem:s24+$0x15590] =	vst v3;
	v3 =	vld [tilespmem:s24+$0xB620]  }
0xb5: {  	[tilespmem:s24+$0x155A0] =	vst v4;
	v4 =	vld [tilespmem:s24+$0xB630]  }
0xb6: {  	[tilespmem:s24+$0x155B0] =	vst v0;
	v0 =	vld [tilespmem:s24+$0xB680]  }
0xb7: {  	[tilespmem:s24+$0x15600] =	vst v1;
	v1 =	vld [tilespmem:s24+$0xB690]  }
0xb8: {  	[tilespmem:s24+$0x15610] =	vst v2;
	v2 =	vld [tilespmem:s24+$0xB6A0]  }
0xb9: {  	[tilespmem:s24+$0x15620] =	vst v3;
	v3 =	vld [tilespmem:s24+$0xB6B0]  }
0xba: {  	[tilespmem:s24+$0x15630] =	vst v4;
	v4 =	vld [tilespmem:s24+$0xB700]  }
0xbb: {  	[tilespmem:s24+$0x15680] =	vst v0;
	v5 =	vld [tilespmem:s24+$0xB710]  }
.Ltmp1:
0xbc: {  	[tilespmem:s24+$0x15690] =	vst v1;
	v0 =	vld [tilespmem:s24+$0xB720];
	(pc) =	sbr.rel @p0 .LBB2_5-.Ltmp1, $4  }
0xbd: {  	[tilespmem:s24+$0x156A0] =	vst v2;
	v1 =	vld [tilespmem:s24+$0xB730]  }
0xbe: {  	[tilespmem:s24+$0x156B0] =	vst v3;
	v2 =	vld [tilespmem:s24+$0xB780]  }
0xbf: {  	[tilespmem:s24+$0x15700] =	vst v4;
	v3 =	vld [tilespmem:s24+$0xB790]  }
0xc0: {  	s26 =	sshra.s32 s25, $0x2;
	s25 =	sadd.s32 $0x1000, s25;
	[tilespmem:s24+$0x15710] =	vst v5;
	v4 =	vld [tilespmem:s24+$0xB7A0]  }
0xc1: {  	v5 =	vld [tilespmem:s26+$0xB7B0];
	[tilespmem:s24+$0x15720] =	vst v0  }
0xc2: {  	v0 =	vld [tilespmem:s26+$0xB400];
	[tilespmem:s24+$0x15730] =	vst v1  }
0xc3: {  	v1 =	vld [tilespmem:s26+$0xB410];
	[tilespmem:s24+$0x15780] =	vst v2  }
0xc4: {  	v2 =	vld [tilespmem:s26+$0xB420];
	[tilespmem:s24+$0x15790] =	vst v3  }
0xc5: {  	v3 =	vld [tilespmem:s26+$0xB430];
	[tilespmem:s24+$0x157A0] =	vst v4  }
0xc6: {  	v4 =	vld [tilespmem:s26+$0xB480];
	[tilespmem:s26+$0x157B0] =	vst v5  }
0xc7: {  	v38 =	vld [tilespmem:s26+$0xB490];
	[tilespmem:s26+$0x15400] =	vst v0  }
0xc8: {  	v39 =	vld [tilespmem:s26+$0xB4A0];
	[tilespmem:s26+$0x15410] =	vst v1  }
0xc9: {  	v40 =	vld [tilespmem:s26+$0xB4B0];
	[tilespmem:s26+$0x15420] =	vst v2  }
0xca: {  	v41 =	vld [tilespmem:s26+$0xB500];
	[tilespmem:s26+$0x15430] =	vst v3  }
0xcb: {  	v42 =	vld [tilespmem:s26+$0xB510];
	[tilespmem:s26+$0x15480] =	vst v4  }
0xcc: {  	v43 =	vld [tilespmem:s26+$0xB520];
	[tilespmem:s26+$0x15490] =	vst v38  }
0xcd: {  	v44 =	vld [tilespmem:s26+$0xB530];
	[tilespmem:s26+$0x154A0] =	vst v39  }
0xce: {  	v45 =	vld [tilespmem:s26+$0xB580];
	[tilespmem:s26+$0x154B0] =	vst v40  }
0xcf: {  	v46 =	vld [tilespmem:s26+$0xB590];
	[tilespmem:s26+$0x15500] =	vst v41  }
0xd0: {  	v47 =	vld [tilespmem:s26+$0xB5A0];
	[tilespmem:s26+$0x15510] =	vst v42  }
0xd1: {  	v48 =	vld [tilespmem:s26+$0xB5B0];
	[tilespmem:s26+$0x15520] =	vst v43  }
0xd2: {  	v49 =	vld [tilespmem:s26+$0xB600];
	[tilespmem:s26+$0x15530] =	vst v44  }
0xd3: {  	v50 =	vld [tilespmem:s26+$0xB610];
	[tilespmem:s26+$0x15580] =	vst v45  }
0xd4: {  	v51 =	vld [tilespmem:s26+$0xB620];
	[tilespmem:s26+$0x15590] =	vst v46  }
0xd5: {  	v52 =	vld [tilespmem:s26+$0xB630];
	[tilespmem:s26+$0x155A0] =	vst v47  }
0xd6: {  	v53 =	vld [tilespmem:s26+$0xB680];
	[tilespmem:s26+$0x155B0] =	vst v48  }
0xd7: {  	v54 =	vld [tilespmem:s26+$0xB690];
	[tilespmem:s26+$0x15600] =	vst v49  }
0xd8: {  	v55 =	vld [tilespmem:s26+$0xB6A0];
	[tilespmem:s26+$0x15610] =	vst v50  }
0xd9: {  	v56 =	vld [tilespmem:s26+$0xB6B0];
	[tilespmem:s26+$0x15620] =	vst v51  }
0xda: {  	v57 =	vld [tilespmem:s26+$0xB700];
	[tilespmem:s26+$0x15630] =	vst v52  }
0xdb: {  	v58 =	vld [tilespmem:s26+$0xB710];
	[tilespmem:s26+$0x15680] =	vst v53  }
0xdc: {  	v59 =	vld [tilespmem:s26+$0xB720];
	[tilespmem:s26+$0x15690] =	vst v54  }
0xdd: {  	v60 =	vld [tilespmem:s26+$0xB730];
	[tilespmem:s26+$0x156A0] =	vst v55  }
0xde: {  	v61 =	vld [tilespmem:s26+$0xB780];
	[tilespmem:s26+$0x156B0] =	vst v56  }
0xdf: {  	v62 =	vld [tilespmem:s26+$0xB790];
	[tilespmem:s26+$0x15700] =	vst v57  }
0xe0: {  	v63 =	vld [tilespmem:s26+$0xB7A0];
	[tilespmem:s26+$0x15710] =	vst v58  }
0xe1: {  	[tilespmem:s26+$0x15720] =	vst v59  }
0xe2: {  	[tilespmem:s26+$0x15730] =	vst v60  }
0xe3: {  	s23 =	sadd.s32 s23, s7;
	[tilespmem:s26+$0x15780] =	vst v61  }
0xe4: {  	s23 =	sshll.u32 s23, $0x4;
	[tilespmem:s26+$0x15790] =	vst v62  }
0xe5: {  	s30 =	smul.u32 $0x500, s22;
	s23 =	sadd.s32 s5, s23;
	[tilespmem:s26+$0x157A0] =	vst v63  }
0xe6: {  	[hbm4b:s23+s2] =	stream.linear.scatter [tilespmem:s18], [sflag:$0x4], $0x5000, $0x38;
	[tilespmem:$0x1A400] =	vst v63  }
0xe7: {  	_ =	swait.ge [sflag:s19], $0x5000  }
0xe8: {  	s22 =	sadd.s32 $0x1, s22;
	s23 =	sshra.s32 s30, $0x2;
	[sflag:s19] =	ssyncset.done $0x0  }
0xe9: {  	p0 =	sne.s32 s22, $0x4F;
	s31 =	sadd.s32 $0x140, s23;
	[sflag:s19] =	ssyncadd.s32 $0xFFFFB000  }
0xea: {  	[tilespmem:s13], [sflag:$0x1] =	stream.indirect.gather [hbm4b:s4+s12], $0x80, s31, s12, $0xb8;
	[tilespmem:$0x1A400] =	vst v63  }
.Ltmp2:
0xeb: {  	_ = 	snop;
	(pc) =	sbr.rel @p0 .LBB2_2-.Ltmp2, $4  }
0xec: {  	_ =	swait.ge [sflag:s20], $0x5000  }
0xed: {  	[sflag:s20] =	ssyncset.done $0x0  }
0xee: {  	s23 =	sadd.s32 $0x1E0, s23;
	[sflag:s20] =	ssyncadd.s32 $0xFFFFB000  }
0xef: {  	[tilespmem:s14], [sflag:$0x2] =	stream.indirect.gather [hbm4b:s4+s12], $0x80, s23, s12, $0xb8;
	[tilespmem:$0x1A400] =	vst v63  }
0xf0: {  	_ =	swait.ge [sflag:s15], $0x5000  }
0xf1: {  	[sflag:s15] =	ssyncset.done $0x0  }
0xf2: {  	s22 =	simm.s32 $0x0;
	[sflag:s15] =	ssyncadd.s32 $0xFFFFB000  }
0xf3: {  	v0 =	vld [tilespmem:s22+$0x67B0]  }
0xf4: {  	v1 =	vld [tilespmem:s22+$0x6400]  }
0xf5: {  	v2 =	vld [tilespmem:s22+$0x6410]  }
0xf6: {  	v3 =	vld [tilespmem:s22+$0x6420]  }
0xf7: {  	v4 =	vld [tilespmem:s22+$0x6430]  }
0xf8: {  	v5 =	vld [tilespmem:s22+$0x6480];
	[tilespmem:s22+$0x107B0] =	vst v0  }
0xf9: {  	[tilespmem:s22+$0x10400] =	vst v1;
	v0 =	vld [tilespmem:s22+$0x6490]  }
0xfa: {  	[tilespmem:s22+$0x10410] =	vst v2;
	v1 =	vld [tilespmem:s22+$0x64A0]  }
0xfb: {  	[tilespmem:s22+$0x10420] =	vst v3;
	v2 =	vld [tilespmem:s22+$0x64B0]  }
0xfc: {  	[tilespmem:s22+$0x10430] =	vst v4;
	v3 =	vld [tilespmem:s22+$0x6500]  }
0xfd: {  	[tilespmem:s22+$0x10480] =	vst v5;
	v4 =	vld [tilespmem:s22+$0x6510]  }
0xfe: {  	v5 =	vld [tilespmem:s22+$0x6710];
	[tilespmem:s22+$0x10490] =	vst v0  }
0xff: {  	v0 =	vld [tilespmem:s22+$0x6520];
	[tilespmem:s22+$0x104A0] =	vst v1  }
0x100: {  	v1 =	vld [tilespmem:s22+$0x6530];
	[tilespmem:s22+$0x104B0] =	vst v2  }
0x101: {  	v2 =	vld [tilespmem:s22+$0x6580];
	[tilespmem:s22+$0x10500] =	vst v3  }
0x102: {  	v3 =	vld [tilespmem:s22+$0x6590];
	[tilespmem:s22+$0x10510] =	vst v4  }
0x103: {  	v4 =	vld [tilespmem:s22+$0x65A0];
	[tilespmem:s22+$0x10710] =	vst v5  }
0x104: {  	[tilespmem:s22+$0x10520] =	vst v0;
	v0 =	vld [tilespmem:s22+$0x65B0]  }
0x105: {  	[tilespmem:s22+$0x10530] =	vst v1;
	v1 =	vld [tilespmem:s22+$0x6600]  }
0x106: {  	[tilespmem:s22+$0x10580] =	vst v2;
	v2 =	vld [tilespmem:s22+$0x6610]  }
0x107: {  	[tilespmem:s22+$0x10590] =	vst v3;
	v3 =	vld [tilespmem:s22+$0x6620]  }
0x108: {  	[tilespmem:s22+$0x105A0] =	vst v4;
	v4 =	vld [tilespmem:s22+$0x6630]  }
0x109: {  	[tilespmem:s22+$0x105B0] =	vst v0;
	v0 =	vld [tilespmem:s22+$0x6680]  }
0x10a: {  	[tilespmem:s22+$0x10600] =	vst v1;
	v1 =	vld [tilespmem:s22+$0x6690]  }
0x10b: {  	[tilespmem:s22+$0x10610] =	vst v2;
	v2 =	vld [tilespmem:s22+$0x66A0]  }
0x10c: {  	[tilespmem:s22+$0x10620] =	vst v3;
	v3 =	vld [tilespmem:s22+$0x66B0]  }
0x10d: {  	[tilespmem:s22+$0x10630] =	vst v4;
	v4 =	vld [tilespmem:s22+$0x6700]  }
0x10e: {  	[tilespmem:s22+$0x10680] =	vst v0;
	v0 =	vld [tilespmem:s22+$0x6720]  }
0x10f: {  	[tilespmem:s22+$0x10690] =	vst v1;
	v1 =	vld [tilespmem:s22+$0x6730]  }
0x110: {  	[tilespmem:s22+$0x106A0] =	vst v2;
	v2 =	vld [tilespmem:s22+$0x6780]  }
0x111: {  	[tilespmem:s22+$0x106B0] =	vst v3;
	v3 =	vld [tilespmem:s22+$0x6790]  }
0x112: {  	s24 =	simm.s32 $0x400;
	s23 =	simm.s32 $0x2000;
	[tilespmem:s22+$0x10700] =	vst v4;
	v4 =	vld [tilespmem:s22+$0x67A0]  }
.LBB2_8:
0x113: {  	p0 =	sne.s32 s23, $0x13000;
	v5 =	vld [tilespmem:s24+$0x67B0];
	[tilespmem:s22+$0x10720] =	vst v0  }
0x114: {  	v0 =	vld [tilespmem:s24+$0x6400];
	[tilespmem:s22+$0x10730] =	vst v1  }
0x115: {  	v1 =	vld [tilespmem:s24+$0x6410];
	[tilespmem:s22+$0x10780] =	vst v2  }
0x116: {  	v2 =	vld [tilespmem:s24+$0x6420];
	[tilespmem:s22+$0x10790] =	vst v3  }
0x117: {  	v3 =	vld [tilespmem:s24+$0x6430];
	[tilespmem:s22+$0x107A0] =	vst v4;
	s22 =	smov.u32 s24  }
0x118: {  	v4 =	vld [tilespmem:s22+$0x6480];
	[tilespmem:s22+$0x107B0] =	vst v5  }
0x119: {  	[tilespmem:s22+$0x10400] =	vst v0;
	v0 =	vld [tilespmem:s22+$0x6490]  }
0x11a: {  	[tilespmem:s22+$0x10410] =	vst v1;
	v1 =	vld [tilespmem:s22+$0x64A0]  }
0x11b: {  	[tilespmem:s22+$0x10420] =	vst v2;
	v2 =	vld [tilespmem:s22+$0x64B0]  }
0x11c: {  	[tilespmem:s22+$0x10430] =	vst v3;
	v3 =	vld [tilespmem:s22+$0x6500]  }
0x11d: {  	[tilespmem:s22+$0x10480] =	vst v4;
	v4 =	vld [tilespmem:s22+$0x6510]  }
0x11e: {  	[tilespmem:s22+$0x10490] =	vst v0;
	v0 =	vld [tilespmem:s22+$0x6520]  }
0x11f: {  	[tilespmem:s22+$0x104A0] =	vst v1;
	v1 =	vld [tilespmem:s22+$0x6530]  }
0x120: {  	[tilespmem:s22+$0x104B0] =	vst v2;
	v2 =	vld [tilespmem:s22+$0x6580]  }
0x121: {  	[tilespmem:s22+$0x10500] =	vst v3;
	v3 =	vld [tilespmem:s22+$0x6590]  }
0x122: {  	[tilespmem:s22+$0x10510] =	vst v4;
	v4 =	vld [tilespmem:s22+$0x65A0]  }
0x123: {  	[tilespmem:s22+$0x10520] =	vst v0;
	v0 =	vld [tilespmem:s22+$0x65B0]  }
0x124: {  	[tilespmem:s22+$0x10530] =	vst v1;
	v1 =	vld [tilespmem:s22+$0x6600]  }
0x125: {  	[tilespmem:s22+$0x10580] =	vst v2;
	v2 =	vld [tilespmem:s22+$0x6610]  }
0x126: {  	[tilespmem:s22+$0x10590] =	vst v3;
	v3 =	vld [tilespmem:s22+$0x6620]  }
0x127: {  	[tilespmem:s22+$0x105A0] =	vst v4;
	v4 =	vld [tilespmem:s22+$0x6630]  }
0x128: {  	[tilespmem:s22+$0x105B0] =	vst v0;
	v0 =	vld [tilespmem:s22+$0x6680]  }
0x129: {  	[tilespmem:s22+$0x10600] =	vst v1;
	v1 =	vld [tilespmem:s22+$0x6690]  }
0x12a: {  	[tilespmem:s22+$0x10610] =	vst v2;
	v2 =	vld [tilespmem:s22+$0x66A0]  }
0x12b: {  	[tilespmem:s22+$0x10620] =	vst v3;
	v3 =	vld [tilespmem:s22+$0x66B0]  }
0x12c: {  	[tilespmem:s22+$0x10630] =	vst v4;
	v4 =	vld [tilespmem:s22+$0x6700]  }
0x12d: {  	[tilespmem:s22+$0x10680] =	vst v0;
	v5 =	vld [tilespmem:s22+$0x6710]  }
.Ltmp3:
0x12e: {  	[tilespmem:s22+$0x10690] =	vst v1;
	v0 =	vld [tilespmem:s22+$0x6720];
	(pc) =	sbr.rel @p0 .LBB2_8-.Ltmp3, $4  }
0x12f: {  	[tilespmem:s22+$0x106A0] =	vst v2;
	v1 =	vld [tilespmem:s22+$0x6730]  }
0x130: {  	[tilespmem:s22+$0x106B0] =	vst v3;
	v2 =	vld [tilespmem:s22+$0x6780]  }
0x131: {  	[tilespmem:s22+$0x10700] =	vst v4;
	v3 =	vld [tilespmem:s22+$0x6790]  }
0x132: {  	s24 =	sshra.s32 s23, $0x2;
	s23 =	sadd.s32 $0x1000, s23;
	[tilespmem:s22+$0x10710] =	vst v5;
	v4 =	vld [tilespmem:s22+$0x67A0]  }
0x133: {  	v5 =	vld [tilespmem:s24+$0x67B0];
	[tilespmem:s22+$0x10720] =	vst v0  }
0x134: {  	v0 =	vld [tilespmem:s24+$0x6400];
	[tilespmem:s22+$0x10730] =	vst v1  }
0x135: {  	v1 =	vld [tilespmem:s24+$0x6410];
	[tilespmem:s22+$0x10780] =	vst v2  }
0x136: {  	v2 =	vld [tilespmem:s24+$0x6420];
	[tilespmem:s22+$0x10790] =	vst v3  }
0x137: {  	v3 =	vld [tilespmem:s24+$0x6430];
	[tilespmem:s22+$0x107A0] =	vst v4  }
0x138: {  	v4 =	vld [tilespmem:s24+$0x6480];
	[tilespmem:s24+$0x107B0] =	vst v5  }
0x139: {  	[tilespmem:s24+$0x10400] =	vst v0;
	v0 =	vld [tilespmem:s24+$0x6490]  }
0x13a: {  	[tilespmem:s24+$0x10410] =	vst v1;
	v1 =	vld [tilespmem:s24+$0x64A0]  }
0x13b: {  	[tilespmem:s24+$0x10420] =	vst v2;
	v2 =	vld [tilespmem:s24+$0x64B0]  }
0x13c: {  	[tilespmem:s24+$0x10430] =	vst v3;
	v3 =	vld [tilespmem:s24+$0x6500]  }
0x13d: {  	[tilespmem:s24+$0x10480] =	vst v4;
	v4 =	vld [tilespmem:s24+$0x6510]  }
0x13e: {  	[tilespmem:s24+$0x10490] =	vst v0;
	v0 =	vld [tilespmem:s24+$0x6520]  }
0x13f: {  	[tilespmem:s24+$0x104A0] =	vst v1;
	v1 =	vld [tilespmem:s24+$0x6530]  }
0x140: {  	[tilespmem:s24+$0x104B0] =	vst v2;
	v2 =	vld [tilespmem:s24+$0x6580]  }
0x141: {  	[tilespmem:s24+$0x10500] =	vst v3;
	v3 =	vld [tilespmem:s24+$0x6590]  }
0x142: {  	[tilespmem:s24+$0x10510] =	vst v4;
	v4 =	vld [tilespmem:s24+$0x65A0]  }
0x143: {  	[tilespmem:s24+$0x10520] =	vst v0;
	v0 =	vld [tilespmem:s24+$0x65B0]  }
0x144: {  	[tilespmem:s24+$0x10530] =	vst v1;
	v1 =	vld [tilespmem:s24+$0x6600]  }
0x145: {  	[tilespmem:s24+$0x10580] =	vst v2;
	v2 =	vld [tilespmem:s24+$0x6610]  }
0x146: {  	[tilespmem:s24+$0x10590] =	vst v3;
	v3 =	vld [tilespmem:s24+$0x6620]  }
0x147: {  	[tilespmem:s24+$0x105A0] =	vst v4;
	v4 =	vld [tilespmem:s24+$0x6630]  }
0x148: {  	[tilespmem:s24+$0x105B0] =	vst v0;
	v0 =	vld [tilespmem:s24+$0x6680]  }
0x149: {  	[tilespmem:s24+$0x10600] =	vst v1;
	v1 =	vld [tilespmem:s24+$0x6690]  }
0x14a: {  	[tilespmem:s24+$0x10610] =	vst v2;
	v2 =	vld [tilespmem:s24+$0x66A0]  }
0x14b: {  	[tilespmem:s24+$0x10620] =	vst v3;
	v3 =	vld [tilespmem:s24+$0x66B0]  }
0x14c: {  	[tilespmem:s24+$0x10630] =	vst v4;
	v4 =	vld [tilespmem:s24+$0x6700]  }
0x14d: {  	[tilespmem:s24+$0x10680] =	vst v0;
	v0 =	vld [tilespmem:s24+$0x6710]  }
0x14e: {  	[tilespmem:s24+$0x10690] =	vst v1;
	v1 =	vld [tilespmem:s24+$0x6720]  }
0x14f: {  	[tilespmem:s24+$0x106A0] =	vst v2;
	v2 =	vld [tilespmem:s24+$0x6730]  }
0x150: {  	[tilespmem:s24+$0x106B0] =	vst v3;
	v3 =	vld [tilespmem:s24+$0x6780]  }
0x151: {  	[tilespmem:s24+$0x10700] =	vst v4;
	v4 =	vld [tilespmem:s24+$0x6790]  }
0x152: {  	[tilespmem:s24+$0x10710] =	vst v0;
	v0 =	vld [tilespmem:s24+$0x67A0]  }
0x153: {  	[tilespmem:s24+$0x10720] =	vst v1  }
0x154: {  	[tilespmem:s24+$0x10730] =	vst v2  }
0x155: {  	[tilespmem:s24+$0x10780] =	vst v3  }
0x156: {  	[tilespmem:s24+$0x10790] =	vst v4  }
0x157: {  	s31 =	simm.s32 $0x0;
	[tilespmem:s24+$0x107A0] =	vst v0  }
0x158: {  	[hbm4b:s8+s31] =	stream.linear.scatter [tilespmem:s16], [sflag:$0x3], $0x5000, $0x38;
	[tilespmem:$0x1A400] =	vst v63  }
0x159: {  	_ =	swait.ge [sflag:s17], $0x5000  }
0x15a: {  	[sflag:s17] =	ssyncset.done $0x0  }
0x15b: {  	s22 =	simm.s32 $0x0;
	[sflag:s17] =	ssyncadd.s32 $0xFFFFB000  }
0x15c: {  	v0 =	vld [tilespmem:s22+$0xB7B0]  }
0x15d: {  	v1 =	vld [tilespmem:s22+$0xB400]  }
0x15e: {  	v2 =	vld [tilespmem:s22+$0xB410]  }
0x15f: {  	v3 =	vld [tilespmem:s22+$0xB420]  }
0x160: {  	v4 =	vld [tilespmem:s22+$0xB430]  }
0x161: {  	v5 =	vld [tilespmem:s22+$0xB480];
	[tilespmem:s22+$0x157B0] =	vst v0  }
0x162: {  	[tilespmem:s22+$0x15400] =	vst v1;
	v0 =	vld [tilespmem:s22+$0xB490]  }
0x163: {  	[tilespmem:s22+$0x15410] =	vst v2;
	v1 =	vld [tilespmem:s22+$0xB4A0]  }
0x164: {  	[tilespmem:s22+$0x15420] =	vst v3;
	v2 =	vld [tilespmem:s22+$0xB4B0]  }
0x165: {  	[tilespmem:s22+$0x15430] =	vst v4;
	v3 =	vld [tilespmem:s22+$0xB500]  }
0x166: {  	[tilespmem:s22+$0x15480] =	vst v5;
	v4 =	vld [tilespmem:s22+$0xB510]  }
0x167: {  	v5 =	vld [tilespmem:s22+$0xB710];
	[tilespmem:s22+$0x15490] =	vst v0  }
0x168: {  	v0 =	vld [tilespmem:s22+$0xB520];
	[tilespmem:s22+$0x154A0] =	vst v1  }
0x169: {  	v1 =	vld [tilespmem:s22+$0xB530];
	[tilespmem:s22+$0x154B0] =	vst v2  }
0x16a: {  	v2 =	vld [tilespmem:s22+$0xB580];
	[tilespmem:s22+$0x15500] =	vst v3  }
0x16b: {  	v3 =	vld [tilespmem:s22+$0xB590];
	[tilespmem:s22+$0x15510] =	vst v4  }
0x16c: {  	v4 =	vld [tilespmem:s22+$0xB5A0];
	[tilespmem:s22+$0x15710] =	vst v5  }
0x16d: {  	[tilespmem:s22+$0x15520] =	vst v0;
	v0 =	vld [tilespmem:s22+$0xB5B0]  }
0x16e: {  	[tilespmem:s22+$0x15530] =	vst v1;
	v1 =	vld [tilespmem:s22+$0xB600]  }
0x16f: {  	[tilespmem:s22+$0x15580] =	vst v2;
	v2 =	vld [tilespmem:s22+$0xB610]  }
0x170: {  	[tilespmem:s22+$0x15590] =	vst v3;
	v3 =	vld [tilespmem:s22+$0xB620]  }
0x171: {  	[tilespmem:s22+$0x155A0] =	vst v4;
	v4 =	vld [tilespmem:s22+$0xB630]  }
0x172: {  	[tilespmem:s22+$0x155B0] =	vst v0;
	v0 =	vld [tilespmem:s22+$0xB680]  }
0x173: {  	[tilespmem:s22+$0x15600] =	vst v1;
	v1 =	vld [tilespmem:s22+$0xB690]  }
0x174: {  	[tilespmem:s22+$0x15610] =	vst v2;
	v2 =	vld [tilespmem:s22+$0xB6A0]  }
0x175: {  	[tilespmem:s22+$0x15620] =	vst v3;
	v3 =	vld [tilespmem:s22+$0xB6B0]  }
0x176: {  	[tilespmem:s22+$0x15630] =	vst v4;
	v4 =	vld [tilespmem:s22+$0xB700]  }
0x177: {  	[tilespmem:s22+$0x15680] =	vst v0;
	v0 =	vld [tilespmem:s22+$0xB720]  }
0x178: {  	[tilespmem:s22+$0x15690] =	vst v1;
	v1 =	vld [tilespmem:s22+$0xB730]  }
0x179: {  	[tilespmem:s22+$0x156A0] =	vst v2;
	v2 =	vld [tilespmem:s22+$0xB780]  }
0x17a: {  	[tilespmem:s22+$0x156B0] =	vst v3;
	v3 =	vld [tilespmem:s22+$0xB790]  }
0x17b: {  	s23 =	simm.s32 $0x2000;
	s24 =	simm.s32 $0x400;
	[tilespmem:s22+$0x15700] =	vst v4;
	v4 =	vld [tilespmem:s22+$0xB7A0]  }
.LBB2_10:
0x17c: {  	p0 =	sne.s32 s23, $0x13000;
	v5 =	vld [tilespmem:s24+$0xB7B0];
	[tilespmem:s22+$0x15720] =	vst v0  }
0x17d: {  	v0 =	vld [tilespmem:s24+$0xB400];
	[tilespmem:s22+$0x15730] =	vst v1  }
0x17e: {  	v1 =	vld [tilespmem:s24+$0xB410];
	[tilespmem:s22+$0x15780] =	vst v2  }
0x17f: {  	v2 =	vld [tilespmem:s24+$0xB420];
	[tilespmem:s22+$0x15790] =	vst v3  }
0x180: {  	v3 =	vld [tilespmem:s24+$0xB430];
	[tilespmem:s22+$0x157A0] =	vst v4;
	s22 =	smov.u32 s24  }
0x181: {  	v4 =	vld [tilespmem:s22+$0xB480];
	[tilespmem:s22+$0x157B0] =	vst v5  }
0x182: {  	[tilespmem:s22+$0x15400] =	vst v0;
	v0 =	vld [tilespmem:s22+$0xB490]  }
0x183: {  	[tilespmem:s22+$0x15410] =	vst v1;
	v1 =	vld [tilespmem:s22+$0xB4A0]  }
0x184: {  	[tilespmem:s22+$0x15420] =	vst v2;
	v2 =	vld [tilespmem:s22+$0xB4B0]  }
0x185: {  	[tilespmem:s22+$0x15430] =	vst v3;
	v3 =	vld [tilespmem:s22+$0xB500]  }
0x186: {  	[tilespmem:s22+$0x15480] =	vst v4;
	v4 =	vld [tilespmem:s22+$0xB510]  }
0x187: {  	[tilespmem:s22+$0x15490] =	vst v0;
	v0 =	vld [tilespmem:s22+$0xB520]  }
0x188: {  	[tilespmem:s22+$0x154A0] =	vst v1;
	v1 =	vld [tilespmem:s22+$0xB530]  }
0x189: {  	[tilespmem:s22+$0x154B0] =	vst v2;
	v2 =	vld [tilespmem:s22+$0xB580]  }
0x18a: {  	[tilespmem:s22+$0x15500] =	vst v3;
	v3 =	vld [tilespmem:s22+$0xB590]  }
0x18b: {  	[tilespmem:s22+$0x15510] =	vst v4;
	v4 =	vld [tilespmem:s22+$0xB5A0]  }
0x18c: {  	[tilespmem:s22+$0x15520] =	vst v0;
	v0 =	vld [tilespmem:s22+$0xB5B0]  }
0x18d: {  	[tilespmem:s22+$0x15530] =	vst v1;
	v1 =	vld [tilespmem:s22+$0xB600]  }
0x18e: {  	[tilespmem:s22+$0x15580] =	vst v2;
	v2 =	vld [tilespmem:s22+$0xB610]  }
0x18f: {  	[tilespmem:s22+$0x15590] =	vst v3;
	v3 =	vld [tilespmem:s22+$0xB620]  }
0x190: {  	[tilespmem:s22+$0x155A0] =	vst v4;
	v4 =	vld [tilespmem:s22+$0xB630]  }
0x191: {  	[tilespmem:s22+$0x155B0] =	vst v0;
	v0 =	vld [tilespmem:s22+$0xB680]  }
0x192: {  	[tilespmem:s22+$0x15600] =	vst v1;
	v1 =	vld [tilespmem:s22+$0xB690]  }
0x193: {  	[tilespmem:s22+$0x15610] =	vst v2;
	v2 =	vld [tilespmem:s22+$0xB6A0]  }
0x194: {  	[tilespmem:s22+$0x15620] =	vst v3;
	v3 =	vld [tilespmem:s22+$0xB6B0]  }
0x195: {  	[tilespmem:s22+$0x15630] =	vst v4;
	v4 =	vld [tilespmem:s22+$0xB700]  }
0x196: {  	[tilespmem:s22+$0x15680] =	vst v0;
	v5 =	vld [tilespmem:s22+$0xB710]  }
.Ltmp4:
0x197: {  	[tilespmem:s22+$0x15690] =	vst v1;
	v0 =	vld [tilespmem:s22+$0xB720];
	(pc) =	sbr.rel @p0 .LBB2_10-.Ltmp4, $4  }
0x198: {  	[tilespmem:s22+$0x156A0] =	vst v2;
	v1 =	vld [tilespmem:s22+$0xB730]  }
0x199: {  	[tilespmem:s22+$0x156B0] =	vst v3;
	v2 =	vld [tilespmem:s22+$0xB780]  }
0x19a: {  	[tilespmem:s22+$0x15700] =	vst v4;
	v3 =	vld [tilespmem:s22+$0xB790]  }
0x19b: {  	s24 =	sshra.s32 s23, $0x2;
	s23 =	sadd.s32 $0x1000, s23;
	[tilespmem:s22+$0x15710] =	vst v5;
	v4 =	vld [tilespmem:s22+$0xB7A0]  }
0x19c: {  	v5 =	vld [tilespmem:s24+$0xB7B0];
	[tilespmem:s22+$0x15720] =	vst v0  }
0x19d: {  	v0 =	vld [tilespmem:s24+$0xB400];
	[tilespmem:s22+$0x15730] =	vst v1  }
0x19e: {  	v1 =	vld [tilespmem:s24+$0xB410];
	[tilespmem:s22+$0x15780] =	vst v2  }
0x19f: {  	v2 =	vld [tilespmem:s24+$0xB420];
	[tilespmem:s22+$0x15790] =	vst v3  }
0x1a0: {  	v3 =	vld [tilespmem:s24+$0xB430];
	[tilespmem:s22+$0x157A0] =	vst v4  }
0x1a1: {  	v4 =	vld [tilespmem:s24+$0xB480];
	[tilespmem:s24+$0x157B0] =	vst v5  }
0x1a2: {  	v38 =	vld [tilespmem:s24+$0xB490];
	[tilespmem:s24+$0x15400] =	vst v0  }
0x1a3: {  	v39 =	vld [tilespmem:s24+$0xB4A0];
	[tilespmem:s24+$0x15410] =	vst v1  }
0x1a4: {  	v40 =	vld [tilespmem:s24+$0xB4B0];
	[tilespmem:s24+$0x15420] =	vst v2  }
0x1a5: {  	v41 =	vld [tilespmem:s24+$0xB500];
	[tilespmem:s24+$0x15430] =	vst v3  }
0x1a6: {  	v42 =	vld [tilespmem:s24+$0xB510];
	[tilespmem:s24+$0x15480] =	vst v4  }
0x1a7: {  	v43 =	vld [tilespmem:s24+$0xB520];
	[tilespmem:s24+$0x15490] =	vst v38  }
0x1a8: {  	v44 =	vld [tilespmem:s24+$0xB530];
	[tilespmem:s24+$0x154A0] =	vst v39  }
0x1a9: {  	v45 =	vld [tilespmem:s24+$0xB580];
	[tilespmem:s24+$0x154B0] =	vst v40  }
0x1aa: {  	v46 =	vld [tilespmem:s24+$0xB590];
	[tilespmem:s24+$0x15500] =	vst v41  }
0x1ab: {  	v47 =	vld [tilespmem:s24+$0xB5A0];
	[tilespmem:s24+$0x15510] =	vst v42  }
0x1ac: {  	v48 =	vld [tilespmem:s24+$0xB5B0];
	[tilespmem:s24+$0x15520] =	vst v43  }
0x1ad: {  	v49 =	vld [tilespmem:s24+$0xB600];
	[tilespmem:s24+$0x15530] =	vst v44  }
0x1ae: {  	v50 =	vld [tilespmem:s24+$0xB610];
	[tilespmem:s24+$0x15580] =	vst v45  }
0x1af: {  	v51 =	vld [tilespmem:s24+$0xB620];
	[tilespmem:s24+$0x15590] =	vst v46  }
0x1b0: {  	v52 =	vld [tilespmem:s24+$0xB630];
	[tilespmem:s24+$0x155A0] =	vst v47  }
0x1b1: {  	v53 =	vld [tilespmem:s24+$0xB680];
	[tilespmem:s24+$0x155B0] =	vst v48  }
0x1b2: {  	v54 =	vld [tilespmem:s24+$0xB690];
	[tilespmem:s24+$0x15600] =	vst v49  }
0x1b3: {  	v55 =	vld [tilespmem:s24+$0xB6A0];
	[tilespmem:s24+$0x15610] =	vst v50  }
0x1b4: {  	v56 =	vld [tilespmem:s24+$0xB6B0];
	[tilespmem:s24+$0x15620] =	vst v51  }
0x1b5: {  	v57 =	vld [tilespmem:s24+$0xB700];
	[tilespmem:s24+$0x15630] =	vst v52  }
0x1b6: {  	v58 =	vld [tilespmem:s24+$0xB710];
	[tilespmem:s24+$0x15680] =	vst v53  }
0x1b7: {  	v59 =	vld [tilespmem:s24+$0xB720];
	[tilespmem:s24+$0x15690] =	vst v54  }
0x1b8: {  	v60 =	vld [tilespmem:s24+$0xB730];
	[tilespmem:s24+$0x156A0] =	vst v55  }
0x1b9: {  	v61 =	vld [tilespmem:s24+$0xB780];
	[tilespmem:s24+$0x156B0] =	vst v56  }
0x1ba: {  	v62 =	vld [tilespmem:s24+$0xB790];
	[tilespmem:s24+$0x15700] =	vst v57  }
0x1bb: {  	v63 =	vld [tilespmem:s24+$0xB7A0];
	[tilespmem:s24+$0x15710] =	vst v58  }
0x1bc: {  	[tilespmem:s24+$0x15720] =	vst v59  }
0x1bd: {  	[tilespmem:s24+$0x15730] =	vst v60  }
0x1be: {  	[tilespmem:s24+$0x15780] =	vst v61  }
0x1bf: {  	[tilespmem:s24+$0x15790] =	vst v62  }
0x1c0: {  	s21 =	sadd.s32 $0x1, s21;
	[tilespmem:s24+$0x157A0] =	vst v63  }
0x1c1: {  	[hbm4b:s9+s2] =	stream.linear.scatter [tilespmem:s18], [sflag:$0x4], $0x5000, $0x38;
	[tilespmem:$0x1A400] =	vst v63  }
0x1c2: {  	p0 =	sne.s32 s21, s10;
	_ =	swait.ge [sflag:s19], $0x5000  }
.Ltmp5:
0x1c3: {  	[sflag:s19] =	ssyncset.done $0x0;
	(pc) =	sbr.rel @p0 .LBB2_1-.Ltmp5, $4  }
0x1c4: {  	[sflag:s19] =	ssyncadd.s32 $0xFFFFB000  }
0x1c5: {  	_ =	swait.ge [sflag:s20], $0x5000  }
0x1c6: {  	[sflag:s20] =	ssyncset.done $0x0  }
0x1c7: {  	[sflag:s20] =	ssyncadd.s32 $0xFFFFB000  }
0x1c8: {  	_ =	sfence.sel $0x180000  }
0x1c9: {  	[bflag:$0x0] =	sbarrier.arrive $0xFFFF  }
0x1ca: {  	p0 =	sne.s32 s0, $0x0;
	_ =	strace $0x90000047  }
0x1cb: {  	s0 =	sadd.s32 @!p0 $0x100000, s1;
	[bflag:$0x2] =	sbarrier.arrive $0xFFFF  }
0x1cc: {  	[sflag:s0] =	ssyncadd.tile.s32 @!p0 $0x1;
	_ =	shalt  }
.Lfunc_end2:
_tile_overlayer_lowered:
.L_overlay_start_2:
0x1cd: {  	(tag) =	ssettag $0x2  }
0x1ce: {  	s0 =	rddreg [dreg:$0x0];
	s2 =	stileid.u32  }
0x1cf: {  	s1 =	rddreg [dreg:$0x1];
	p0 =	sne.s32 s2, $0x0  }
0x1d0: {  	s3 =	rddreg [dreg:$0x2];
	[bflag:$0x3] =	sbarrier.arrive $0xFFFF;
	s2 =	simm.s32 @!p0 $0x1C05  }
0x1d1: {  	[timem:s3], [sflag:s2] =	dma.local @!p0 [hbm:s0], s1  }
0x1d2: {  	s0 =	simm.s32 @!p0 $0x5  }
0x1d3: {  	_ =	swait.ge @!p0 [sflag:s0], s1  }
0x1d4: {  	s1 =	ssub.s32 @!p0 $0x0, s1;
	[sflag:s0] =	ssyncset.done @!p0 $0x0  }
0x1d5: {  	[sflag:s0] =	ssyncadd.s32 @!p0 s1  }
0x1d6: {  	[bflag:$0x3] =	sbarrier.arrive $0xFFFF  }
0x1d7: {  	_ =	shalt  }

// kernel: sparse-core-data-format-call.cloned.1.call-start
scs
called_computation_lowered:
.L_overlay_start_0:
0x0: {  	s2 =	sld [smem:$0x3FD9]  }
0x1: {  	s3 =	sld [smem:$0x3FFE];
	_ =	sdelay $0x1  }
0x2: {  	s1 =	srdreg.scid  }
0x3: {  	s0 =	sand.u32 $0x1, s1  }
0x4: {  	s18 =	sshll.u32 s0, $0xA;
	s2 =	sadd.s32 s3, s2  }
0x5: {  	s2 =	sadd.s32 s2, s18  }
0x6: {  	[smem:$0x3FC6] =	sst s2  }
0x7: {  	_ = 	snop  }
0x8: {  	s2 =	sld [smem:$0x3FD0];
	(tm) =	ssettm $0x1  }
0x9: {  	s19 =	sld [smem:$0x3FFB];
	_ =	sdelay $0x3  }
0xa: {  	_ =	strace s19  }
0xb: {  	s3 =	sld [smem:$0x3FFC];
	_ =	sdelay $0x3  }
0xc: {  	_ =	strace s3  }
0xd: {  	s3 =	sld [smem:$0x3FFD];
	_ =	sdelay $0x3  }
0xe: {  	_ =	strace s3  }
0xf: {  	_ =	strace $0x8FFFFFFF  }
0x10: {  	s20 =	sld [smem:$0x3FDB];
	_ =	sdelay $0x1  }
0x11: {  	s4 =	simm.s32 $_scs_section_size  }
0x12: {  	s5 =	simm.s32 $_size__tile_overlayer_lowered;
	s6 =	simm.s32 $_tile_overlayer_lowered  }
0x13: {  	s23 =	simm.s32 $0x1BFF;
	s22 =	sshll.u32 s6, $0x1;
	s3 =	sadd.s32 s4, s20  }
0x14: {  	s7 =	simm.s32 $0x0;
	s21 =	sshll.u32 s5, $0x1;
	s5 =	sadd.s32 s22, s3  }
0x15: {  	[timem:s7], [sflag:s23] =	dma.local [hbm:s5], s21  }
0x16: {  	_ =	swait.ge [sflag:s23], s21  }
0x17: {  	s4 =	ssub.s32 $0x0, s21;
	[sflag:s23] =	ssyncset.done $0x0  }
0x18: {  	[sflag:s23] =	ssyncadd.s32 s4;
	_ =	sdelay $0x1  }
0x19: {  	s24 =	simm.s32 $0x1B8B  }
0x1a: {  	_ =	swait.ge [sflag:s24], $0x1  }
0x1b: {  	[sflag:s24] =	ssyncset.done $0x0  }
0x1c: {  	s26 =	simm.s32 $0x1B8E;
	s25 =	sld [smem:$0x3FFE];
	[sflag:s24] =	ssyncadd.s32 $0xFFFFFFFF  }
0x1d: {  	s27 =	simm.s32 $execute0_lowered;
	[smem:$0x3FD2] =	sst s26  }
0x1e: {  	s5 =	sshll.u32 s27, $0x1;
	_ =	strace $0x80000049;
	[dreg:$0x1] =	wrdreg $0xFFFFFFFF  }
0x1f: {  	s28 =	simm.s32 $_size_execute0_lowered;
	s3 =	sadd.s32 s3, s5;
	[dreg:$0x0] =	wrdreg $0x0  }
0x20: {  	s5 =	sshll.u32 s28, $0x1;
	[dreg:$0x2] =	wrdreg s3  }
0x21: {  	[dreg:$0x3] =	wrdreg s5  }
0x22: {  	[dreg:$0x4] =	wrdreg $0xC0  }
0x23: {  	_ =	task [dreg:s7], $0x5FFFF  }
0x24: {  	[dreg:$0x1] =	wrdreg $0xFFFFFFFF  }
0x25: {  	[dreg:$0x0] =	wrdreg $0x60  }
0x26: {  	[dreg:$0x2] =	wrdreg s25  }
0x27: {  	[dreg:$0x3] =	wrdreg s2  }
0x28: {  	[dreg:$0x4] =	wrdreg $0x9  }
0x29: {  	_ =	task.clear_ibuf [dreg:s7], $0x5FFFF;
	_ =	strace $0x90000049  }
0x2a: {  	s29 =	simm.s32 $0x9;
	_ =	strace $0x8000004B  }
0x2b: {  	_ =	swait.ge [sflag:s29], $0x1  }
0x2c: {  	[sflag:s29] =	ssyncadd.s32 $0xFFFFFFFF  }
0x2d: {  	_ =	strace $0x9000004B  }
0x2e: {  	_ =	sfence  }
0x2f: {  	s30 =	sld [smem:$0x0];
	_ =	sdelay $0x2  }
0x30: {  	s31 =	sshll.u32 s1, $0xD;
	s1 =	sshrl.u32 s1, $0x2  }
0x31: {  	s3 =	sand.u32 $0x4000, s31;
	s1 =	sadd.s32 s1, s30  }
0x32: {  	s0 =	sor.u32 s3, s0;
	s1 =	sshll.u32 s1, $0x11  }
0x33: {  	s0 =	sor.u32 s1, s0  }
0x34: {  	s0 =	sadd.s32 $0x8F2B, s0  }
0x35: {  	[sflag:s0] =	ssyncadd.remote.s32 $0x1  }
0x36: {  	_ =	sfence.sel $0xFFFF  }
0x37: {  	[dreg:$0x0] =	wrdreg $0xFFFFFFFF;
	(pc) =	sbr.abs _section_cstart, $3  }
0x38: {  	[dreg:$0x1] =	wrdreg $0xFFFFFFFF  }
0x39: {  	_ =	task.clear_ibuf [dreg:s7], $0x2FFFF;
	_ =	strace $0x9FFFFFFF  }
0x3a: {  	(tm) =	ssettm $0x7FFFFFFF  }
0x3b: {  	_ =	shalt  }
tec
execute0_lowered:
.L_overlay_start_1:
0x0: {  	(tag) =	ssettag $0x1  }
0x1: {  	s0 =	srdreg.scid  }
0x2: {  	s1 =	sshll.u32 s0, $0x4  }
0x3: {  	s0 =	stileid.u32;
	s1 =	sand.u32 $0x10, s1  }
0x4: {  	s1 =	sor.u32 s0, s1  }
0x5: {  	s6 =	rddreg [dreg:$0x0];
	s4 =	simm.s32 $0x1;
	s2 =	sshll.u32 s1, $0x7  }
0x6: {  	s7 =	simm.s32 $0x2;
	s12 =	simm.s32 $0x0;
	s1 =	ssub.s32 $0x1000, s2  }
0x7: {  	s8 =	simm.s32 $0x8000;
	s13 =	simm.s32 $0x0;
	s3 =	sand.u32 $0xF80, s1  }
0x8: {  	s9 =	simm.s32 $0x0;
	s5 =	sshrl.u32 s1, $0xC;
	p0 =	sne.s32 s3, $0x0  }
.Ltmp0:
0x9: {  	s1 =	rddreg [dreg:$0x2];
	s4 =	simm.s32 @!p0 $0x0;
	(pc) =	sbr.rel .LBB1_1-.Ltmp0, $4  }
0xa: {  	s11 =	simm.s32 $0x0;
	s3 =	rddreg [dreg:$0x1];
	s5 =	sadd.s32 s4, s5  }
0xb: {  	_ =	strace $0x8000004A;
	s4 =	simm.s32 $0x1;
	s5 =	smul.u32 $0xC8, s5  }
0xc: {  	s6 =	sadd.s32 $0xA00, s6;
	s10 =	smov.u32 s2;
	[sflag:s4] =	ssyncpa.u1 $0x0  }
0xd: {  	p0 =	por $0x0, $0x0;
	[sflag:s7] =	ssyncpa.u1 $0x0;
	s7 =	sor.u32 $0x1, s5  }
.LBB1_4:
0xe: {  	s16 =	sshll.u32 s13, $0x3;
	s17 =	sand.u32 $0x78, s13  }
0xf: {  	s30 =	sand.u32 $0x7E00, s13;
	s12 =	sshll.u32 s12, $0xF;
	s16 =	sand.u32 $0xC00, s16  }
0x10: {  	[tilespmem:s15+$0x810 ss:$0x81] =	vst.msk $0xffff, v2;
	s31 =	sand.u32 $0x7, s13;
	s16 =	sor.u32 s17, s16;
	s17 =	sadd.s32 s3, s30  }
0x11: {  	[tilespmem:s15+$0x1020 ss:$0x81] =	vst.msk $0xffff, v0;
	s13 =	sshll.u32 s31, $0x12;
	s12 =	sadd.s32 s12, s17;
	s16 =	sshrl.u32 s16, $0x3  }
0x12: {  	[tilespmem:s15+$0x0 ss:$0x81] =	vst.msk $0xffff, v1;
	s13 =	sor.u32 $0x400, s13;
	s12 =	sadd.s32 s16, s12  }
0x13: {  	[hbm4b:s12+s13] =	stream.strided.scatter [tilespmem:s14], [sflag:$0x2], $0x2000, s8, s13, $0x20;
	[tilespmem:$0x8080] =	vst v63  }
.LBB1_5:
0x14: {  	s14 =	sadd.s32 $0x1, s9  }
0x15: {  	s12 =	sadd.s32 $0x1000, s10;
	s16 =	smov.u32 s10;
	p2 =	sgt.s32 s14, $0xC7  }
0x16: {  	s16 =	smov.u32 @p2 s12  }
0x17: {  	s14 =	simm.s32 @p2 $0x0;
	p2 =	sgt.s32 s16, $0xFFF  }
0x18: {  	s16 =	smov.u32 @p2 s2;
	p2 =	sne.s32 s11, s7  }
.Ltmp1:
0x19: {  	p1 =	slt.u32 s11, $0x2;
	(pc) =	sbr.rel @!p2 .LBB1_6-.Ltmp1, $4  }
0x1a: {  	s15 =	simm.s32 @!p1 $0x2  }
0x1b: {  	s13 =	smov.u32 s10;
	p0 =	por !p0, !p0;
	_ =	swait.ge @!p1 [sflag:s15], $0x2000  }
0x1c: {  	s12 =	smov.u32 s9;
	[sflag:s15] =	ssyncset.done @!p1 $0x0;
	s9 =	smov.u32 s14  }
0x1d: {  	s11 =	sadd.s32 $0x1, s11;
	[sflag:s15] =	ssyncadd.s32 @!p1 $0xFFFFE000;
	s10 =	smov.u32 s16  }
.LBB1_1:
0x1e: {  	p1 =	sge.u32 s11, s5  }
0x1f: {  	s14 =	sand.u32 @!p1 $0x1FFFFFF, s9  }
0x20: {  	s15 =	smulhi.u32 @!p1 $0x147AE15, s14;
	_ =	sdelay $0x1  }
0x21: {  	s15 =	smul.u32 @!p1 $0xC8, s15  }
0x22: {  	s16 =	sxor.u32 @!p1 $0xFFFFFFFF, s11;
	s17 =	smul.u32 @!p1 $0xC80, s10  }
0x23: {  	s31 =	sadd.s32 $0xFFFFFFFF, s11;
	s16 =	sshll.u32 @!p1 s16, $0xD;
	s14 =	ssub.s32 @!p1 s14, s15  }
0x24: {  	s15 =	sand.u32 @!p1 $0x2000, s16;
	s16 =	sadd.s32 @!p1 s6, s17;
	s14 =	sshll.u32 @!p1 s14, $0x4  }
0x25: {  	s17 =	simm.s32 @!p1 $0x6400;
	s14 =	sadd.s32 @!p1 s14, s16;
	s16 =	simm.s32 @!p1 $0x40  }
0x26: {  	[tilespmem:s15], [sflag:$0x1] =	stream.strided.gather @!p1 [hbm4b:s14+s16], $0x2000, s17, s16, $0x38;
	[tilespmem:$0x8080] =	vst v63  }
0x27: {  	p1 =	sge.u32 s31, s5  }
.Ltmp2:
0x28: {  	_ = 	snop;
	(pc) =	sbr.rel @p1 .LBB1_5-.Ltmp2, $1  }
0x29: {  	_ =	sdelay $0x3  }
0x2a: {  	s14 =	simm.s32 $0x1  }
0x2b: {  	_ =	swait.ge [sflag:s4], $0x2000;
	s14 =	simm.s32 @!p0 $0x0  }
0x2c: {  	[sflag:s4] =	ssyncset.done $0x0;
	s15 =	sshll.u32 s14, $0xD  }
0x2d: {  	[sflag:s4] =	ssyncadd.s32 $0xFFFFE000;
	s18 =	sor.u32 $0x20, s15  }
0x2e: {  	s14 =	smul.u32 $0x8100, s14;
	v3 =	vld [tilespmem:s18+$0x10]  }
0x2f: {  	s30 =	sand.u32 $0x1, s11;
	v2 =	vld [tilespmem:s18+$0xFFFFFFF0]  }
0x30: {  	s15 =	smul.u32 $0x8100, s30;
	s14 =	sshrl.u32 s14, $0x2;
	v0 =	vld [tilespmem:s18+$0x0]  }
0x31: {  	v1 =	vld [tilespmem:s18+$0xFFFFFFE0];
	s16 =	sor.u32 $0x4000, s14  }
0x32: {  	s31 =	sshrl.u32 s15, $0x2;
	s15 =	sadd.s32 $0x0, s16  }
0x33: {  	s17 =	simm.s32 $0x4;
	s18 =	sadd.s32 $0x40, s18;
	s14 =	sor.u32 $0x4000, s31;
	[tilespmem:s15+$0x1830 ss:$0x81] =	vst.msk $0xffff, v3  }
.LBB1_3:
0x34: {  	v3 =	vld [tilespmem:s18+$0x10];
	p1 =	sne.s32 s17, $0x1FC;
	[tilespmem:s15+$0x810 ss:$0x81] =	vst.msk $0xffff, v2;
	s19 =	smov.u32 s17;
	s17 =	sadd.s32 $0x4, s17  }
.Ltmp3:
0x35: {  	v2 =	vld [tilespmem:s18+$0xFFFFFFF0];
	[tilespmem:s15+$0x1020 ss:$0x81] =	vst.msk $0xffff, v0;
	(pc) =	sbr.rel @p1 .LBB1_3-.Ltmp3, $4  }
0x36: {  	v0 =	vld [tilespmem:s18+$0x0];
	[tilespmem:s15+$0x0 ss:$0x81] =	vst.msk $0xffff, v1  }
0x37: {  	s15 =	sshra.s32 s19, $0x2;
	v1 =	vld [tilespmem:s18+$0xFFFFFFE0]  }
0x38: {  	s15 =	sadd.s32 s15, s16  }
0x39: {  	s18 =	sadd.s32 $0x40, s18;
	[tilespmem:s15+$0x1830 ss:$0x81] =	vst.msk $0xffff, v3  }
.Ltmp4:
0x3a: {  	_ = 	snop;
	(pc) =	sbr.rel .LBB1_4-.Ltmp4, $1  }
0x3b: {  	_ =	sdelay $0x3  }
.LBB1_6:
0x3c: {  	_ =	sfence.sel $0x180000  }
0x3d: {  	s2 =	simm.s32 $0x1;
	[bflag:$0x0] =	sbarrier.arrive $0xFFFF  }
0x3e: {  	s31 =	simm.s32 $0x2;
	[sflag:s2] =	ssyncpa.u1 $0x1  }
0x3f: {  	[sflag:s31] =	ssyncpa.u1 $0x1  }
0x40: {  	p0 =	sne.s32 s0, $0x0;
	_ =	strace $0x9000004A  }
0x41: {  	s0 =	sadd.s32 @!p0 $0x100000, s1;
	[bflag:$0x2] =	sbarrier.arrive $0xFFFF  }
0x42: {  	[sflag:s0] =	ssyncadd.tile.s32 @!p0 $0x1;
	_ =	shalt  }
.Lfunc_end1:
_tile_overlayer_lowered:
.L_overlay_start_2:
0x43: {  	(tag) =	ssettag $0x2  }
0x44: {  	s0 =	rddreg [dreg:$0x0];
	s2 =	stileid.u32  }
0x45: {  	s1 =	rddreg [dreg:$0x1];
	p0 =	sne.s32 s2, $0x0  }
0x46: {  	s3 =	rddreg [dreg:$0x2];
	[bflag:$0x3] =	sbarrier.arrive $0xFFFF;
	s2 =	simm.s32 @!p0 $0x1C01  }
0x47: {  	[timem:s3], [sflag:s2] =	dma.local @!p0 [hbm:s0], s1  }
0x48: {  	s0 =	simm.s32 @!p0 $0x1  }
0x49: {  	_ =	swait.ge @!p0 [sflag:s0], s1  }
0x4a: {  	s1 =	ssub.s32 @!p0 $0x0, s1;
	[sflag:s0] =	ssyncset.done @!p0 $0x0  }
0x4b: {  	[sflag:s0] =	ssyncadd.s32 @!p0 s1  }
0x4c: {  	[bflag:$0x3] =	sbarrier.arrive $0xFFFF  }
0x4d: {  	_ =	shalt  }

</sc_bundles>
